<compile_context>
chip_gen: v7x
topology: tpu7x:2x2x1
jax: 0.10.2.dev20260603
libtpu: 0.0.44.dev20260713+nightly
codegen_flags: <defaults>
</compile_context>

<pallas_src>
import functools

import jax
import jax.numpy as jnp
from jax import lax
from jax.experimental import pallas as pl
from jax.experimental.pallas import tpu as pltpu
from jax.experimental.pallas import tpu_sc as plsc

_N = 10000
_D = 128
_E = 320000
_NC = 2
_NS = 16
_NW = _NC * _NS
_EPW = _E // _NW
_CHUNK = 80
_NCHUNK = 125
_NP = 10240
_RPT = _NP // _NS

_BLK = 2000

def _unpack_chunk(slab_v, j, src_b, dst_b):
    row = slab_v.at[j]
    for k in range(_CHUNK // 16):
        e = row[pl.ds(16 * k, 16)]
        src_b[pl.ds(16 * k, 16)] = e & 0xFFFF
        dst_b[pl.ds(16 * k, 16)] = lax.shift_right_logical(e, 16)


def _agg_body(h_hbm, eidx_hbm, zero_hbm, out_hbm,
              slab_v, src_a, dst_a, src_b, dst_b, src_c, dst_c,
              rows_a, rows_b, rows_c, acc_sh, sem_a, sem_b, sem_c):
    c = lax.axis_index("c")
    s = lax.axis_index("s")
    wid = c * _NS + s
    pltpu.async_copy(zero_hbm, acc_sh.at[pl.ds(s * _RPT, _RPT)], sem_a)
    pltpu.async_copy(eidx_hbm.at[wid], slab_v, sem_b)
    pltpu.make_async_copy(zero_hbm, acc_sh.at[pl.ds(s * _RPT, _RPT)],
                          sem_a).wait()
    pltpu.make_async_copy(eidx_hbm.at[wid], slab_v, sem_b).wait()
    plsc.subcore_barrier()

    _unpack_chunk(slab_v, 0, src_a, dst_a)
    pltpu.async_copy(h_hbm.at[src_a], rows_a, sem_a)
    _unpack_chunk(slab_v, 1, src_b, dst_b)
    pltpu.async_copy(h_hbm.at[src_b], rows_b, sem_b)
    _unpack_chunk(slab_v, 2, src_c, dst_c)

    def body(t, carry):
        j = 3 * t
        pltpu.async_copy(h_hbm.at[src_c], rows_c, sem_c)
        pltpu.make_async_copy(h_hbm.at[src_a], rows_a, sem_a).wait()
        pltpu.sync_copy(rows_a, acc_sh.at[dst_a], add=True)
        _unpack_chunk(slab_v, jnp.minimum(j + 3, _NCHUNK - 1), src_a, dst_a)
        pltpu.async_copy(h_hbm.at[src_a], rows_a, sem_a)
        pltpu.make_async_copy(h_hbm.at[src_b], rows_b, sem_b).wait()
        pltpu.sync_copy(rows_b, acc_sh.at[dst_b], add=True)
        _unpack_chunk(slab_v, jnp.minimum(j + 4, _NCHUNK - 1), src_b, dst_b)
        pltpu.async_copy(h_hbm.at[src_b], rows_b, sem_b)
        pltpu.make_async_copy(h_hbm.at[src_c], rows_c, sem_c).wait()
        pltpu.sync_copy(rows_c, acc_sh.at[dst_c], add=True)
        _unpack_chunk(slab_v, jnp.minimum(j + 5, _NCHUNK - 1), src_c, dst_c)
        return carry

    lax.fori_loop(0, (_NCHUNK - 2) // 3, body, 0)
    pltpu.make_async_copy(h_hbm.at[src_a], rows_a, sem_a).wait()
    pltpu.sync_copy(rows_a, acc_sh.at[dst_a], add=True)
    pltpu.make_async_copy(h_hbm.at[src_b], rows_b, sem_b).wait()
    pltpu.sync_copy(rows_b, acc_sh.at[dst_b], add=True)
    plsc.subcore_barrier()
    pltpu.sync_copy(acc_sh.at[pl.ds(s * _RPT, _RPT)],
                    out_hbm.at[c, pl.ds(s * _RPT, _RPT)])


@functools.lru_cache(maxsize=None)
def _agg_sc_kernel():
    mesh = plsc.VectorSubcoreMesh(core_axis_name="c", subcore_axis_name="s",
                                  num_cores=_NC, num_subcores=_NS)
    return pl.kernel(
        _agg_body,
        out_type=jax.ShapeDtypeStruct((_NC, _NP, _D), jnp.float32),
        mesh=mesh,
        scratch_types=[
            pltpu.VMEM((_NCHUNK, _CHUNK), jnp.int32),
            pltpu.VMEM((_CHUNK,), jnp.int32),
            pltpu.VMEM((_CHUNK,), jnp.int32),
            pltpu.VMEM((_CHUNK,), jnp.int32),
            pltpu.VMEM((_CHUNK,), jnp.int32),
            pltpu.VMEM((_CHUNK,), jnp.int32),
            pltpu.VMEM((_CHUNK,), jnp.int32),
            pltpu.VMEM((_CHUNK, _D), jnp.float32),
            pltpu.VMEM((_CHUNK, _D), jnp.float32),
            pltpu.VMEM((_CHUNK, _D), jnp.float32),
            pltpu.VMEM_SHARED((_NP, _D), jnp.float32),
            pltpu.SemaphoreType.DMA,
            pltpu.SemaphoreType.DMA,
            pltpu.SemaphoreType.DMA,
        ],
    )


def _full(shape):
    return pl.BlockSpec(shape, lambda i: (0,) * len(shape))


def _rows(shape):
    return pl.BlockSpec(shape, lambda i: (i,) + (0,) * (len(shape) - 1))


def _dot(a, b):
    return jnp.dot(a, b, preferred_element_type=jnp.float32)


def _pre_body(x_ref, wa_ref, ba_ref, wb_ref, o_ref):
    h0 = _dot(x_ref[...], wa_ref[...]) + ba_ref[...]
    o_ref[...] = _dot(h0, wb_ref[...])


def _pre_tc(x, wpre_t, b_pre, w1_t):
    return pl.pallas_call(
        _pre_body,
        grid=(_N // _BLK,),
        in_specs=[_rows((_BLK, _D)), _full((_D, _D)), _full((1, _D)),
                  _full((_D, _D))],
        out_specs=_rows((_BLK, _D)),
        out_shape=jax.ShapeDtypeStruct((_N, _D), jnp.float32),
    )(x, wpre_t, b_pre, w1_t)


def _parts_spec():
    return pl.BlockSpec((_NC, _BLK, _D), lambda i: (0, i, 0))


def _mid_body(p_ref, a_ref, b_ref, w_ref, o_ref):
    h = jnp.maximum(p_ref[...] + a_ref[0] + a_ref[1] + b_ref[...], 0.0)
    o_ref[...] = _dot(h, w_ref[...])


def _mid_tc(p, parts, b1, w2_t):
    return pl.pallas_call(
        _mid_body,
        grid=(_N // _BLK,),
        in_specs=[_rows((_BLK, _D)), _parts_spec(), _full((1, _D)),
                  _full((_D, _D))],
        out_specs=_rows((_BLK, _D)),
        out_shape=jax.ShapeDtypeStruct((_N, _D), jnp.float32),
    )(p, parts, b1, w2_t)


def _out_body(q_ref, a_ref, b_ref, o_ref):
    o_ref[...] = q_ref[...] + a_ref[0] + a_ref[1] + b_ref[...]


def _out_tc(q, parts, b2):
    return pl.pallas_call(
        _out_body,
        grid=(_N // _BLK,),
        in_specs=[_rows((_BLK, _D)), _parts_spec(), _full((1, _D))],
        out_specs=_rows((_BLK, _D)),
        out_shape=jax.ShapeDtypeStruct((_N, _D), jnp.float32),
    )(q, parts, b2)


def kernel(x, edge_index, W_pre, b_pre, W1, b1, W2, b2):
    src = edge_index[0].reshape(_NW, _NCHUNK, _CHUNK)
    dst = edge_index[1].reshape(_NW, _NCHUNK, _CHUNK)
    eidx = src | (dst << 16)
    zeros = jnp.zeros((_RPT, _D), jnp.float32)

    p = _pre_tc(x, W_pre.T, b_pre.reshape(1, _D), W1.T)
    agg = _agg_sc_kernel()
    parts = agg(p, eidx, zeros)
    q = _mid_tc(p, parts, b1.reshape(1, _D), W2.T)
    parts2 = agg(q, eidx, zeros)
    return _out_tc(q, parts2, b2.reshape(1, _D))

# --- scband reference (transcript-rebuilt; emitter-appended) ---
"""Pipeline reference for scband-tg-gin-7189775253562 (READ-ONLY COPY).

The authoritative reference and input builder live on the scoring server;
editing this copy changes nothing except your own understanding.
"""

import jax, jax.numpy as jnp
import numpy as np

N = 10000
E = 320000
D_IN = 128
D_FEAT = 128
D_HID = 128
D_OUT = 128


def _glorot(key, shape):
    fan_in, fan_out = shape[1], shape[0]
    limit = np.sqrt(6.0 / (fan_in + fan_out)).astype(np.float32)
    return jax.random.uniform(key, shape, dtype=jnp.float32, minval=-limit, maxval=limit)


def setup_inputs(seed: int = 0) -> dict:
    key = jax.random.key(seed)
    ks = jax.random.split(key, 8)
    x = jax.random.normal(ks[0], (N, D_IN), dtype=jnp.float32)
    edge_index = jax.random.randint(ks[1], (2, E), 0, N, dtype=jnp.int32)
    W_pre = _glorot(ks[2], (D_FEAT, D_IN))
    b_pre = jnp.zeros((D_FEAT,), dtype=jnp.float32)
    W1 = _glorot(ks[3], (D_HID, D_FEAT))
    b1 = jnp.zeros((D_HID,), dtype=jnp.float32)
    W2 = _glorot(ks[4], (D_OUT, D_HID))
    b2 = jnp.zeros((D_OUT,), dtype=jnp.float32)
    return {"x": x, "edge_index": edge_index, "W_pre": W_pre, "b_pre": b_pre,
            "W1": W1, "b1": b1, "W2": W2, "b2": b2}


def _gin_conv(h, edge_index, W, b, eps=0.0):
    # PyG GINConv: out = nn((1+eps)*x + sum_{j in N(i)} x_j)
    src = edge_index[0]
    dst = edge_index[1]
    agg = jnp.zeros_like(h).at[dst].add(h[src])
    hh = (1.0 + eps) * h + agg
    return hh @ W.T + b


def reference(x, edge_index, W_pre, b_pre, W1, b1, W2, b2):
    # feature_pre: linear_pre
    h = x @ W_pre.T + b_pre
    # conv_first (GINConv with Linear nn)
    h = _gin_conv(h, edge_index, W1, b1)
    h = jax.nn.relu(h)
    # dropout p=0.0 / eval mode -> identity
    # conv_out
    h = _gin_conv(h, edge_index, W2, b2)
    return h

if __name__ == "__main__":
    import jax
    _d = setup_inputs()
    print(jax.jit(kernel)(*tuple(_d.values())))

</pallas_src>

<mosaic_0001>
#map = affine_map<(d0, d1) -> (0, 0)>
#map1 = affine_map<(d0, d1) -> (0, 0, 0)>
module attributes {stable_mosaic.version = 14 : i64} {
  func.func @_agg_body(%arg0: i32, %arg1: i32, %arg2: memref<10000x128xf32, #tpu.memory_space<hbm>>, %arg3: memref<32x125x80xi32, #tpu.memory_space<hbm>>, %arg4: memref<640x128xf32, #tpu.memory_space<hbm>>, %arg5: memref<2x10240x128xf32, #tpu.memory_space<hbm>>, %arg6: memref<125x80xi32, #tpu.memory_space<vmem>>, %arg7: memref<80xi32, #tpu.memory_space<vmem>>, %arg8: memref<80xi32, #tpu.memory_space<vmem>>, %arg9: memref<80xi32, #tpu.memory_space<vmem>>, %arg10: memref<80xi32, #tpu.memory_space<vmem>>, %arg11: memref<80xi32, #tpu.memory_space<vmem>>, %arg12: memref<80xi32, #tpu.memory_space<vmem>>, %arg13: memref<80x128xf32, #tpu.memory_space<vmem>>, %arg14: memref<80x128xf32, #tpu.memory_space<vmem>>, %arg15: memref<80x128xf32, #tpu.memory_space<vmem>>, %arg16: memref<10240x128xf32, #tpu.memory_space<vmem_shared>>, %arg17: memref<!tpu.dma_semaphore, #tpu.memory_space<semaphore_mem>>, %arg18: memref<!tpu.dma_semaphore, #tpu.memory_space<semaphore_mem>>, %arg19: memref<!tpu.dma_semaphore, #tpu.memory_space<semaphore_mem>>) attributes {dimension_semantics = [#tpu.dimension_semantics<core_parallel>, #tpu.dimension_semantics<subcore_parallel>], iteration_bounds = array<i64: 2, 16>, scalar_prefetch = 0 : i64, scratch_operands = 14 : i64, tpu.core_type = #tpu.core_type<sc_vector_subcore>, window_params = [{transform_indices = #map}, {transform_indices = #map1}, {transform_indices = #map}, {transform_indices = #map1}]} {
    %mul3A = arith.constant 16 : i32
    %mul3A_0 = arith.muli %arg0, %mul3A : i32
    %add3A = arith.addi %mul3A_0, %arg1 : i32
    %mul3A_1 = arith.constant 640 : i32
    %mul3A_2 = arith.muli %arg1, %mul3A_1 : i32
    %dma_start3A = arith.constant 0 : i32
    %dma_start3A_3 = tpu.memref_slice %arg16[%mul3A_2, %dma_start3A] : memref<10240x128xf32, #tpu.memory_space<vmem_shared>> -> memref<640x128xf32, #tpu.memory_space<vmem_shared>>
    tpu.enqueue_dma source(%arg4 : memref<640x128xf32, #tpu.memory_space<hbm>>) target(%dma_start3A_3 : memref<640x128xf32, #tpu.memory_space<vmem_shared>>) target_semaphore(%arg17 : memref<!tpu.dma_semaphore, #tpu.memory_space<semaphore_mem>>)
    %dma_start3A_4 = arith.constant 0 : i32
    %dma_start3A_5 = arith.constant 0 : i32
    %dma_start3A_6 = tpu.memref_slice %arg3[%add3A, %dma_start3A_4, %dma_start3A_5] : memref<32x125x80xi32, #tpu.memory_space<hbm>> -> memref<1x125x80xi32, #tpu.memory_space<hbm>>
    %dma_start3A_7 = tpu.memref_squeeze %dma_start3A_6 : memref<1x125x80xi32, #tpu.memory_space<hbm>> -> memref<125x80xi32, #tpu.memory_space<hbm>>
    %dma_start3A_8 = arith.constant 0 : i32
    %dma_start3A_9 = arith.constant 0 : i32
    %dma_start3A_10 = tpu.memref_slice %arg3[%add3A, %dma_start3A_8, %dma_start3A_9] : memref<32x125x80xi32, #tpu.memory_space<hbm>> -> memref<1x125x80xi32, #tpu.memory_space<hbm>>
    %dma_start3A_11 = tpu.memref_squeeze %dma_start3A_10 : memref<1x125x80xi32, #tpu.memory_space<hbm>> -> memref<125x80xi32, #tpu.memory_space<hbm>>
    tpu.enqueue_dma source(%dma_start3A_11 : memref<125x80xi32, #tpu.memory_space<hbm>>) target(%arg6 : memref<125x80xi32, #tpu.memory_space<vmem>>) target_semaphore(%arg18 : memref<!tpu.dma_semaphore, #tpu.memory_space<semaphore_mem>>)
    %mul3A_12 = arith.constant 640 : i32
    %mul3A_13 = arith.muli %arg1, %mul3A_12 : i32
    %dma_wait3A = arith.constant 0 : i32
    %dma_wait3A_14 = tpu.memref_slice %arg16[%mul3A_13, %dma_wait3A] : memref<10240x128xf32, #tpu.memory_space<vmem_shared>> -> memref<640x128xf32, #tpu.memory_space<vmem_shared>>
    tpu.wait_dma2 semaphore(%arg17 : memref<!tpu.dma_semaphore, #tpu.memory_space<semaphore_mem>>) src(%arg4 : memref<640x128xf32, #tpu.memory_space<hbm>>) dst(%dma_wait3A_14 : memref<640x128xf32, #tpu.memory_space<vmem_shared>>)
    %dma_wait3A_15 = arith.constant 0 : i32
    %dma_wait3A_16 = arith.constant 0 : i32
    %dma_wait3A_17 = tpu.memref_slice %arg3[%add3A, %dma_wait3A_15, %dma_wait3A_16] : memref<32x125x80xi32, #tpu.memory_space<hbm>> -> memref<1x125x80xi32, #tpu.memory_space<hbm>>
    %dma_wait3A_18 = tpu.memref_squeeze %dma_wait3A_17 : memref<1x125x80xi32, #tpu.memory_space<hbm>> -> memref<125x80xi32, #tpu.memory_space<hbm>>
    %dma_wait3A_19 = arith.constant 0 : i32
    %dma_wait3A_20 = arith.constant 0 : i32
    %dma_wait3A_21 = tpu.memref_slice %arg3[%add3A, %dma_wait3A_19, %dma_wait3A_20] : memref<32x125x80xi32, #tpu.memory_space<hbm>> -> memref<1x125x80xi32, #tpu.memory_space<hbm>>
    %dma_wait3A_22 = tpu.memref_squeeze %dma_wait3A_21 : memref<1x125x80xi32, #tpu.memory_space<hbm>> -> memref<125x80xi32, #tpu.memory_space<hbm>>
    tpu.wait_dma2 semaphore(%arg18 : memref<!tpu.dma_semaphore, #tpu.memory_space<semaphore_mem>>) src(%dma_wait3A_22 : memref<125x80xi32, #tpu.memory_space<hbm>>) dst(%arg6 : memref<125x80xi32, #tpu.memory_space<vmem>>)
    %barrier3A = arith.constant 0 : index
    tpu.barrier barrier_id(%barrier3A)
    %get3A = arith.constant 0 : i32
    %get3A_23 = arith.constant 0 : i32
    %get3A_24 = tpu.memref_slice %arg6[%get3A, %get3A_23] : memref<125x80xi32, #tpu.memory_space<vmem>> -> memref<1x80xi32, #tpu.memory_space<vmem>>
    %get3A_25 = tpu.memref_squeeze %get3A_24 : memref<1x80xi32, #tpu.memory_space<vmem>> -> memref<80xi32, #tpu.memory_space<vmem>>
    %get3A_26 = arith.constant 0 : index
    %get3A_27 = tpu.vector_load %get3A_25[%get3A_26] {strides = array<i32>} : memref<80xi32, #tpu.memory_space<vmem>>, vector<16xi32>,
    %get3A_28 = vector.shape_cast %get3A_27 : vector<16xi32> to vector<16xi32>
    %and3A = arith.constant 65535 : i32
    %and3A_29 = vector.broadcast %and3A : i32 to vector<16xi32>
    %and3A_30 = arith.andi %get3A_28, %and3A_29 : vector<16xi32>
    %swap3A = arith.constant 0 : index
    %swap3A_31 = tpu.vector_load %arg7[%swap3A] {strides = array<i32>} : memref<80xi32, #tpu.memory_space<vmem>>, vector<16xi32>,
    %swap3A_32 = vector.shape_cast %swap3A_31 : vector<16xi32> to vector<16xi32>
    %swap3A_33 = vector.shape_cast %and3A_30 : vector<16xi32> to vector<16xi32>
    tpu.vector_store %arg7[%swap3A], %swap3A_33 {strides = array<i32>} : memref<80xi32, #tpu.memory_space<vmem>>, vector<16xi32>,
    %shift_right_logical3A = arith.constant 16 : i32
    %shift_right_logical3A_34 = vector.broadcast %shift_right_logical3A : i32 to vector<16xi32>
    %shift_right_logical3A_35 = arith.shrui %get3A_28, %shift_right_logical3A_34 : vector<16xi32>
    %swap3A_36 = arith.constant 0 : index
    %swap3A_37 = tpu.vector_load %arg8[%swap3A_36] {strides = array<i32>} : memref<80xi32, #tpu.memory_space<vmem>>, vector<16xi32>,
    %swap3A_38 = vector.shape_cast %swap3A_37 : vector<16xi32> to vector<16xi32>
    %swap3A_39 = vector.shape_cast %shift_right_logical3A_35 : vector<16xi32> to vector<16xi32>
    tpu.vector_store %arg8[%swap3A_36], %swap3A_39 {strides = array<i32>} : memref<80xi32, #tpu.memory_space<vmem>>, vector<16xi32>,
    %get3A_40 = arith.constant 0 : i32
    %get3A_41 = arith.constant 0 : i32
    %get3A_42 = tpu.memref_slice %arg6[%get3A_40, %get3A_41] : memref<125x80xi32, #tpu.memory_space<vmem>> -> memref<1x80xi32, #tpu.memory_space<vmem>>
    %get3A_43 = tpu.memref_squeeze %get3A_42 : memref<1x80xi32, #tpu.memory_space<vmem>> -> memref<80xi32, #tpu.memory_space<vmem>>
    %get3A_44 = arith.constant 16 : index
    %get3A_45 = tpu.vector_load %get3A_43[%get3A_44] {strides = array<i32>} : memref<80xi32, #tpu.memory_space<vmem>>, vector<16xi32>,
    %get3A_46 = vector.shape_cast %get3A_45 : vector<16xi32> to vector<16xi32>
    %and3A_47 = arith.constant 65535 : i32
    %and3A_48 = vector.broadcast %and3A_47 : i32 to vector<16xi32>
    %and3A_49 = arith.andi %get3A_46, %and3A_48 : vector<16xi32>
    %swap3A_50 = arith.constant 16 : index
    %swap3A_51 = tpu.vector_load %arg7[%swap3A_50] {strides = array<i32>} : memref<80xi32, #tpu.memory_space<vmem>>, vector<16xi32>,
    %swap3A_52 = vector.shape_cast %swap3A_51 : vector<16xi32> to vector<16xi32>
    %swap3A_53 = vector.shape_cast %and3A_49 : vector<16xi32> to vector<16xi32>
    tpu.vector_store %arg7[%swap3A_50], %swap3A_53 {strides = array<i32>} : memref<80xi32, #tpu.memory_space<vmem>>, vector<16xi32>,
    %shift_right_logical3A_54 = arith.constant 16 : i32
    %shift_right_logical3A_55 = vector.broadcast %shift_right_logical3A_54 : i32 to vector<16xi32>
    %shift_right_logical3A_56 = arith.shrui %get3A_46, %shift_right_logical3A_55 : vector<16xi32>
    %swap3A_57 = arith.constant 16 : index
    %swap3A_58 = tpu.vector_load %arg8[%swap3A_57] {strides = array<i32>} : memref<80xi32, #tpu.memory_space<vmem>>, vector<16xi32>,
    %swap3A_59 = vector.shape_cast %swap3A_58 : vector<16xi32> to vector<16xi32>
    %swap3A_60 = vector.shape_cast %shift_right_logical3A_56 : vector<16xi32> to vector<16xi32>
    tpu.vector_store %arg8[%swap3A_57], %swap3A_60 {strides = array<i32>} : memref<80xi32, #tpu.memory_space<vmem>>, vector<16xi32>,
    %get3A_61 = arith.constant 0 : i32
    %get3A_62 = arith.constant 0 : i32
    %get3A_63 = tpu.memref_slice %arg6[%get3A_61, %get3A_62] : memref<125x80xi32, #tpu.memory_space<vmem>> -> memref<1x80xi32, #tpu.memory_space<vmem>>
    %get3A_64 = tpu.memref_squeeze %get3A_63 : memref<1x80xi32, #tpu.memory_space<vmem>> -> memref<80xi32, #tpu.memory_space<vmem>>
    %get3A_65 = arith.constant 32 : index
    %get3A_66 = tpu.vector_load %get3A_64[%get3A_65] {strides = array<i32>} : memref<80xi32, #tpu.memory_space<vmem>>, vector<16xi32>,
    %get3A_67 = vector.shape_cast %get3A_66 : vector<16xi32> to vector<16xi32>
    %and3A_68 = arith.constant 65535 : i32
    %and3A_69 = vector.broadcast %and3A_68 : i32 to vector<16xi32>
    %and3A_70 = arith.andi %get3A_67, %and3A_69 : vector<16xi32>
    %swap3A_71 = arith.constant 32 : index
    %swap3A_72 = tpu.vector_load %arg7[%swap3A_71] {strides = array<i32>} : memref<80xi32, #tpu.memory_space<vmem>>, vector<16xi32>,
    %swap3A_73 = vector.shape_cast %swap3A_72 : vector<16xi32> to vector<16xi32>
    %swap3A_74 = vector.shape_cast %and3A_70 : vector<16xi32> to vector<16xi32>
    tpu.vector_store %arg7[%swap3A_71], %swap3A_74 {strides = array<i32>} : memref<80xi32, #tpu.memory_space<vmem>>, vector<16xi32>,
    %shift_right_logical3A_75 = arith.constant 16 : i32
    %shift_right_logical3A_76 = vector.broadcast %shift_right_logical3A_75 : i32 to vector<16xi32>
    %shift_right_logical3A_77 = arith.shrui %get3A_67, %shift_right_logical3A_76 : vector<16xi32>
    %swap3A_78 = arith.constant 32 : index
    %swap3A_79 = tpu.vector_load %arg8[%swap3A_78] {strides = array<i32>} : memref<80xi32, #tpu.memory_space<vmem>>, vector<16xi32>,
    %swap3A_80 = vector.shape_cast %swap3A_79 : vector<16xi32> to vector<16xi32>
    %swap3A_81 = vector.shape_cast %shift_right_logical3A_77 : vector<16xi32> to vector<16xi32>
    tpu.vector_store %arg8[%swap3A_78], %swap3A_81 {strides = array<i32>} : memref<80xi32, #tpu.memory_space<vmem>>, vector<16xi32>,
    %get3A_82 = arith.constant 0 : i32
    %get3A_83 = arith.constant 0 : i32
    %get3A_84 = tpu.memref_slice %arg6[%get3A_82, %get3A_83] : memref<125x80xi32, #tpu.memory_space<vmem>> -> memref<1x80xi32, #tpu.memory_space<vmem>>
    %get3A_85 = tpu.memref_squeeze %get3A_84 : memref<1x80xi32, #tpu.memory_space<vmem>> -> memref<80xi32, #tpu.memory_space<vmem>>
    %get3A_86 = arith.constant 48 : index
    %get3A_87 = tpu.vector_load %get3A_85[%get3A_86] {strides = array<i32>} : memref<80xi32, #tpu.memory_space<vmem>>, vector<16xi32>,
    %get3A_88 = vector.shape_cast %get3A_87 : vector<16xi32> to vector<16xi32>
    %and3A_89 = arith.constant 65535 : i32
    %and3A_90 = vector.broadcast %and3A_89 : i32 to vector<16xi32>
    %and3A_91 = arith.andi %get3A_88, %and3A_90 : vector<16xi32>
    %swap3A_92 = arith.constant 48 : index
    %swap3A_93 = tpu.vector_load %arg7[%swap3A_92] {strides = array<i32>} : memref<80xi32, #tpu.memory_space<vmem>>, vector<16xi32>,
    %swap3A_94 = vector.shape_cast %swap3A_93 : vector<16xi32> to vector<16xi32>
    %swap3A_95 = vector.shape_cast %and3A_91 : vector<16xi32> to vector<16xi32>
    tpu.vector_store %arg7[%swap3A_92], %swap3A_95 {strides = array<i32>} : memref<80xi32, #tpu.memory_space<vmem>>, vector<16xi32>,
    %shift_right_logical3A_96 = arith.constant 16 : i32
    %shift_right_logical3A_97 = vector.broadcast %shift_right_logical3A_96 : i32 to vector<16xi32>
    %shift_right_logical3A_98 = arith.shrui %get3A_88, %shift_right_logical3A_97 : vector<16xi32>
    %swap3A_99 = arith.constant 48 : index
    %swap3A_100 = tpu.vector_load %arg8[%swap3A_99] {strides = array<i32>} : memref<80xi32, #tpu.memory_space<vmem>>, vector<16xi32>,
    %swap3A_101 = vector.shape_cast %swap3A_100 : vector<16xi32> to vector<16xi32>
    %swap3A_102 = vector.shape_cast %shift_right_logical3A_98 : vector<16xi32> to vector<16xi32>
    tpu.vector_store %arg8[%swap3A_99], %swap3A_102 {strides = array<i32>} : memref<80xi32, #tpu.memory_space<vmem>>, vector<16xi32>,
    %get3A_103 = arith.constant 0 : i32
    %get3A_104 = arith.constant 0 : i32
    %get3A_105 = tpu.memref_slice %arg6[%get3A_103, %get3A_104] : memref<125x80xi32, #tpu.memory_space<vmem>> -> memref<1x80xi32, #tpu.memory_space<vmem>>
    %get3A_106 = tpu.memref_squeeze %get3A_105 : memref<1x80xi32, #tpu.memory_space<vmem>> -> memref<80xi32, #tpu.memory_space<vmem>>
    %get3A_107 = arith.constant 64 : index
    %get3A_108 = tpu.vector_load %get3A_106[%get3A_107] {strides = array<i32>} : memref<80xi32, #tpu.memory_space<vmem>>, vector<16xi32>,
    %get3A_109 = vector.shape_cast %get3A_108 : vector<16xi32> to vector<16xi32>
    %and3A_110 = arith.constant 65535 : i32
    %and3A_111 = vector.broadcast %and3A_110 : i32 to vector<16xi32>
    %and3A_112 = arith.andi %get3A_109, %and3A_111 : vector<16xi32>
    %swap3A_113 = arith.constant 64 : index
    %swap3A_114 = tpu.vector_load %arg7[%swap3A_113] {strides = array<i32>} : memref<80xi32, #tpu.memory_space<vmem>>, vector<16xi32>,
    %swap3A_115 = vector.shape_cast %swap3A_114 : vector<16xi32> to vector<16xi32>
    %swap3A_116 = vector.shape_cast %and3A_112 : vector<16xi32> to vector<16xi32>
    tpu.vector_store %arg7[%swap3A_113], %swap3A_116 {strides = array<i32>} : memref<80xi32, #tpu.memory_space<vmem>>, vector<16xi32>,
    %shift_right_logical3A_117 = arith.constant 16 : i32
    %shift_right_logical3A_118 = vector.broadcast %shift_right_logical3A_117 : i32 to vector<16xi32>
    %shift_right_logical3A_119 = arith.shrui %get3A_109, %shift_right_logical3A_118 : vector<16xi32>
    %swap3A_120 = arith.constant 64 : index
    %swap3A_121 = tpu.vector_load %arg8[%swap3A_120] {strides = array<i32>} : memref<80xi32, #tpu.memory_space<vmem>>, vector<16xi32>,
    %swap3A_122 = vector.shape_cast %swap3A_121 : vector<16xi32> to vector<16xi32>
    %swap3A_123 = vector.shape_cast %shift_right_logical3A_119 : vector<16xi32> to vector<16xi32>
    tpu.vector_store %arg8[%swap3A_120], %swap3A_123 {strides = array<i32>} : memref<80xi32, #tpu.memory_space<vmem>>, vector<16xi32>,
    %dma_start3A_124 = arith.constant 0 : i32
    %dma_start3A_125 = arith.constant 0 : i32
    %dma_start3A_126 = tpu.memref_slice %arg2[%dma_start3A_124, %dma_start3A_125] : memref<10000x128xf32, #tpu.memory_space<hbm>> -> memref<10000x128xf32, #tpu.memory_space<hbm>>
    tpu.enqueue_indirect_dma source(%dma_start3A_126 : memref<10000x128xf32, #tpu.memory_space<hbm>>) target(%arg13 : memref<80x128xf32, #tpu.memory_space<vmem>>) offsets(%arg7 : memref<80xi32, #tpu.memory_space<vmem>>) semaphore(%arg17 : memref<!tpu.dma_semaphore, #tpu.memory_space<semaphore_mem>>)
    %get3A_127 = arith.constant 1 : i32
    %get3A_128 = arith.constant 0 : i32
    %get3A_129 = tpu.memref_slice %arg6[%get3A_127, %get3A_128] : memref<125x80xi32, #tpu.memory_space<vmem>> -> memref<1x80xi32, #tpu.memory_space<vmem>>
    %get3A_130 = tpu.memref_squeeze %get3A_129 : memref<1x80xi32, #tpu.memory_space<vmem>> -> memref<80xi32, #tpu.memory_space<vmem>>
    %get3A_131 = arith.constant 0 : index
    %get3A_132 = tpu.vector_load %get3A_130[%get3A_131] {strides = array<i32>} : memref<80xi32, #tpu.memory_space<vmem>>, vector<16xi32>,
    %get3A_133 = vector.shape_cast %get3A_132 : vector<16xi32> to vector<16xi32>
    %and3A_134 = arith.constant 65535 : i32
    %and3A_135 = vector.broadcast %and3A_134 : i32 to vector<16xi32>
    %and3A_136 = arith.andi %get3A_133, %and3A_135 : vector<16xi32>
    %swap3A_137 = arith.constant 0 : index
    %swap3A_138 = tpu.vector_load %arg9[%swap3A_137] {strides = array<i32>} : memref<80xi32, #tpu.memory_space<vmem>>, vector<16xi32>,
    %swap3A_139 = vector.shape_cast %swap3A_138 : vector<16xi32> to vector<16xi32>
    %swap3A_140 = vector.shape_cast %and3A_136 : vector<16xi32> to vector<16xi32>
    tpu.vector_store %arg9[%swap3A_137], %swap3A_140 {strides = array<i32>} : memref<80xi32, #tpu.memory_space<vmem>>, vector<16xi32>,
    %shift_right_logical3A_141 = arith.constant 16 : i32
    %shift_right_logical3A_142 = vector.broadcast %shift_right_logical3A_141 : i32 to vector<16xi32>
    %shift_right_logical3A_143 = arith.shrui %get3A_133, %shift_right_logical3A_142 : vector<16xi32>
    %swap3A_144 = arith.constant 0 : index
    %swap3A_145 = tpu.vector_load %arg10[%swap3A_144] {strides = array<i32>} : memref<80xi32, #tpu.memory_space<vmem>>, vector<16xi32>,
    %swap3A_146 = vector.shape_cast %swap3A_145 : vector<16xi32> to vector<16xi32>
    %swap3A_147 = vector.shape_cast %shift_right_logical3A_143 : vector<16xi32> to vector<16xi32>
    tpu.vector_store %arg10[%swap3A_144], %swap3A_147 {strides = array<i32>} : memref<80xi32, #tpu.memory_space<vmem>>, vector<16xi32>,
    %get3A_148 = arith.constant 1 : i32
    %get3A_149 = arith.constant 0 : i32
    %get3A_150 = tpu.memref_slice %arg6[%get3A_148, %get3A_149] : memref<125x80xi32, #tpu.memory_space<vmem>> -> memref<1x80xi32, #tpu.memory_space<vmem>>
    %get3A_151 = tpu.memref_squeeze %get3A_150 : memref<1x80xi32, #tpu.memory_space<vmem>> -> memref<80xi32, #tpu.memory_space<vmem>>
    %get3A_152 = arith.constant 16 : index
    %get3A_153 = tpu.vector_load %get3A_151[%get3A_152] {strides = array<i32>} : memref<80xi32, #tpu.memory_space<vmem>>, vector<16xi32>,
    %get3A_154 = vector.shape_cast %get3A_153 : vector<16xi32> to vector<16xi32>
    %and3A_155 = arith.constant 65535 : i32
    %and3A_156 = vector.broadcast %and3A_155 : i32 to vector<16xi32>
    %and3A_157 = arith.andi %get3A_154, %and3A_156 : vector<16xi32>
    %swap3A_158 = arith.constant 16 : index
    %swap3A_159 = tpu.vector_load %arg9[%swap3A_158] {strides = array<i32>} : memref<80xi32, #tpu.memory_space<vmem>>, vector<16xi32>,
    %swap3A_160 = vector.shape_cast %swap3A_159 : vector<16xi32> to vector<16xi32>
    %swap3A_161 = vector.shape_cast %and3A_157 : vector<16xi32> to vector<16xi32>
    tpu.vector_store %arg9[%swap3A_158], %swap3A_161 {strides = array<i32>} : memref<80xi32, #tpu.memory_space<vmem>>, vector<16xi32>,
    %shift_right_logical3A_162 = arith.constant 16 : i32
    %shift_right_logical3A_163 = vector.broadcast %shift_right_logical3A_162 : i32 to vector<16xi32>
    %shift_right_logical3A_164 = arith.shrui %get3A_154, %shift_right_logical3A_163 : vector<16xi32>
    %swap3A_165 = arith.constant 16 : index
    %swap3A_166 = tpu.vector_load %arg10[%swap3A_165] {strides = array<i32>} : memref<80xi32, #tpu.memory_space<vmem>>, vector<16xi32>,
    %swap3A_167 = vector.shape_cast %swap3A_166 : vector<16xi32> to vector<16xi32>
    %swap3A_168 = vector.shape_cast %shift_right_logical3A_164 : vector<16xi32> to vector<16xi32>
    tpu.vector_store %arg10[%swap3A_165], %swap3A_168 {strides = array<i32>} : memref<80xi32, #tpu.memory_space<vmem>>, vector<16xi32>,
    %get3A_169 = arith.constant 1 : i32
    %get3A_170 = arith.constant 0 : i32
    %get3A_171 = tpu.memref_slice %arg6[%get3A_169, %get3A_170] : memref<125x80xi32, #tpu.memory_space<vmem>> -> memref<1x80xi32, #tpu.memory_space<vmem>>
    %get3A_172 = tpu.memref_squeeze %get3A_171 : memref<1x80xi32, #tpu.memory_space<vmem>> -> memref<80xi32, #tpu.memory_space<vmem>>
    %get3A_173 = arith.constant 32 : index
    %get3A_174 = tpu.vector_load %get3A_172[%get3A_173] {strides = array<i32>} : memref<80xi32, #tpu.memory_space<vmem>>, vector<16xi32>,
    %get3A_175 = vector.shape_cast %get3A_174 : vector<16xi32> to vector<16xi32>
    %and3A_176 = arith.constant 65535 : i32
    %and3A_177 = vector.broadcast %and3A_176 : i32 to vector<16xi32>
    %and3A_178 = arith.andi %get3A_175, %and3A_177 : vector<16xi32>
    %swap3A_179 = arith.constant 32 : index
    %swap3A_180 = tpu.vector_load %arg9[%swap3A_179] {strides = array<i32>} : memref<80xi32, #tpu.memory_space<vmem>>, vector<16xi32>,
    %swap3A_181 = vector.shape_cast %swap3A_180 : vector<16xi32> to vector<16xi32>
    %swap3A_182 = vector.shape_cast %and3A_178 : vector<16xi32> to vector<16xi32>
    tpu.vector_store %arg9[%swap3A_179], %swap3A_182 {strides = array<i32>} : memref<80xi32, #tpu.memory_space<vmem>>, vector<16xi32>,
    %shift_right_logical3A_183 = arith.constant 16 : i32
    %shift_right_logical3A_184 = vector.broadcast %shift_right_logical3A_183 : i32 to vector<16xi32>
    %shift_right_logical3A_185 = arith.shrui %get3A_175, %shift_right_logical3A_184 : vector<16xi32>
    %swap3A_186 = arith.constant 32 : index
    %swap3A_187 = tpu.vector_load %arg10[%swap3A_186] {strides = array<i32>} : memref<80xi32, #tpu.memory_space<vmem>>, vector<16xi32>,
    %swap3A_188 = vector.shape_cast %swap3A_187 : vector<16xi32> to vector<16xi32>
    %swap3A_189 = vector.shape_cast %shift_right_logical3A_185 : vector<16xi32> to vector<16xi32>
    tpu.vector_store %arg10[%swap3A_186], %swap3A_189 {strides = array<i32>} : memref<80xi32, #tpu.memory_space<vmem>>, vector<16xi32>,
    %get3A_190 = arith.constant 1 : i32
    %get3A_191 = arith.constant 0 : i32
    %get3A_192 = tpu.memref_slice %arg6[%get3A_190, %get3A_191] : memref<125x80xi32, #tpu.memory_space<vmem>> -> memref<1x80xi32, #tpu.memory_space<vmem>>
    %get3A_193 = tpu.memref_squeeze %get3A_192 : memref<1x80xi32, #tpu.memory_space<vmem>> -> memref<80xi32, #tpu.memory_space<vmem>>
    %get3A_194 = arith.constant 48 : index
    %get3A_195 = tpu.vector_load %get3A_193[%get3A_194] {strides = array<i32>} : memref<80xi32, #tpu.memory_space<vmem>>, vector<16xi32>,
    %get3A_196 = vector.shape_cast %get3A_195 : vector<16xi32> to vector<16xi32>
    %and3A_197 = arith.constant 65535 : i32
    %and3A_198 = vector.broadcast %and3A_197 : i32 to vector<16xi32>
    %and3A_199 = arith.andi %get3A_196, %and3A_198 : vector<16xi32>
    %swap3A_200 = arith.constant 48 : index
    %swap3A_201 = tpu.vector_load %arg9[%swap3A_200] {strides = array<i32>} : memref<80xi32, #tpu.memory_space<vmem>>, vector<16xi32>,
    %swap3A_202 = vector.shape_cast %swap3A_201 : vector<16xi32> to vector<16xi32>
    %swap3A_203 = vector.shape_cast %and3A_199 : vector<16xi32> to vector<16xi32>
    tpu.vector_store %arg9[%swap3A_200], %swap3A_203 {strides = array<i32>} : memref<80xi32, #tpu.memory_space<vmem>>, vector<16xi32>,
    %shift_right_logical3A_204 = arith.constant 16 : i32
    %shift_right_logical3A_205 = vector.broadcast %shift_right_logical3A_204 : i32 to vector<16xi32>
    %shift_right_logical3A_206 = arith.shrui %get3A_196, %shift_right_logical3A_205 : vector<16xi32>
    %swap3A_207 = arith.constant 48 : index
    %swap3A_208 = tpu.vector_load %arg10[%swap3A_207] {strides = array<i32>} : memref<80xi32, #tpu.memory_space<vmem>>, vector<16xi32>,
    %swap3A_209 = vector.shape_cast %swap3A_208 : vector<16xi32> to vector<16xi32>
    %swap3A_210 = vector.shape_cast %shift_right_logical3A_206 : vector<16xi32> to vector<16xi32>
    tpu.vector_store %arg10[%swap3A_207], %swap3A_210 {strides = array<i32>} : memref<80xi32, #tpu.memory_space<vmem>>, vector<16xi32>,
    %get3A_211 = arith.constant 1 : i32
    %get3A_212 = arith.constant 0 : i32
    %get3A_213 = tpu.memref_slice %arg6[%get3A_211, %get3A_212] : memref<125x80xi32, #tpu.memory_space<vmem>> -> memref<1x80xi32, #tpu.memory_space<vmem>>
    %get3A_214 = tpu.memref_squeeze %get3A_213 : memref<1x80xi32, #tpu.memory_space<vmem>> -> memref<80xi32, #tpu.memory_space<vmem>>
    %get3A_215 = arith.constant 64 : index
    %get3A_216 = tpu.vector_load %get3A_214[%get3A_215] {strides = array<i32>} : memref<80xi32, #tpu.memory_space<vmem>>, vector<16xi32>,
    %get3A_217 = vector.shape_cast %get3A_216 : vector<16xi32> to vector<16xi32>
    %and3A_218 = arith.constant 65535 : i32
    %and3A_219 = vector.broadcast %and3A_218 : i32 to vector<16xi32>
    %and3A_220 = arith.andi %get3A_217, %and3A_219 : vector<16xi32>
    %swap3A_221 = arith.constant 64 : index
    %swap3A_222 = tpu.vector_load %arg9[%swap3A_221] {strides = array<i32>} : memref<80xi32, #tpu.memory_space<vmem>>, vector<16xi32>,
    %swap3A_223 = vector.shape_cast %swap3A_222 : vector<16xi32> to vector<16xi32>
    %swap3A_224 = vector.shape_cast %and3A_220 : vector<16xi32> to vector<16xi32>
    tpu.vector_store %arg9[%swap3A_221], %swap3A_224 {strides = array<i32>} : memref<80xi32, #tpu.memory_space<vmem>>, vector<16xi32>,
    %shift_right_logical3A_225 = arith.constant 16 : i32
    %shift_right_logical3A_226 = vector.broadcast %shift_right_logical3A_225 : i32 to vector<16xi32>
    %shift_right_logical3A_227 = arith.shrui %get3A_217, %shift_right_logical3A_226 : vector<16xi32>
    %swap3A_228 = arith.constant 64 : index
    %swap3A_229 = tpu.vector_load %arg10[%swap3A_228] {strides = array<i32>} : memref<80xi32, #tpu.memory_space<vmem>>, vector<16xi32>,
    %swap3A_230 = vector.shape_cast %swap3A_229 : vector<16xi32> to vector<16xi32>
    %swap3A_231 = vector.shape_cast %shift_right_logical3A_227 : vector<16xi32> to vector<16xi32>
    tpu.vector_store %arg10[%swap3A_228], %swap3A_231 {strides = array<i32>} : memref<80xi32, #tpu.memory_space<vmem>>, vector<16xi32>,
    %dma_start3A_232 = arith.constant 0 : i32
    %dma_start3A_233 = arith.constant 0 : i32
    %dma_start3A_234 = tpu.memref_slice %arg2[%dma_start3A_232, %dma_start3A_233] : memref<10000x128xf32, #tpu.memory_space<hbm>> -> memref<10000x128xf32, #tpu.memory_space<hbm>>
    tpu.enqueue_indirect_dma source(%dma_start3A_234 : memref<10000x128xf32, #tpu.memory_space<hbm>>) target(%arg14 : memref<80x128xf32, #tpu.memory_space<vmem>>) offsets(%arg9 : memref<80xi32, #tpu.memory_space<vmem>>) semaphore(%arg18 : memref<!tpu.dma_semaphore, #tpu.memory_space<semaphore_mem>>)
    %get3A_235 = arith.constant 2 : i32
    %get3A_236 = arith.constant 0 : i32
    %get3A_237 = tpu.memref_slice %arg6[%get3A_235, %get3A_236] : memref<125x80xi32, #tpu.memory_space<vmem>> -> memref<1x80xi32, #tpu.memory_space<vmem>>
    %get3A_238 = tpu.memref_squeeze %get3A_237 : memref<1x80xi32, #tpu.memory_space<vmem>> -> memref<80xi32, #tpu.memory_space<vmem>>
    %get3A_239 = arith.constant 0 : index
    %get3A_240 = tpu.vector_load %get3A_238[%get3A_239] {strides = array<i32>} : memref<80xi32, #tpu.memory_space<vmem>>, vector<16xi32>,
    %get3A_241 = vector.shape_cast %get3A_240 : vector<16xi32> to vector<16xi32>
    %and3A_242 = arith.constant 65535 : i32
    %and3A_243 = vector.broadcast %and3A_242 : i32 to vector<16xi32>
    %and3A_244 = arith.andi %get3A_241, %and3A_243 : vector<16xi32>
    %swap3A_245 = arith.constant 0 : index
    %swap3A_246 = tpu.vector_load %arg11[%swap3A_245] {strides = array<i32>} : memref<80xi32, #tpu.memory_space<vmem>>, vector<16xi32>,
    %swap3A_247 = vector.shape_cast %swap3A_246 : vector<16xi32> to vector<16xi32>
    %swap3A_248 = vector.shape_cast %and3A_244 : vector<16xi32> to vector<16xi32>
    tpu.vector_store %arg11[%swap3A_245], %swap3A_248 {strides = array<i32>} : memref<80xi32, #tpu.memory_space<vmem>>, vector<16xi32>,
    %shift_right_logical3A_249 = arith.constant 16 : i32
    %shift_right_logical3A_250 = vector.broadcast %shift_right_logical3A_249 : i32 to vector<16xi32>
    %shift_right_logical3A_251 = arith.shrui %get3A_241, %shift_right_logical3A_250 : vector<16xi32>
    %swap3A_252 = arith.constant 0 : index
    %swap3A_253 = tpu.vector_load %arg12[%swap3A_252] {strides = array<i32>} : memref<80xi32, #tpu.memory_space<vmem>>, vector<16xi32>,
    %swap3A_254 = vector.shape_cast %swap3A_253 : vector<16xi32> to vector<16xi32>
    %swap3A_255 = vector.shape_cast %shift_right_logical3A_251 : vector<16xi32> to vector<16xi32>
    tpu.vector_store %arg12[%swap3A_252], %swap3A_255 {strides = array<i32>} : memref<80xi32, #tpu.memory_space<vmem>>, vector<16xi32>,
    %get3A_256 = arith.constant 2 : i32
    %get3A_257 = arith.constant 0 : i32
    %get3A_258 = tpu.memref_slice %arg6[%get3A_256, %get3A_257] : memref<125x80xi32, #tpu.memory_space<vmem>> -> memref<1x80xi32, #tpu.memory_space<vmem>>
    %get3A_259 = tpu.memref_squeeze %get3A_258 : memref<1x80xi32, #tpu.memory_space<vmem>> -> memref<80xi32, #tpu.memory_space<vmem>>
    %get3A_260 = arith.constant 16 : index
    %get3A_261 = tpu.vector_load %get3A_259[%get3A_260] {strides = array<i32>} : memref<80xi32, #tpu.memory_space<vmem>>, vector<16xi32>,
    %get3A_262 = vector.shape_cast %get3A_261 : vector<16xi32> to vector<16xi32>
    %and3A_263 = arith.constant 65535 : i32
    %and3A_264 = vector.broadcast %and3A_263 : i32 to vector<16xi32>
    %and3A_265 = arith.andi %get3A_262, %and3A_264 : vector<16xi32>
    %swap3A_266 = arith.constant 16 : index
    %swap3A_267 = tpu.vector_load %arg11[%swap3A_266] {strides = array<i32>} : memref<80xi32, #tpu.memory_space<vmem>>, vector<16xi32>,
    %swap3A_268 = vector.shape_cast %swap3A_267 : vector<16xi32> to vector<16xi32>
    %swap3A_269 = vector.shape_cast %and3A_265 : vector<16xi32> to vector<16xi32>
    tpu.vector_store %arg11[%swap3A_266], %swap3A_269 {strides = array<i32>} : memref<80xi32, #tpu.memory_space<vmem>>, vector<16xi32>,
    %shift_right_logical3A_270 = arith.constant 16 : i32
    %shift_right_logical3A_271 = vector.broadcast %shift_right_logical3A_270 : i32 to vector<16xi32>
    %shift_right_logical3A_272 = arith.shrui %get3A_262, %shift_right_logical3A_271 : vector<16xi32>
    %swap3A_273 = arith.constant 16 : index
    %swap3A_274 = tpu.vector_load %arg12[%swap3A_273] {strides = array<i32>} : memref<80xi32, #tpu.memory_space<vmem>>, vector<16xi32>,
    %swap3A_275 = vector.shape_cast %swap3A_274 : vector<16xi32> to vector<16xi32>
    %swap3A_276 = vector.shape_cast %shift_right_logical3A_272 : vector<16xi32> to vector<16xi32>
    tpu.vector_store %arg12[%swap3A_273], %swap3A_276 {strides = array<i32>} : memref<80xi32, #tpu.memory_space<vmem>>, vector<16xi32>,
    %get3A_277 = arith.constant 2 : i32
    %get3A_278 = arith.constant 0 : i32
    %get3A_279 = tpu.memref_slice %arg6[%get3A_277, %get3A_278] : memref<125x80xi32, #tpu.memory_space<vmem>> -> memref<1x80xi32, #tpu.memory_space<vmem>>
    %get3A_280 = tpu.memref_squeeze %get3A_279 : memref<1x80xi32, #tpu.memory_space<vmem>> -> memref<80xi32, #tpu.memory_space<vmem>>
    %get3A_281 = arith.constant 32 : index
    %get3A_282 = tpu.vector_load %get3A_280[%get3A_281] {strides = array<i32>} : memref<80xi32, #tpu.memory_space<vmem>>, vector<16xi32>,
    %get3A_283 = vector.shape_cast %get3A_282 : vector<16xi32> to vector<16xi32>
    %and3A_284 = arith.constant 65535 : i32
    %and3A_285 = vector.broadcast %and3A_284 : i32 to vector<16xi32>
    %and3A_286 = arith.andi %get3A_283, %and3A_285 : vector<16xi32>
    %swap3A_287 = arith.constant 32 : index
    %swap3A_288 = tpu.vector_load %arg11[%swap3A_287] {strides = array<i32>} : memref<80xi32, #tpu.memory_space<vmem>>, vector<16xi32>,
    %swap3A_289 = vector.shape_cast %swap3A_288 : vector<16xi32> to vector<16xi32>
    %swap3A_290 = vector.shape_cast %and3A_286 : vector<16xi32> to vector<16xi32>
    tpu.vector_store %arg11[%swap3A_287], %swap3A_290 {strides = array<i32>} : memref<80xi32, #tpu.memory_space<vmem>>, vector<16xi32>,
    %shift_right_logical3A_291 = arith.constant 16 : i32
    %shift_right_logical3A_292 = vector.broadcast %shift_right_logical3A_291 : i32 to vector<16xi32>
    %shift_right_logical3A_293 = arith.shrui %get3A_283, %shift_right_logical3A_292 : vector<16xi32>
    %swap3A_294 = arith.constant 32 : index
    %swap3A_295 = tpu.vector_load %arg12[%swap3A_294] {strides = array<i32>} : memref<80xi32, #tpu.memory_space<vmem>>, vector<16xi32>,
    %swap3A_296 = vector.shape_cast %swap3A_295 : vector<16xi32> to vector<16xi32>
    %swap3A_297 = vector.shape_cast %shift_right_logical3A_293 : vector<16xi32> to vector<16xi32>
    tpu.vector_store %arg12[%swap3A_294], %swap3A_297 {strides = array<i32>} : memref<80xi32, #tpu.memory_space<vmem>>, vector<16xi32>,
    %get3A_298 = arith.constant 2 : i32
    %get3A_299 = arith.constant 0 : i32
    %get3A_300 = tpu.memref_slice %arg6[%get3A_298, %get3A_299] : memref<125x80xi32, #tpu.memory_space<vmem>> -> memref<1x80xi32, #tpu.memory_space<vmem>>
    %get3A_301 = tpu.memref_squeeze %get3A_300 : memref<1x80xi32, #tpu.memory_space<vmem>> -> memref<80xi32, #tpu.memory_space<vmem>>
    %get3A_302 = arith.constant 48 : index
    %get3A_303 = tpu.vector_load %get3A_301[%get3A_302] {strides = array<i32>} : memref<80xi32, #tpu.memory_space<vmem>>, vector<16xi32>,
    %get3A_304 = vector.shape_cast %get3A_303 : vector<16xi32> to vector<16xi32>
    %and3A_305 = arith.constant 65535 : i32
    %and3A_306 = vector.broadcast %and3A_305 : i32 to vector<16xi32>
    %and3A_307 = arith.andi %get3A_304, %and3A_306 : vector<16xi32>
    %swap3A_308 = arith.constant 48 : index
    %swap3A_309 = tpu.vector_load %arg11[%swap3A_308] {strides = array<i32>} : memref<80xi32, #tpu.memory_space<vmem>>, vector<16xi32>,
    %swap3A_310 = vector.shape_cast %swap3A_309 : vector<16xi32> to vector<16xi32>
    %swap3A_311 = vector.shape_cast %and3A_307 : vector<16xi32> to vector<16xi32>
    tpu.vector_store %arg11[%swap3A_308], %swap3A_311 {strides = array<i32>} : memref<80xi32, #tpu.memory_space<vmem>>, vector<16xi32>,
    %shift_right_logical3A_312 = arith.constant 16 : i32
    %shift_right_logical3A_313 = vector.broadcast %shift_right_logical3A_312 : i32 to vector<16xi32>
    %shift_right_logical3A_314 = arith.shrui %get3A_304, %shift_right_logical3A_313 : vector<16xi32>
    %swap3A_315 = arith.constant 48 : index
    %swap3A_316 = tpu.vector_load %arg12[%swap3A_315] {strides = array<i32>} : memref<80xi32, #tpu.memory_space<vmem>>, vector<16xi32>,
    %swap3A_317 = vector.shape_cast %swap3A_316 : vector<16xi32> to vector<16xi32>
    %swap3A_318 = vector.shape_cast %shift_right_logical3A_314 : vector<16xi32> to vector<16xi32>
    tpu.vector_store %arg12[%swap3A_315], %swap3A_318 {strides = array<i32>} : memref<80xi32, #tpu.memory_space<vmem>>, vector<16xi32>,
    %get3A_319 = arith.constant 2 : i32
    %get3A_320 = arith.constant 0 : i32
    %get3A_321 = tpu.memref_slice %arg6[%get3A_319, %get3A_320] : memref<125x80xi32, #tpu.memory_space<vmem>> -> memref<1x80xi32, #tpu.memory_space<vmem>>
    %get3A_322 = tpu.memref_squeeze %get3A_321 : memref<1x80xi32, #tpu.memory_space<vmem>> -> memref<80xi32, #tpu.memory_space<vmem>>
    %get3A_323 = arith.constant 64 : index
    %get3A_324 = tpu.vector_load %get3A_322[%get3A_323] {strides = array<i32>} : memref<80xi32, #tpu.memory_space<vmem>>, vector<16xi32>,
    %get3A_325 = vector.shape_cast %get3A_324 : vector<16xi32> to vector<16xi32>
    %and3A_326 = arith.constant 65535 : i32
    %and3A_327 = vector.broadcast %and3A_326 : i32 to vector<16xi32>
    %and3A_328 = arith.andi %get3A_325, %and3A_327 : vector<16xi32>
    %swap3A_329 = arith.constant 64 : index
    %swap3A_330 = tpu.vector_load %arg11[%swap3A_329] {strides = array<i32>} : memref<80xi32, #tpu.memory_space<vmem>>, vector<16xi32>,
    %swap3A_331 = vector.shape_cast %swap3A_330 : vector<16xi32> to vector<16xi32>
    %swap3A_332 = vector.shape_cast %and3A_328 : vector<16xi32> to vector<16xi32>
    tpu.vector_store %arg11[%swap3A_329], %swap3A_332 {strides = array<i32>} : memref<80xi32, #tpu.memory_space<vmem>>, vector<16xi32>,
    %shift_right_logical3A_333 = arith.constant 16 : i32
    %shift_right_logical3A_334 = vector.broadcast %shift_right_logical3A_333 : i32 to vector<16xi32>
    %shift_right_logical3A_335 = arith.shrui %get3A_325, %shift_right_logical3A_334 : vector<16xi32>
    %swap3A_336 = arith.constant 64 : index
    %swap3A_337 = tpu.vector_load %arg12[%swap3A_336] {strides = array<i32>} : memref<80xi32, #tpu.memory_space<vmem>>, vector<16xi32>,
    %swap3A_338 = vector.shape_cast %swap3A_337 : vector<16xi32> to vector<16xi32>
    %swap3A_339 = vector.shape_cast %shift_right_logical3A_335 : vector<16xi32> to vector<16xi32>
    tpu.vector_store %arg12[%swap3A_336], %swap3A_339 {strides = array<i32>} : memref<80xi32, #tpu.memory_space<vmem>>, vector<16xi32>,
    %scan3A = arith.constant 0 : i32
    %scan3A_340 = arith.constant 0 : i32
    %scan3A_341 = arith.constant 41 : i32
    %scan3A_342 = arith.addi %scan3A_340, %scan3A_341 : i32
    %scan3A_343 = arith.constant 1 : i32
    scf.for %scan3A_356 = %scan3A_340 to %scan3A_342 step %scan3A_343  : i32 {
      %mul3A_357 = arith.constant 3 : i32
      %mul3A_358 = arith.muli %mul3A_357, %scan3A_356 : i32
      %dma_start3A_359 = arith.constant 0 : i32
      %dma_start3A_360 = arith.constant 0 : i32
      %dma_start3A_361 = tpu.memref_slice %arg2[%dma_start3A_359, %dma_start3A_360] : memref<10000x128xf32, #tpu.memory_space<hbm>> -> memref<10000x128xf32, #tpu.memory_space<hbm>>
      tpu.enqueue_indirect_dma source(%dma_start3A_361 : memref<10000x128xf32, #tpu.memory_space<hbm>>) target(%arg15 : memref<80x128xf32, #tpu.memory_space<vmem>>) offsets(%arg11 : memref<80xi32, #tpu.memory_space<vmem>>) semaphore(%arg19 : memref<!tpu.dma_semaphore, #tpu.memory_space<semaphore_mem>>)
      %dma_wait3A_362 = arith.constant 0 : i32
      %dma_wait3A_363 = arith.constant 0 : i32
      %dma_wait3A_364 = tpu.memref_slice %arg2[%dma_wait3A_362, %dma_wait3A_363] : memref<10000x128xf32, #tpu.memory_space<hbm>> -> memref<10000x128xf32, #tpu.memory_space<hbm>>
      tpu.wait_indirect_dma semaphore(%arg17 : memref<!tpu.dma_semaphore, #tpu.memory_space<semaphore_mem>>) src(%dma_wait3A_364 : memref<10000x128xf32, #tpu.memory_space<hbm>>) dst(%arg13 : memref<80x128xf32, #tpu.memory_space<vmem>>)
      "tpu.region"() ({
        %run_scoped3A = tpu.sem_alloc : memref<!tpu.dma_semaphore, #tpu.memory_space<semaphore_mem>>
        %dma_start3A_688 = arith.constant 0 : i32
        %dma_start3A_689 = arith.constant 0 : i32
        %dma_start3A_690 = tpu.memref_slice %arg16[%dma_start3A_688, %dma_start3A_689] : memref<10240x128xf32, #tpu.memory_space<vmem_shared>> -> memref<10240x128xf32, #tpu.memory_space<vmem_shared>>
        tpu.enqueue_indirect_dma source(%arg13 : memref<80x128xf32, #tpu.memory_space<vmem>>) target(%dma_start3A_690 : memref<10240x128xf32, #tpu.memory_space<vmem_shared>>) offsets(%arg8 : memref<80xi32, #tpu.memory_space<vmem>>) semaphore(%run_scoped3A : memref<!tpu.dma_semaphore, #tpu.memory_space<semaphore_mem>>) {add = true}
        %dma_wait3A_691 = arith.constant 0 : i32
        %dma_wait3A_692 = arith.constant 0 : i32
        %dma_wait3A_693 = tpu.memref_slice %arg16[%dma_wait3A_691, %dma_wait3A_692] : memref<10240x128xf32, #tpu.memory_space<vmem_shared>> -> memref<10240x128xf32, #tpu.memory_space<vmem_shared>>
        tpu.wait_indirect_dma semaphore(%run_scoped3A : memref<!tpu.dma_semaphore, #tpu.memory_space<semaphore_mem>>) src(%arg13 : memref<80x128xf32, #tpu.memory_space<vmem>>) dst(%dma_wait3A_693 : memref<10240x128xf32, #tpu.memory_space<vmem_shared>>)
        tpu.yield
      }) : () -> ()
      %add3A_365 = arith.constant 3 : i32
      %add3A_366 = arith.addi %mul3A_358, %add3A_365 : i32
      %min3A = arith.constant 124 : i32
      %min3A_367 = arith.minsi %add3A_366, %min3A : i32
      %get3A_368 = arith.constant 0 : i32
      %get3A_369 = tpu.memref_slice %arg6[%min3A_367, %get3A_368] : memref<125x80xi32, #tpu.memory_space<vmem>> -> memref<1x80xi32, #tpu.memory_space<vmem>>
      %get3A_370 = tpu.memref_squeeze %get3A_369 : memref<1x80xi32, #tpu.memory_space<vmem>> -> memref<80xi32, #tpu.memory_space<vmem>>
      %get3A_371 = arith.constant 0 : index
      %get3A_372 = tpu.vector_load %get3A_370[%get3A_371] {strides = array<i32>} : memref<80xi32, #tpu.memory_space<vmem>>, vector<16xi32>,
      %get3A_373 = vector.shape_cast %get3A_372 : vector<16xi32> to vector<16xi32>
      %and3A_374 = arith.constant 65535 : i32
      %and3A_375 = vector.broadcast %and3A_374 : i32 to vector<16xi32>
      %and3A_376 = arith.andi %get3A_373, %and3A_375 : vector<16xi32>
      %swap3A_377 = arith.constant 0 : index
      %swap3A_378 = tpu.vector_load %arg7[%swap3A_377] {strides = array<i32>} : memref<80xi32, #tpu.memory_space<vmem>>, vector<16xi32>,
      %swap3A_379 = vector.shape_cast %swap3A_378 : vector<16xi32> to vector<16xi32>
      %swap3A_380 = vector.shape_cast %and3A_376 : vector<16xi32> to vector<16xi32>
      tpu.vector_store %arg7[%swap3A_377], %swap3A_380 {strides = array<i32>} : memref<80xi32, #tpu.memory_space<vmem>>, vector<16xi32>,
      %shift_right_logical3A_381 = arith.constant 16 : i32
      %shift_right_logical3A_382 = vector.broadcast %shift_right_logical3A_381 : i32 to vector<16xi32>
      %shift_right_logical3A_383 = arith.shrui %get3A_373, %shift_right_logical3A_382 : vector<16xi32>
      %swap3A_384 = arith.constant 0 : index
      %swap3A_385 = tpu.vector_load %arg8[%swap3A_384] {strides = array<i32>} : memref<80xi32, #tpu.memory_space<vmem>>, vector<16xi32>,
      %swap3A_386 = vector.shape_cast %swap3A_385 : vector<16xi32> to vector<16xi32>
      %swap3A_387 = vector.shape_cast %shift_right_logical3A_383 : vector<16xi32> to vector<16xi32>
      tpu.vector_store %arg8[%swap3A_384], %swap3A_387 {strides = array<i32>} : memref<80xi32, #tpu.memory_space<vmem>>, vector<16xi32>,
      %get3A_388 = arith.constant 0 : i32
      %get3A_389 = tpu.memref_slice %arg6[%min3A_367, %get3A_388] : memref<125x80xi32, #tpu.memory_space<vmem>> -> memref<1x80xi32, #tpu.memory_space<vmem>>
      %get3A_390 = tpu.memref_squeeze %get3A_389 : memref<1x80xi32, #tpu.memory_space<vmem>> -> memref<80xi32, #tpu.memory_space<vmem>>
      %get3A_391 = arith.constant 16 : index
      %get3A_392 = tpu.vector_load %get3A_390[%get3A_391] {strides = array<i32>} : memref<80xi32, #tpu.memory_space<vmem>>, vector<16xi32>,
      %get3A_393 = vector.shape_cast %get3A_392 : vector<16xi32> to vector<16xi32>
      %and3A_394 = arith.constant 65535 : i32
      %and3A_395 = vector.broadcast %and3A_394 : i32 to vector<16xi32>
      %and3A_396 = arith.andi %get3A_393, %and3A_395 : vector<16xi32>
      %swap3A_397 = arith.constant 16 : index
      %swap3A_398 = tpu.vector_load %arg7[%swap3A_397] {strides = array<i32>} : memref<80xi32, #tpu.memory_space<vmem>>, vector<16xi32>,
      %swap3A_399 = vector.shape_cast %swap3A_398 : vector<16xi32> to vector<16xi32>
      %swap3A_400 = vector.shape_cast %and3A_396 : vector<16xi32> to vector<16xi32>
      tpu.vector_store %arg7[%swap3A_397], %swap3A_400 {strides = array<i32>} : memref<80xi32, #tpu.memory_space<vmem>>, vector<16xi32>,
      %shift_right_logical3A_401 = arith.constant 16 : i32
      %shift_right_logical3A_402 = vector.broadcast %shift_right_logical3A_401 : i32 to vector<16xi32>
      %shift_right_logical3A_403 = arith.shrui %get3A_393, %shift_right_logical3A_402 : vector<16xi32>
      %swap3A_404 = arith.constant 16 : index
      %swap3A_405 = tpu.vector_load %arg8[%swap3A_404] {strides = array<i32>} : memref<80xi32, #tpu.memory_space<vmem>>, vector<16xi32>,
      %swap3A_406 = vector.shape_cast %swap3A_405 : vector<16xi32> to vector<16xi32>
      %swap3A_407 = vector.shape_cast %shift_right_logical3A_403 : vector<16xi32> to vector<16xi32>
      tpu.vector_store %arg8[%swap3A_404], %swap3A_407 {strides = array<i32>} : memref<80xi32, #tpu.memory_space<vmem>>, vector<16xi32>,
      %get3A_408 = arith.constant 0 : i32
      %get3A_409 = tpu.memref_slice %arg6[%min3A_367, %get3A_408] : memref<125x80xi32, #tpu.memory_space<vmem>> -> memref<1x80xi32, #tpu.memory_space<vmem>>
      %get3A_410 = tpu.memref_squeeze %get3A_409 : memref<1x80xi32, #tpu.memory_space<vmem>> -> memref<80xi32, #tpu.memory_space<vmem>>
      %get3A_411 = arith.constant 32 : index
      %get3A_412 = tpu.vector_load %get3A_410[%get3A_411] {strides = array<i32>} : memref<80xi32, #tpu.memory_space<vmem>>, vector<16xi32>,
      %get3A_413 = vector.shape_cast %get3A_412 : vector<16xi32> to vector<16xi32>
      %and3A_414 = arith.constant 65535 : i32
      %and3A_415 = vector.broadcast %and3A_414 : i32 to vector<16xi32>
      %and3A_416 = arith.andi %get3A_413, %and3A_415 : vector<16xi32>
      %swap3A_417 = arith.constant 32 : index
      %swap3A_418 = tpu.vector_load %arg7[%swap3A_417] {strides = array<i32>} : memref<80xi32, #tpu.memory_space<vmem>>, vector<16xi32>,
      %swap3A_419 = vector.shape_cast %swap3A_418 : vector<16xi32> to vector<16xi32>
      %swap3A_420 = vector.shape_cast %and3A_416 : vector<16xi32> to vector<16xi32>
      tpu.vector_store %arg7[%swap3A_417], %swap3A_420 {strides = array<i32>} : memref<80xi32, #tpu.memory_space<vmem>>, vector<16xi32>,
      %shift_right_logical3A_421 = arith.constant 16 : i32
      %shift_right_logical3A_422 = vector.broadcast %shift_right_logical3A_421 : i32 to vector<16xi32>
      %shift_right_logical3A_423 = arith.shrui %get3A_413, %shift_right_logical3A_422 : vector<16xi32>
      %swap3A_424 = arith.constant 32 : index
      %swap3A_425 = tpu.vector_load %arg8[%swap3A_424] {strides = array<i32>} : memref<80xi32, #tpu.memory_space<vmem>>, vector<16xi32>,
      %swap3A_426 = vector.shape_cast %swap3A_425 : vector<16xi32> to vector<16xi32>
      %swap3A_427 = vector.shape_cast %shift_right_logical3A_423 : vector<16xi32> to vector<16xi32>
      tpu.vector_store %arg8[%swap3A_424], %swap3A_427 {strides = array<i32>} : memref<80xi32, #tpu.memory_space<vmem>>, vector<16xi32>,
      %get3A_428 = arith.constant 0 : i32
      %get3A_429 = tpu.memref_slice %arg6[%min3A_367, %get3A_428] : memref<125x80xi32, #tpu.memory_space<vmem>> -> memref<1x80xi32, #tpu.memory_space<vmem>>
      %get3A_430 = tpu.memref_squeeze %get3A_429 : memref<1x80xi32, #tpu.memory_space<vmem>> -> memref<80xi32, #tpu.memory_space<vmem>>
      %get3A_431 = arith.constant 48 : index
      %get3A_432 = tpu.vector_load %get3A_430[%get3A_431] {strides = array<i32>} : memref<80xi32, #tpu.memory_space<vmem>>, vector<16xi32>,
      %get3A_433 = vector.shape_cast %get3A_432 : vector<16xi32> to vector<16xi32>
      %and3A_434 = arith.constant 65535 : i32
      %and3A_435 = vector.broadcast %and3A_434 : i32 to vector<16xi32>
      %and3A_436 = arith.andi %get3A_433, %and3A_435 : vector<16xi32>
      %swap3A_437 = arith.constant 48 : index
      %swap3A_438 = tpu.vector_load %arg7[%swap3A_437] {strides = array<i32>} : memref<80xi32, #tpu.memory_space<vmem>>, vector<16xi32>,
      %swap3A_439 = vector.shape_cast %swap3A_438 : vector<16xi32> to vector<16xi32>
      %swap3A_440 = vector.shape_cast %and3A_436 : vector<16xi32> to vector<16xi32>
      tpu.vector_store %arg7[%swap3A_437], %swap3A_440 {strides = array<i32>} : memref<80xi32, #tpu.memory_space<vmem>>, vector<16xi32>,
      %shift_right_logical3A_441 = arith.constant 16 : i32
      %shift_right_logical3A_442 = vector.broadcast %shift_right_logical3A_441 : i32 to vector<16xi32>
      %shift_right_logical3A_443 = arith.shrui %get3A_433, %shift_right_logical3A_442 : vector<16xi32>
      %swap3A_444 = arith.constant 48 : index
      %swap3A_445 = tpu.vector_load %arg8[%swap3A_444] {strides = array<i32>} : memref<80xi32, #tpu.memory_space<vmem>>, vector<16xi32>,
      %swap3A_446 = vector.shape_cast %swap3A_445 : vector<16xi32> to vector<16xi32>
      %swap3A_447 = vector.shape_cast %shift_right_logical3A_443 : vector<16xi32> to vector<16xi32>
      tpu.vector_store %arg8[%swap3A_444], %swap3A_447 {strides = array<i32>} : memref<80xi32, #tpu.memory_space<vmem>>, vector<16xi32>,
      %get3A_448 = arith.constant 0 : i32
      %get3A_449 = tpu.memref_slice %arg6[%min3A_367, %get3A_448] : memref<125x80xi32, #tpu.memory_space<vmem>> -> memref<1x80xi32, #tpu.memory_space<vmem>>
      %get3A_450 = tpu.memref_squeeze %get3A_449 : memref<1x80xi32, #tpu.memory_space<vmem>> -> memref<80xi32, #tpu.memory_space<vmem>>
      %get3A_451 = arith.constant 64 : index
      %get3A_452 = tpu.vector_load %get3A_450[%get3A_451] {strides = array<i32>} : memref<80xi32, #tpu.memory_space<vmem>>, vector<16xi32>,
      %get3A_453 = vector.shape_cast %get3A_452 : vector<16xi32> to vector<16xi32>
      %and3A_454 = arith.constant 65535 : i32
      %and3A_455 = vector.broadcast %and3A_454 : i32 to vector<16xi32>
      %and3A_456 = arith.andi %get3A_453, %and3A_455 : vector<16xi32>
      %swap3A_457 = arith.constant 64 : index
      %swap3A_458 = tpu.vector_load %arg7[%swap3A_457] {strides = array<i32>} : memref<80xi32, #tpu.memory_space<vmem>>, vector<16xi32>,
      %swap3A_459 = vector.shape_cast %swap3A_458 : vector<16xi32> to vector<16xi32>
      %swap3A_460 = vector.shape_cast %and3A_456 : vector<16xi32> to vector<16xi32>
      tpu.vector_store %arg7[%swap3A_457], %swap3A_460 {strides = array<i32>} : memref<80xi32, #tpu.memory_space<vmem>>, vector<16xi32>,
      %shift_right_logical3A_461 = arith.constant 16 : i32
      %shift_right_logical3A_462 = vector.broadcast %shift_right_logical3A_461 : i32 to vector<16xi32>
      %shift_right_logical3A_463 = arith.shrui %get3A_453, %shift_right_logical3A_462 : vector<16xi32>
      %swap3A_464 = arith.constant 64 : index
      %swap3A_465 = tpu.vector_load %arg8[%swap3A_464] {strides = array<i32>} : memref<80xi32, #tpu.memory_space<vmem>>, vector<16xi32>,
      %swap3A_466 = vector.shape_cast %swap3A_465 : vector<16xi32> to vector<16xi32>
      %swap3A_467 = vector.shape_cast %shift_right_logical3A_463 : vector<16xi32> to vector<16xi32>
      tpu.vector_store %arg8[%swap3A_464], %swap3A_467 {strides = array<i32>} : memref<80xi32, #tpu.memory_space<vmem>>, vector<16xi32>,
      %dma_start3A_468 = arith.constant 0 : i32
      %dma_start3A_469 = arith.constant 0 : i32
      %dma_start3A_470 = tpu.memref_slice %arg2[%dma_start3A_468, %dma_start3A_469] : memref<10000x128xf32, #tpu.memory_space<hbm>> -> memref<10000x128xf32, #tpu.memory_space<hbm>>
      tpu.enqueue_indirect_dma source(%dma_start3A_470 : memref<10000x128xf32, #tpu.memory_space<hbm>>) target(%arg13 : memref<80x128xf32, #tpu.memory_space<vmem>>) offsets(%arg7 : memref<80xi32, #tpu.memory_space<vmem>>) semaphore(%arg17 : memref<!tpu.dma_semaphore, #tpu.memory_space<semaphore_mem>>)
      %dma_wait3A_471 = arith.constant 0 : i32
      %dma_wait3A_472 = arith.constant 0 : i32
      %dma_wait3A_473 = tpu.memref_slice %arg2[%dma_wait3A_471, %dma_wait3A_472] : memref<10000x128xf32, #tpu.memory_space<hbm>> -> memref<10000x128xf32, #tpu.memory_space<hbm>>
      tpu.wait_indirect_dma semaphore(%arg18 : memref<!tpu.dma_semaphore, #tpu.memory_space<semaphore_mem>>) src(%dma_wait3A_473 : memref<10000x128xf32, #tpu.memory_space<hbm>>) dst(%arg14 : memref<80x128xf32, #tpu.memory_space<vmem>>)
      "tpu.region"() ({
        %run_scoped3A = tpu.sem_alloc : memref<!tpu.dma_semaphore, #tpu.memory_space<semaphore_mem>>
        %dma_start3A_688 = arith.constant 0 : i32
        %dma_start3A_689 = arith.constant 0 : i32
        %dma_start3A_690 = tpu.memref_slice %arg16[%dma_start3A_688, %dma_start3A_689] : memref<10240x128xf32, #tpu.memory_space<vmem_shared>> -> memref<10240x128xf32, #tpu.memory_space<vmem_shared>>
        tpu.enqueue_indirect_dma source(%arg14 : memref<80x128xf32, #tpu.memory_space<vmem>>) target(%dma_start3A_690 : memref<10240x128xf32, #tpu.memory_space<vmem_shared>>) offsets(%arg10 : memref<80xi32, #tpu.memory_space<vmem>>) semaphore(%run_scoped3A : memref<!tpu.dma_semaphore, #tpu.memory_space<semaphore_mem>>) {add = true}
        %dma_wait3A_691 = arith.constant 0 : i32
        %dma_wait3A_692 = arith.constant 0 : i32
        %dma_wait3A_693 = tpu.memref_slice %arg16[%dma_wait3A_691, %dma_wait3A_692] : memref<10240x128xf32, #tpu.memory_space<vmem_shared>> -> memref<10240x128xf32, #tpu.memory_space<vmem_shared>>
        tpu.wait_indirect_dma semaphore(%run_scoped3A : memref<!tpu.dma_semaphore, #tpu.memory_space<semaphore_mem>>) src(%arg14 : memref<80x128xf32, #tpu.memory_space<vmem>>) dst(%dma_wait3A_693 : memref<10240x128xf32, #tpu.memory_space<vmem_shared>>)
        tpu.yield
      }) : () -> ()
      %add3A_474 = arith.constant 4 : i32
      %add3A_475 = arith.addi %mul3A_358, %add3A_474 : i32
      %min3A_476 = arith.constant 124 : i32
      %min3A_477 = arith.minsi %add3A_475, %min3A_476 : i32
      %get3A_478 = arith.constant 0 : i32
      %get3A_479 = tpu.memref_slice %arg6[%min3A_477, %get3A_478] : memref<125x80xi32, #tpu.memory_space<vmem>> -> memref<1x80xi32, #tpu.memory_space<vmem>>
      %get3A_480 = tpu.memref_squeeze %get3A_479 : memref<1x80xi32, #tpu.memory_space<vmem>> -> memref<80xi32, #tpu.memory_space<vmem>>
      %get3A_481 = arith.constant 0 : index
      %get3A_482 = tpu.vector_load %get3A_480[%get3A_481] {strides = array<i32>} : memref<80xi32, #tpu.memory_space<vmem>>, vector<16xi32>,
      %get3A_483 = vector.shape_cast %get3A_482 : vector<16xi32> to vector<16xi32>
      %and3A_484 = arith.constant 65535 : i32
      %and3A_485 = vector.broadcast %and3A_484 : i32 to vector<16xi32>
      %and3A_486 = arith.andi %get3A_483, %and3A_485 : vector<16xi32>
      %swap3A_487 = arith.constant 0 : index
      %swap3A_488 = tpu.vector_load %arg9[%swap3A_487] {strides = array<i32>} : memref<80xi32, #tpu.memory_space<vmem>>, vector<16xi32>,
      %swap3A_489 = vector.shape_cast %swap3A_488 : vector<16xi32> to vector<16xi32>
      %swap3A_490 = vector.shape_cast %and3A_486 : vector<16xi32> to vector<16xi32>
      tpu.vector_store %arg9[%swap3A_487], %swap3A_490 {strides = array<i32>} : memref<80xi32, #tpu.memory_space<vmem>>, vector<16xi32>,
      %shift_right_logical3A_491 = arith.constant 16 : i32
      %shift_right_logical3A_492 = vector.broadcast %shift_right_logical3A_491 : i32 to vector<16xi32>
      %shift_right_logical3A_493 = arith.shrui %get3A_483, %shift_right_logical3A_492 : vector<16xi32>
      %swap3A_494 = arith.constant 0 : index
      %swap3A_495 = tpu.vector_load %arg10[%swap3A_494] {strides = array<i32>} : memref<80xi32, #tpu.memory_space<vmem>>, vector<16xi32>,
      %swap3A_496 = vector.shape_cast %swap3A_495 : vector<16xi32> to vector<16xi32>
      %swap3A_497 = vector.shape_cast %shift_right_logical3A_493 : vector<16xi32> to vector<16xi32>
      tpu.vector_store %arg10[%swap3A_494], %swap3A_497 {strides = array<i32>} : memref<80xi32, #tpu.memory_space<vmem>>, vector<16xi32>,
      %get3A_498 = arith.constant 0 : i32
      %get3A_499 = tpu.memref_slice %arg6[%min3A_477, %get3A_498] : memref<125x80xi32, #tpu.memory_space<vmem>> -> memref<1x80xi32, #tpu.memory_space<vmem>>
      %get3A_500 = tpu.memref_squeeze %get3A_499 : memref<1x80xi32, #tpu.memory_space<vmem>> -> memref<80xi32, #tpu.memory_space<vmem>>
      %get3A_501 = arith.constant 16 : index
      %get3A_502 = tpu.vector_load %get3A_500[%get3A_501] {strides = array<i32>} : memref<80xi32, #tpu.memory_space<vmem>>, vector<16xi32>,
      %get3A_503 = vector.shape_cast %get3A_502 : vector<16xi32> to vector<16xi32>
      %and3A_504 = arith.constant 65535 : i32
      %and3A_505 = vector.broadcast %and3A_504 : i32 to vector<16xi32>
      %and3A_506 = arith.andi %get3A_503, %and3A_505 : vector<16xi32>
      %swap3A_507 = arith.constant 16 : index
      %swap3A_508 = tpu.vector_load %arg9[%swap3A_507] {strides = array<i32>} : memref<80xi32, #tpu.memory_space<vmem>>, vector<16xi32>,
      %swap3A_509 = vector.shape_cast %swap3A_508 : vector<16xi32> to vector<16xi32>
      %swap3A_510 = vector.shape_cast %and3A_506 : vector<16xi32> to vector<16xi32>
      tpu.vector_store %arg9[%swap3A_507], %swap3A_510 {strides = array<i32>} : memref<80xi32, #tpu.memory_space<vmem>>, vector<16xi32>,
      %shift_right_logical3A_511 = arith.constant 16 : i32
      %shift_right_logical3A_512 = vector.broadcast %shift_right_logical3A_511 : i32 to vector<16xi32>
      %shift_right_logical3A_513 = arith.shrui %get3A_503, %shift_right_logical3A_512 : vector<16xi32>
      %swap3A_514 = arith.constant 16 : index
      %swap3A_515 = tpu.vector_load %arg10[%swap3A_514] {strides = array<i32>} : memref<80xi32, #tpu.memory_space<vmem>>, vector<16xi32>,
      %swap3A_516 = vector.shape_cast %swap3A_515 : vector<16xi32> to vector<16xi32>
      %swap3A_517 = vector.shape_cast %shift_right_logical3A_513 : vector<16xi32> to vector<16xi32>
      tpu.vector_store %arg10[%swap3A_514], %swap3A_517 {strides = array<i32>} : memref<80xi32, #tpu.memory_space<vmem>>, vector<16xi32>,
      %get3A_518 = arith.constant 0 : i32
      %get3A_519 = tpu.memref_slice %arg6[%min3A_477, %get3A_518] : memref<125x80xi32, #tpu.memory_space<vmem>> -> memref<1x80xi32, #tpu.memory_space<vmem>>
      %get3A_520 = tpu.memref_squeeze %get3A_519 : memref<1x80xi32, #tpu.memory_space<vmem>> -> memref<80xi32, #tpu.memory_space<vmem>>
      %get3A_521 = arith.constant 32 : index
      %get3A_522 = tpu.vector_load %get3A_520[%get3A_521] {strides = array<i32>} : memref<80xi32, #tpu.memory_space<vmem>>, vector<16xi32>,
      %get3A_523 = vector.shape_cast %get3A_522 : vector<16xi32> to vector<16xi32>
      %and3A_524 = arith.constant 65535 : i32
      %and3A_525 = vector.broadcast %and3A_524 : i32 to vector<16xi32>
      %and3A_526 = arith.andi %get3A_523, %and3A_525 : vector<16xi32>
      %swap3A_527 = arith.constant 32 : index
      %swap3A_528 = tpu.vector_load %arg9[%swap3A_527] {strides = array<i32>} : memref<80xi32, #tpu.memory_space<vmem>>, vector<16xi32>,
      %swap3A_529 = vector.shape_cast %swap3A_528 : vector<16xi32> to vector<16xi32>
      %swap3A_530 = vector.shape_cast %and3A_526 : vector<16xi32> to vector<16xi32>
      tpu.vector_store %arg9[%swap3A_527], %swap3A_530 {strides = array<i32>} : memref<80xi32, #tpu.memory_space<vmem>>, vector<16xi32>,
      %shift_right_logical3A_531 = arith.constant 16 : i32
      %shift_right_logical3A_532 = vector.broadcast %shift_right_logical3A_531 : i32 to vector<16xi32>
      %shift_right_logical3A_533 = arith.shrui %get3A_523, %shift_right_logical3A_532 : vector<16xi32>
      %swap3A_534 = arith.constant 32 : index
      %swap3A_535 = tpu.vector_load %arg10[%swap3A_534] {strides = array<i32>} : memref<80xi32, #tpu.memory_space<vmem>>, vector<16xi32>,
      %swap3A_536 = vector.shape_cast %swap3A_535 : vector<16xi32> to vector<16xi32>
      %swap3A_537 = vector.shape_cast %shift_right_logical3A_533 : vector<16xi32> to vector<16xi32>
      tpu.vector_store %arg10[%swap3A_534], %swap3A_537 {strides = array<i32>} : memref<80xi32, #tpu.memory_space<vmem>>, vector<16xi32>,
      %get3A_538 = arith.constant 0 : i32
      %get3A_539 = tpu.memref_slice %arg6[%min3A_477, %get3A_538] : memref<125x80xi32, #tpu.memory_space<vmem>> -> memref<1x80xi32, #tpu.memory_space<vmem>>
      %get3A_540 = tpu.memref_squeeze %get3A_539 : memref<1x80xi32, #tpu.memory_space<vmem>> -> memref<80xi32, #tpu.memory_space<vmem>>
      %get3A_541 = arith.constant 48 : index
      %get3A_542 = tpu.vector_load %get3A_540[%get3A_541] {strides = array<i32>} : memref<80xi32, #tpu.memory_space<vmem>>, vector<16xi32>,
      %get3A_543 = vector.shape_cast %get3A_542 : vector<16xi32> to vector<16xi32>
      %and3A_544 = arith.constant 65535 : i32
      %and3A_545 = vector.broadcast %and3A_544 : i32 to vector<16xi32>
      %and3A_546 = arith.andi %get3A_543, %and3A_545 : vector<16xi32>
      %swap3A_547 = arith.constant 48 : index
      %swap3A_548 = tpu.vector_load %arg9[%swap3A_547] {strides = array<i32>} : memref<80xi32, #tpu.memory_space<vmem>>, vector<16xi32>,
      %swap3A_549 = vector.shape_cast %swap3A_548 : vector<16xi32> to vector<16xi32>
      %swap3A_550 = vector.shape_cast %and3A_546 : vector<16xi32> to vector<16xi32>
      tpu.vector_store %arg9[%swap3A_547], %swap3A_550 {strides = array<i32>} : memref<80xi32, #tpu.memory_space<vmem>>, vector<16xi32>,
      %shift_right_logical3A_551 = arith.constant 16 : i32
      %shift_right_logical3A_552 = vector.broadcast %shift_right_logical3A_551 : i32 to vector<16xi32>
      %shift_right_logical3A_553 = arith.shrui %get3A_543, %shift_right_logical3A_552 : vector<16xi32>
      %swap3A_554 = arith.constant 48 : index
      %swap3A_555 = tpu.vector_load %arg10[%swap3A_554] {strides = array<i32>} : memref<80xi32, #tpu.memory_space<vmem>>, vector<16xi32>,
      %swap3A_556 = vector.shape_cast %swap3A_555 : vector<16xi32> to vector<16xi32>
      %swap3A_557 = vector.shape_cast %shift_right_logical3A_553 : vector<16xi32> to vector<16xi32>
      tpu.vector_store %arg10[%swap3A_554], %swap3A_557 {strides = array<i32>} : memref<80xi32, #tpu.memory_space<vmem>>, vector<16xi32>,
      %get3A_558 = arith.constant 0 : i32
      %get3A_559 = tpu.memref_slice %arg6[%min3A_477, %get3A_558] : memref<125x80xi32, #tpu.memory_space<vmem>> -> memref<1x80xi32, #tpu.memory_space<vmem>>
      %get3A_560 = tpu.memref_squeeze %get3A_559 : memref<1x80xi32, #tpu.memory_space<vmem>> -> memref<80xi32, #tpu.memory_space<vmem>>
      %get3A_561 = arith.constant 64 : index
      %get3A_562 = tpu.vector_load %get3A_560[%get3A_561] {strides = array<i32>} : memref<80xi32, #tpu.memory_space<vmem>>, vector<16xi32>,
      %get3A_563 = vector.shape_cast %get3A_562 : vector<16xi32> to vector<16xi32>
      %and3A_564 = arith.constant 65535 : i32
      %and3A_565 = vector.broadcast %and3A_564 : i32 to vector<16xi32>
      %and3A_566 = arith.andi %get3A_563, %and3A_565 : vector<16xi32>
      %swap3A_567 = arith.constant 64 : index
      %swap3A_568 = tpu.vector_load %arg9[%swap3A_567] {strides = array<i32>} : memref<80xi32, #tpu.memory_space<vmem>>, vector<16xi32>,
      %swap3A_569 = vector.shape_cast %swap3A_568 : vector<16xi32> to vector<16xi32>
      %swap3A_570 = vector.shape_cast %and3A_566 : vector<16xi32> to vector<16xi32>
      tpu.vector_store %arg9[%swap3A_567], %swap3A_570 {strides = array<i32>} : memref<80xi32, #tpu.memory_space<vmem>>, vector<16xi32>,
      %shift_right_logical3A_571 = arith.constant 16 : i32
      %shift_right_logical3A_572 = vector.broadcast %shift_right_logical3A_571 : i32 to vector<16xi32>
      %shift_right_logical3A_573 = arith.shrui %get3A_563, %shift_right_logical3A_572 : vector<16xi32>
      %swap3A_574 = arith.constant 64 : index
      %swap3A_575 = tpu.vector_load %arg10[%swap3A_574] {strides = array<i32>} : memref<80xi32, #tpu.memory_space<vmem>>, vector<16xi32>,
      %swap3A_576 = vector.shape_cast %swap3A_575 : vector<16xi32> to vector<16xi32>
      %swap3A_577 = vector.shape_cast %shift_right_logical3A_573 : vector<16xi32> to vector<16xi32>
      tpu.vector_store %arg10[%swap3A_574], %swap3A_577 {strides = array<i32>} : memref<80xi32, #tpu.memory_space<vmem>>, vector<16xi32>,
      %dma_start3A_578 = arith.constant 0 : i32
      %dma_start3A_579 = arith.constant 0 : i32
      %dma_start3A_580 = tpu.memref_slice %arg2[%dma_start3A_578, %dma_start3A_579] : memref<10000x128xf32, #tpu.memory_space<hbm>> -> memref<10000x128xf32, #tpu.memory_space<hbm>>
      tpu.enqueue_indirect_dma source(%dma_start3A_580 : memref<10000x128xf32, #tpu.memory_space<hbm>>) target(%arg14 : memref<80x128xf32, #tpu.memory_space<vmem>>) offsets(%arg9 : memref<80xi32, #tpu.memory_space<vmem>>) semaphore(%arg18 : memref<!tpu.dma_semaphore, #tpu.memory_space<semaphore_mem>>)
      %dma_wait3A_581 = arith.constant 0 : i32
      %dma_wait3A_582 = arith.constant 0 : i32
      %dma_wait3A_583 = tpu.memref_slice %arg2[%dma_wait3A_581, %dma_wait3A_582] : memref<10000x128xf32, #tpu.memory_space<hbm>> -> memref<10000x128xf32, #tpu.memory_space<hbm>>
      tpu.wait_indirect_dma semaphore(%arg19 : memref<!tpu.dma_semaphore, #tpu.memory_space<semaphore_mem>>) src(%dma_wait3A_583 : memref<10000x128xf32, #tpu.memory_space<hbm>>) dst(%arg15 : memref<80x128xf32, #tpu.memory_space<vmem>>)
      "tpu.region"() ({
        %run_scoped3A = tpu.sem_alloc : memref<!tpu.dma_semaphore, #tpu.memory_space<semaphore_mem>>
        %dma_start3A_688 = arith.constant 0 : i32
        %dma_start3A_689 = arith.constant 0 : i32
        %dma_start3A_690 = tpu.memref_slice %arg16[%dma_start3A_688, %dma_start3A_689] : memref<10240x128xf32, #tpu.memory_space<vmem_shared>> -> memref<10240x128xf32, #tpu.memory_space<vmem_shared>>
        tpu.enqueue_indirect_dma source(%arg15 : memref<80x128xf32, #tpu.memory_space<vmem>>) target(%dma_start3A_690 : memref<10240x128xf32, #tpu.memory_space<vmem_shared>>) offsets(%arg12 : memref<80xi32, #tpu.memory_space<vmem>>) semaphore(%run_scoped3A : memref<!tpu.dma_semaphore, #tpu.memory_space<semaphore_mem>>) {add = true}
        %dma_wait3A_691 = arith.constant 0 : i32
        %dma_wait3A_692 = arith.constant 0 : i32
        %dma_wait3A_693 = tpu.memref_slice %arg16[%dma_wait3A_691, %dma_wait3A_692] : memref<10240x128xf32, #tpu.memory_space<vmem_shared>> -> memref<10240x128xf32, #tpu.memory_space<vmem_shared>>
        tpu.wait_indirect_dma semaphore(%run_scoped3A : memref<!tpu.dma_semaphore, #tpu.memory_space<semaphore_mem>>) src(%arg15 : memref<80x128xf32, #tpu.memory_space<vmem>>) dst(%dma_wait3A_693 : memref<10240x128xf32, #tpu.memory_space<vmem_shared>>)
        tpu.yield
      }) : () -> ()
      %add3A_584 = arith.constant 5 : i32
      %add3A_585 = arith.addi %mul3A_358, %add3A_584 : i32
      %min3A_586 = arith.constant 124 : i32
      %min3A_587 = arith.minsi %add3A_585, %min3A_586 : i32
      %get3A_588 = arith.constant 0 : i32
      %get3A_589 = tpu.memref_slice %arg6[%min3A_587, %get3A_588] : memref<125x80xi32, #tpu.memory_space<vmem>> -> memref<1x80xi32, #tpu.memory_space<vmem>>
      %get3A_590 = tpu.memref_squeeze %get3A_589 : memref<1x80xi32, #tpu.memory_space<vmem>> -> memref<80xi32, #tpu.memory_space<vmem>>
      %get3A_591 = arith.constant 0 : index
      %get3A_592 = tpu.vector_load %get3A_590[%get3A_591] {strides = array<i32>} : memref<80xi32, #tpu.memory_space<vmem>>, vector<16xi32>,
      %get3A_593 = vector.shape_cast %get3A_592 : vector<16xi32> to vector<16xi32>
      %and3A_594 = arith.constant 65535 : i32
      %and3A_595 = vector.broadcast %and3A_594 : i32 to vector<16xi32>
      %and3A_596 = arith.andi %get3A_593, %and3A_595 : vector<16xi32>
      %swap3A_597 = arith.constant 0 : index
      %swap3A_598 = tpu.vector_load %arg11[%swap3A_597] {strides = array<i32>} : memref<80xi32, #tpu.memory_space<vmem>>, vector<16xi32>,
      %swap3A_599 = vector.shape_cast %swap3A_598 : vector<16xi32> to vector<16xi32>
      %swap3A_600 = vector.shape_cast %and3A_596 : vector<16xi32> to vector<16xi32>
      tpu.vector_store %arg11[%swap3A_597], %swap3A_600 {strides = array<i32>} : memref<80xi32, #tpu.memory_space<vmem>>, vector<16xi32>,
      %shift_right_logical3A_601 = arith.constant 16 : i32
      %shift_right_logical3A_602 = vector.broadcast %shift_right_logical3A_601 : i32 to vector<16xi32>
      %shift_right_logical3A_603 = arith.shrui %get3A_593, %shift_right_logical3A_602 : vector<16xi32>
      %swap3A_604 = arith.constant 0 : index
      %swap3A_605 = tpu.vector_load %arg12[%swap3A_604] {strides = array<i32>} : memref<80xi32, #tpu.memory_space<vmem>>, vector<16xi32>,
      %swap3A_606 = vector.shape_cast %swap3A_605 : vector<16xi32> to vector<16xi32>
      %swap3A_607 = vector.shape_cast %shift_right_logical3A_603 : vector<16xi32> to vector<16xi32>
      tpu.vector_store %arg12[%swap3A_604], %swap3A_607 {strides = array<i32>} : memref<80xi32, #tpu.memory_space<vmem>>, vector<16xi32>,
      %get3A_608 = arith.constant 0 : i32
      %get3A_609 = tpu.memref_slice %arg6[%min3A_587, %get3A_608] : memref<125x80xi32, #tpu.memory_space<vmem>> -> memref<1x80xi32, #tpu.memory_space<vmem>>
      %get3A_610 = tpu.memref_squeeze %get3A_609 : memref<1x80xi32, #tpu.memory_space<vmem>> -> memref<80xi32, #tpu.memory_space<vmem>>
      %get3A_611 = arith.constant 16 : index
      %get3A_612 = tpu.vector_load %get3A_610[%get3A_611] {strides = array<i32>} : memref<80xi32, #tpu.memory_space<vmem>>, vector<16xi32>,
      %get3A_613 = vector.shape_cast %get3A_612 : vector<16xi32> to vector<16xi32>
      %and3A_614 = arith.constant 65535 : i32
      %and3A_615 = vector.broadcast %and3A_614 : i32 to vector<16xi32>
      %and3A_616 = arith.andi %get3A_613, %and3A_615 : vector<16xi32>
      %swap3A_617 = arith.constant 16 : index
      %swap3A_618 = tpu.vector_load %arg11[%swap3A_617] {strides = array<i32>} : memref<80xi32, #tpu.memory_space<vmem>>, vector<16xi32>,
      %swap3A_619 = vector.shape_cast %swap3A_618 : vector<16xi32> to vector<16xi32>
      %swap3A_620 = vector.shape_cast %and3A_616 : vector<16xi32> to vector<16xi32>
      tpu.vector_store %arg11[%swap3A_617], %swap3A_620 {strides = array<i32>} : memref<80xi32, #tpu.memory_space<vmem>>, vector<16xi32>,
      %shift_right_logical3A_621 = arith.constant 16 : i32
      %shift_right_logical3A_622 = vector.broadcast %shift_right_logical3A_621 : i32 to vector<16xi32>
      %shift_right_logical3A_623 = arith.shrui %get3A_613, %shift_right_logical3A_622 : vector<16xi32>
      %swap3A_624 = arith.constant 16 : index
      %swap3A_625 = tpu.vector_load %arg12[%swap3A_624] {strides = array<i32>} : memref<80xi32, #tpu.memory_space<vmem>>, vector<16xi32>,
      %swap3A_626 = vector.shape_cast %swap3A_625 : vector<16xi32> to vector<16xi32>
      %swap3A_627 = vector.shape_cast %shift_right_logical3A_623 : vector<16xi32> to vector<16xi32>
      tpu.vector_store %arg12[%swap3A_624], %swap3A_627 {strides = array<i32>} : memref<80xi32, #tpu.memory_space<vmem>>, vector<16xi32>,
      %get3A_628 = arith.constant 0 : i32
      %get3A_629 = tpu.memref_slice %arg6[%min3A_587, %get3A_628] : memref<125x80xi32, #tpu.memory_space<vmem>> -> memref<1x80xi32, #tpu.memory_space<vmem>>
      %get3A_630 = tpu.memref_squeeze %get3A_629 : memref<1x80xi32, #tpu.memory_space<vmem>> -> memref<80xi32, #tpu.memory_space<vmem>>
      %get3A_631 = arith.constant 32 : index
      %get3A_632 = tpu.vector_load %get3A_630[%get3A_631] {strides = array<i32>} : memref<80xi32, #tpu.memory_space<vmem>>, vector<16xi32>,
      %get3A_633 = vector.shape_cast %get3A_632 : vector<16xi32> to vector<16xi32>
      %and3A_634 = arith.constant 65535 : i32
      %and3A_635 = vector.broadcast %and3A_634 : i32 to vector<16xi32>
      %and3A_636 = arith.andi %get3A_633, %and3A_635 : vector<16xi32>
      %swap3A_637 = arith.constant 32 : index
      %swap3A_638 = tpu.vector_load %arg11[%swap3A_637] {strides = array<i32>} : memref<80xi32, #tpu.memory_space<vmem>>, vector<16xi32>,
      %swap3A_639 = vector.shape_cast %swap3A_638 : vector<16xi32> to vector<16xi32>
      %swap3A_640 = vector.shape_cast %and3A_636 : vector<16xi32> to vector<16xi32>
      tpu.vector_store %arg11[%swap3A_637], %swap3A_640 {strides = array<i32>} : memref<80xi32, #tpu.memory_space<vmem>>, vector<16xi32>,
      %shift_right_logical3A_641 = arith.constant 16 : i32
      %shift_right_logical3A_642 = vector.broadcast %shift_right_logical3A_641 : i32 to vector<16xi32>
      %shift_right_logical3A_643 = arith.shrui %get3A_633, %shift_right_logical3A_642 : vector<16xi32>
      %swap3A_644 = arith.constant 32 : index
      %swap3A_645 = tpu.vector_load %arg12[%swap3A_644] {strides = array<i32>} : memref<80xi32, #tpu.memory_space<vmem>>, vector<16xi32>,
      %swap3A_646 = vector.shape_cast %swap3A_645 : vector<16xi32> to vector<16xi32>
      %swap3A_647 = vector.shape_cast %shift_right_logical3A_643 : vector<16xi32> to vector<16xi32>
      tpu.vector_store %arg12[%swap3A_644], %swap3A_647 {strides = array<i32>} : memref<80xi32, #tpu.memory_space<vmem>>, vector<16xi32>,
      %get3A_648 = arith.constant 0 : i32
      %get3A_649 = tpu.memref_slice %arg6[%min3A_587, %get3A_648] : memref<125x80xi32, #tpu.memory_space<vmem>> -> memref<1x80xi32, #tpu.memory_space<vmem>>
      %get3A_650 = tpu.memref_squeeze %get3A_649 : memref<1x80xi32, #tpu.memory_space<vmem>> -> memref<80xi32, #tpu.memory_space<vmem>>
      %get3A_651 = arith.constant 48 : index
      %get3A_652 = tpu.vector_load %get3A_650[%get3A_651] {strides = array<i32>} : memref<80xi32, #tpu.memory_space<vmem>>, vector<16xi32>,
      %get3A_653 = vector.shape_cast %get3A_652 : vector<16xi32> to vector<16xi32>
      %and3A_654 = arith.constant 65535 : i32
      %and3A_655 = vector.broadcast %and3A_654 : i32 to vector<16xi32>
      %and3A_656 = arith.andi %get3A_653, %and3A_655 : vector<16xi32>
      %swap3A_657 = arith.constant 48 : index
      %swap3A_658 = tpu.vector_load %arg11[%swap3A_657] {strides = array<i32>} : memref<80xi32, #tpu.memory_space<vmem>>, vector<16xi32>,
      %swap3A_659 = vector.shape_cast %swap3A_658 : vector<16xi32> to vector<16xi32>
      %swap3A_660 = vector.shape_cast %and3A_656 : vector<16xi32> to vector<16xi32>
      tpu.vector_store %arg11[%swap3A_657], %swap3A_660 {strides = array<i32>} : memref<80xi32, #tpu.memory_space<vmem>>, vector<16xi32>,
      %shift_right_logical3A_661 = arith.constant 16 : i32
      %shift_right_logical3A_662 = vector.broadcast %shift_right_logical3A_661 : i32 to vector<16xi32>
      %shift_right_logical3A_663 = arith.shrui %get3A_653, %shift_right_logical3A_662 : vector<16xi32>
      %swap3A_664 = arith.constant 48 : index
      %swap3A_665 = tpu.vector_load %arg12[%swap3A_664] {strides = array<i32>} : memref<80xi32, #tpu.memory_space<vmem>>, vector<16xi32>,
      %swap3A_666 = vector.shape_cast %swap3A_665 : vector<16xi32> to vector<16xi32>
      %swap3A_667 = vector.shape_cast %shift_right_logical3A_663 : vector<16xi32> to vector<16xi32>
      tpu.vector_store %arg12[%swap3A_664], %swap3A_667 {strides = array<i32>} : memref<80xi32, #tpu.memory_space<vmem>>, vector<16xi32>,
      %get3A_668 = arith.constant 0 : i32
      %get3A_669 = tpu.memref_slice %arg6[%min3A_587, %get3A_668] : memref<125x80xi32, #tpu.memory_space<vmem>> -> memref<1x80xi32, #tpu.memory_space<vmem>>
      %get3A_670 = tpu.memref_squeeze %get3A_669 : memref<1x80xi32, #tpu.memory_space<vmem>> -> memref<80xi32, #tpu.memory_space<vmem>>
      %get3A_671 = arith.constant 64 : index
      %get3A_672 = tpu.vector_load %get3A_670[%get3A_671] {strides = array<i32>} : memref<80xi32, #tpu.memory_space<vmem>>, vector<16xi32>,
      %get3A_673 = vector.shape_cast %get3A_672 : vector<16xi32> to vector<16xi32>
      %and3A_674 = arith.constant 65535 : i32
      %and3A_675 = vector.broadcast %and3A_674 : i32 to vector<16xi32>
      %and3A_676 = arith.andi %get3A_673, %and3A_675 : vector<16xi32>
      %swap3A_677 = arith.constant 64 : index
      %swap3A_678 = tpu.vector_load %arg11[%swap3A_677] {strides = array<i32>} : memref<80xi32, #tpu.memory_space<vmem>>, vector<16xi32>,
      %swap3A_679 = vector.shape_cast %swap3A_678 : vector<16xi32> to vector<16xi32>
      %swap3A_680 = vector.shape_cast %and3A_676 : vector<16xi32> to vector<16xi32>
      tpu.vector_store %arg11[%swap3A_677], %swap3A_680 {strides = array<i32>} : memref<80xi32, #tpu.memory_space<vmem>>, vector<16xi32>,
      %shift_right_logical3A_681 = arith.constant 16 : i32
      %shift_right_logical3A_682 = vector.broadcast %shift_right_logical3A_681 : i32 to vector<16xi32>
      %shift_right_logical3A_683 = arith.shrui %get3A_673, %shift_right_logical3A_682 : vector<16xi32>
      %swap3A_684 = arith.constant 64 : index
      %swap3A_685 = tpu.vector_load %arg12[%swap3A_684] {strides = array<i32>} : memref<80xi32, #tpu.memory_space<vmem>>, vector<16xi32>,
      %swap3A_686 = vector.shape_cast %swap3A_685 : vector<16xi32> to vector<16xi32>
      %swap3A_687 = vector.shape_cast %shift_right_logical3A_683 : vector<16xi32> to vector<16xi32>
      tpu.vector_store %arg12[%swap3A_684], %swap3A_687 {strides = array<i32>} : memref<80xi32, #tpu.memory_space<vmem>>, vector<16xi32>,
    }
    %scan3A_344 = arith.constant 41 : i32
    %dma_wait3A_345 = arith.constant 0 : i32
    %dma_wait3A_346 = arith.constant 0 : i32
    %dma_wait3A_347 = tpu.memref_slice %arg2[%dma_wait3A_345, %dma_wait3A_346] : memref<10000x128xf32, #tpu.memory_space<hbm>> -> memref<10000x128xf32, #tpu.memory_space<hbm>>
    tpu.wait_indirect_dma semaphore(%arg17 : memref<!tpu.dma_semaphore, #tpu.memory_space<semaphore_mem>>) src(%dma_wait3A_347 : memref<10000x128xf32, #tpu.memory_space<hbm>>) dst(%arg13 : memref<80x128xf32, #tpu.memory_space<vmem>>)
    "tpu.region"() ({
      %run_scoped3A = tpu.sem_alloc : memref<!tpu.dma_semaphore, #tpu.memory_space<semaphore_mem>>
      %dma_start3A_356 = arith.constant 0 : i32
      %dma_start3A_357 = arith.constant 0 : i32
      %dma_start3A_358 = tpu.memref_slice %arg16[%dma_start3A_356, %dma_start3A_357] : memref<10240x128xf32, #tpu.memory_space<vmem_shared>> -> memref<10240x128xf32, #tpu.memory_space<vmem_shared>>
      tpu.enqueue_indirect_dma source(%arg13 : memref<80x128xf32, #tpu.memory_space<vmem>>) target(%dma_start3A_358 : memref<10240x128xf32, #tpu.memory_space<vmem_shared>>) offsets(%arg8 : memref<80xi32, #tpu.memory_space<vmem>>) semaphore(%run_scoped3A : memref<!tpu.dma_semaphore, #tpu.memory_space<semaphore_mem>>) {add = true}
      %dma_wait3A_359 = arith.constant 0 : i32
      %dma_wait3A_360 = arith.constant 0 : i32
      %dma_wait3A_361 = tpu.memref_slice %arg16[%dma_wait3A_359, %dma_wait3A_360] : memref<10240x128xf32, #tpu.memory_space<vmem_shared>> -> memref<10240x128xf32, #tpu.memory_space<vmem_shared>>
      tpu.wait_indirect_dma semaphore(%run_scoped3A : memref<!tpu.dma_semaphore, #tpu.memory_space<semaphore_mem>>) src(%arg13 : memref<80x128xf32, #tpu.memory_space<vmem>>) dst(%dma_wait3A_361 : memref<10240x128xf32, #tpu.memory_space<vmem_shared>>)
      tpu.yield
    }) : () -> ()
    %dma_wait3A_348 = arith.constant 0 : i32
    %dma_wait3A_349 = arith.constant 0 : i32
    %dma_wait3A_350 = tpu.memref_slice %arg2[%dma_wait3A_348, %dma_wait3A_349] : memref<10000x128xf32, #tpu.memory_space<hbm>> -> memref<10000x128xf32, #tpu.memory_space<hbm>>
    tpu.wait_indirect_dma semaphore(%arg18 : memref<!tpu.dma_semaphore, #tpu.memory_space<semaphore_mem>>) src(%dma_wait3A_350 : memref<10000x128xf32, #tpu.memory_space<hbm>>) dst(%arg14 : memref<80x128xf32, #tpu.memory_space<vmem>>)
    "tpu.region"() ({
      %run_scoped3A = tpu.sem_alloc : memref<!tpu.dma_semaphore, #tpu.memory_space<semaphore_mem>>
      %dma_start3A_356 = arith.constant 0 : i32
      %dma_start3A_357 = arith.constant 0 : i32
      %dma_start3A_358 = tpu.memref_slice %arg16[%dma_start3A_356, %dma_start3A_357] : memref<10240x128xf32, #tpu.memory_space<vmem_shared>> -> memref<10240x128xf32, #tpu.memory_space<vmem_shared>>
      tpu.enqueue_indirect_dma source(%arg14 : memref<80x128xf32, #tpu.memory_space<vmem>>) target(%dma_start3A_358 : memref<10240x128xf32, #tpu.memory_space<vmem_shared>>) offsets(%arg10 : memref<80xi32, #tpu.memory_space<vmem>>) semaphore(%run_scoped3A : memref<!tpu.dma_semaphore, #tpu.memory_space<semaphore_mem>>) {add = true}
      %dma_wait3A_359 = arith.constant 0 : i32
      %dma_wait3A_360 = arith.constant 0 : i32
      %dma_wait3A_361 = tpu.memref_slice %arg16[%dma_wait3A_359, %dma_wait3A_360] : memref<10240x128xf32, #tpu.memory_space<vmem_shared>> -> memref<10240x128xf32, #tpu.memory_space<vmem_shared>>
      tpu.wait_indirect_dma semaphore(%run_scoped3A : memref<!tpu.dma_semaphore, #tpu.memory_space<semaphore_mem>>) src(%arg14 : memref<80x128xf32, #tpu.memory_space<vmem>>) dst(%dma_wait3A_361 : memref<10240x128xf32, #tpu.memory_space<vmem_shared>>)
      tpu.yield
    }) : () -> ()
    %barrier3A_351 = arith.constant 0 : index
    tpu.barrier barrier_id(%barrier3A_351)
    %mul3A_352 = arith.constant 640 : i32
    %mul3A_353 = arith.muli %arg1, %mul3A_352 : i32
    %mul3A_354 = arith.constant 640 : i32
    %mul3A_355 = arith.muli %arg1, %mul3A_354 : i32
    "tpu.region"() ({
      %run_scoped3A = tpu.sem_alloc : memref<!tpu.dma_semaphore, #tpu.memory_space<semaphore_mem>>
      %dma_start3A_356 = arith.constant 0 : i32
      %dma_start3A_357 = tpu.memref_slice %arg5[%arg0, %mul3A_355, %dma_start3A_356] : memref<2x10240x128xf32, #tpu.memory_space<hbm>> -> memref<1x640x128xf32, #tpu.memory_space<hbm>>
      %dma_start3A_358 = tpu.memref_squeeze %dma_start3A_357 : memref<1x640x128xf32, #tpu.memory_space<hbm>> -> memref<640x128xf32, #tpu.memory_space<hbm>>
      %dma_start3A_359 = arith.constant 0 : i32
      %dma_start3A_360 = tpu.memref_slice %arg16[%mul3A_353, %dma_start3A_359] : memref<10240x128xf32, #tpu.memory_space<vmem_shared>> -> memref<640x128xf32, #tpu.memory_space<vmem_shared>>
      tpu.enqueue_dma source(%dma_start3A_360 : memref<640x128xf32, #tpu.memory_space<vmem_shared>>) target(%dma_start3A_358 : memref<640x128xf32, #tpu.memory_space<hbm>>) target_semaphore(%run_scoped3A : memref<!tpu.dma_semaphore, #tpu.memory_space<semaphore_mem>>)
      %dma_wait3A_361 = arith.constant 0 : i32
      %dma_wait3A_362 = tpu.memref_slice %arg5[%arg0, %mul3A_355, %dma_wait3A_361] : memref<2x10240x128xf32, #tpu.memory_space<hbm>> -> memref<1x640x128xf32, #tpu.memory_space<hbm>>
      %dma_wait3A_363 = tpu.memref_squeeze %dma_wait3A_362 : memref<1x640x128xf32, #tpu.memory_space<hbm>> -> memref<640x128xf32, #tpu.memory_space<hbm>>
      %dma_wait3A_364 = arith.constant 0 : i32
      %dma_wait3A_365 = tpu.memref_slice %arg16[%mul3A_353, %dma_wait3A_364] : memref<10240x128xf32, #tpu.memory_space<vmem_shared>> -> memref<640x128xf32, #tpu.memory_space<vmem_shared>>
      tpu.wait_dma2 semaphore(%run_scoped3A : memref<!tpu.dma_semaphore, #tpu.memory_space<semaphore_mem>>) src(%dma_wait3A_365 : memref<640x128xf32, #tpu.memory_space<vmem_shared>>) dst(%dma_wait3A_363 : memref<640x128xf32, #tpu.memory_space<hbm>>)
      tpu.yield
    }) : () -> ()
    return
  }
}

#map = affine_map<(d0, d1) -> (0, 0)>
#map1 = affine_map<(d0, d1) -> (0, 0, 0)>
module attributes {stable_mosaic.version = 14 : i64} {
  func.func @_agg_body(%arg0: i32, %arg1: i32, %arg2: memref<10000x128xf32, #tpu.memory_space<hbm>>, %arg3: memref<32x125x80xi32, #tpu.memory_space<hbm>>, %arg4: memref<640x128xf32, #tpu.memory_space<hbm>>, %arg5: memref<2x10240x128xf32, #tpu.memory_space<hbm>>, %arg6: memref<125x80xi32, #tpu.memory_space<vmem>>, %arg7: memref<80xi32, #tpu.memory_space<vmem>>, %arg8: memref<80xi32, #tpu.memory_space<vmem>>, %arg9: memref<80xi32, #tpu.memory_space<vmem>>, %arg10: memref<80xi32, #tpu.memory_space<vmem>>, %arg11: memref<80xi32, #tpu.memory_space<vmem>>, %arg12: memref<80xi32, #tpu.memory_space<vmem>>, %arg13: memref<80x128xf32, #tpu.memory_space<vmem>>, %arg14: memref<80x128xf32, #tpu.memory_space<vmem>>, %arg15: memref<80x128xf32, #tpu.memory_space<vmem>>, %arg16: memref<10240x128xf32, #tpu.memory_space<vmem_shared>>, %arg17: memref<!tpu.dma_semaphore, #tpu.memory_space<semaphore_mem>>, %arg18: memref<!tpu.dma_semaphore, #tpu.memory_space<semaphore_mem>>, %arg19: memref<!tpu.dma_semaphore, #tpu.memory_space<semaphore_mem>>) attributes {dimension_semantics = [#tpu.dimension_semantics<core_parallel>, #tpu.dimension_semantics<subcore_parallel>], iteration_bounds = array<i64: 2, 16>, scalar_prefetch = 0 : i64, scratch_operands = 14 : i64, tpu.core_type = #tpu.core_type<sc_vector_subcore>, window_params = [{transform_indices = #map}, {transform_indices = #map1}, {transform_indices = #map}, {transform_indices = #map1}]} {
    %mul3A = arith.constant 16 : i32
    %mul3A_0 = arith.muli %arg0, %mul3A : i32
    %add3A = arith.addi %mul3A_0, %arg1 : i32
    %mul3A_1 = arith.constant 640 : i32
    %mul3A_2 = arith.muli %arg1, %mul3A_1 : i32
    %dma_start3A = arith.constant 0 : i32
    %dma_start3A_3 = tpu.memref_slice %arg16[%mul3A_2, %dma_start3A] : memref<10240x128xf32, #tpu.memory_space<vmem_shared>> -> memref<640x128xf32, #tpu.memory_space<vmem_shared>>
    tpu.enqueue_dma source(%arg4 : memref<640x128xf32, #tpu.memory_space<hbm>>) target(%dma_start3A_3 : memref<640x128xf32, #tpu.memory_space<vmem_shared>>) target_semaphore(%arg17 : memref<!tpu.dma_semaphore, #tpu.memory_space<semaphore_mem>>)
    %dma_start3A_4 = arith.constant 0 : i32
    %dma_start3A_5 = arith.constant 0 : i32
    %dma_start3A_6 = tpu.memref_slice %arg3[%add3A, %dma_start3A_4, %dma_start3A_5] : memref<32x125x80xi32, #tpu.memory_space<hbm>> -> memref<1x125x80xi32, #tpu.memory_space<hbm>>
    %dma_start3A_7 = tpu.memref_squeeze %dma_start3A_6 : memref<1x125x80xi32, #tpu.memory_space<hbm>> -> memref<125x80xi32, #tpu.memory_space<hbm>>
    %dma_start3A_8 = arith.constant 0 : i32
    %dma_start3A_9 = arith.constant 0 : i32
    %dma_start3A_10 = tpu.memref_slice %arg3[%add3A, %dma_start3A_8, %dma_start3A_9] : memref<32x125x80xi32, #tpu.memory_space<hbm>> -> memref<1x125x80xi32, #tpu.memory_space<hbm>>
    %dma_start3A_11 = tpu.memref_squeeze %dma_start3A_10 : memref<1x125x80xi32, #tpu.memory_space<hbm>> -> memref<125x80xi32, #tpu.memory_space<hbm>>
    tpu.enqueue_dma source(%dma_start3A_11 : memref<125x80xi32, #tpu.memory_space<hbm>>) target(%arg6 : memref<125x80xi32, #tpu.memory_space<vmem>>) target_semaphore(%arg18 : memref<!tpu.dma_semaphore, #tpu.memory_space<semaphore_mem>>)
    %mul3A_12 = arith.constant 640 : i32
    %mul3A_13 = arith.muli %arg1, %mul3A_12 : i32
    %dma_wait3A = arith.constant 0 : i32
    %dma_wait3A_14 = tpu.memref_slice %arg16[%mul3A_13, %dma_wait3A] : memref<10240x128xf32, #tpu.memory_space<vmem_shared>> -> memref<640x128xf32, #tpu.memory_space<vmem_shared>>
    tpu.wait_dma2 semaphore(%arg17 : memref<!tpu.dma_semaphore, #tpu.memory_space<semaphore_mem>>) src(%arg4 : memref<640x128xf32, #tpu.memory_space<hbm>>) dst(%dma_wait3A_14 : memref<640x128xf32, #tpu.memory_space<vmem_shared>>)
    %dma_wait3A_15 = arith.constant 0 : i32
    %dma_wait3A_16 = arith.constant 0 : i32
    %dma_wait3A_17 = tpu.memref_slice %arg3[%add3A, %dma_wait3A_15, %dma_wait3A_16] : memref<32x125x80xi32, #tpu.memory_space<hbm>> -> memref<1x125x80xi32, #tpu.memory_space<hbm>>
    %dma_wait3A_18 = tpu.memref_squeeze %dma_wait3A_17 : memref<1x125x80xi32, #tpu.memory_space<hbm>> -> memref<125x80xi32, #tpu.memory_space<hbm>>
    %dma_wait3A_19 = arith.constant 0 : i32
    %dma_wait3A_20 = arith.constant 0 : i32
    %dma_wait3A_21 = tpu.memref_slice %arg3[%add3A, %dma_wait3A_19, %dma_wait3A_20] : memref<32x125x80xi32, #tpu.memory_space<hbm>> -> memref<1x125x80xi32, #tpu.memory_space<hbm>>
    %dma_wait3A_22 = tpu.memref_squeeze %dma_wait3A_21 : memref<1x125x80xi32, #tpu.memory_space<hbm>> -> memref<125x80xi32, #tpu.memory_space<hbm>>
    tpu.wait_dma2 semaphore(%arg18 : memref<!tpu.dma_semaphore, #tpu.memory_space<semaphore_mem>>) src(%dma_wait3A_22 : memref<125x80xi32, #tpu.memory_space<hbm>>) dst(%arg6 : memref<125x80xi32, #tpu.memory_space<vmem>>)
    %barrier3A = arith.constant 0 : index
    tpu.barrier barrier_id(%barrier3A)
    %get3A = arith.constant 0 : i32
    %get3A_23 = arith.constant 0 : i32
    %get3A_24 = tpu.memref_slice %arg6[%get3A, %get3A_23] : memref<125x80xi32, #tpu.memory_space<vmem>> -> memref<1x80xi32, #tpu.memory_space<vmem>>
    %get3A_25 = tpu.memref_squeeze %get3A_24 : memref<1x80xi32, #tpu.memory_space<vmem>> -> memref<80xi32, #tpu.memory_space<vmem>>
    %get3A_26 = arith.constant 0 : index
    %get3A_27 = tpu.vector_load %get3A_25[%get3A_26] {strides = array<i32>} : memref<80xi32, #tpu.memory_space<vmem>>, vector<16xi32>,
    %get3A_28 = vector.shape_cast %get3A_27 : vector<16xi32> to vector<16xi32>
    %and3A = arith.constant 65535 : i32
    %and3A_29 = vector.broadcast %and3A : i32 to vector<16xi32>
    %and3A_30 = arith.andi %get3A_28, %and3A_29 : vector<16xi32>
    %swap3A = arith.constant 0 : index
    %swap3A_31 = tpu.vector_load %arg7[%swap3A] {strides = array<i32>} : memref<80xi32, #tpu.memory_space<vmem>>, vector<16xi32>,
    %swap3A_32 = vector.shape_cast %swap3A_31 : vector<16xi32> to vector<16xi32>
    %swap3A_33 = vector.shape_cast %and3A_30 : vector<16xi32> to vector<16xi32>
    tpu.vector_store %arg7[%swap3A], %swap3A_33 {strides = array<i32>} : memref<80xi32, #tpu.memory_space<vmem>>, vector<16xi32>,
    %shift_right_logical3A = arith.constant 16 : i32
    %shift_right_logical3A_34 = vector.broadcast %shift_right_logical3A : i32 to vector<16xi32>
    %shift_right_logical3A_35 = arith.shrui %get3A_28, %shift_right_logical3A_34 : vector<16xi32>
    %swap3A_36 = arith.constant 0 : index
    %swap3A_37 = tpu.vector_load %arg8[%swap3A_36] {strides = array<i32>} : memref<80xi32, #tpu.memory_space<vmem>>, vector<16xi32>,
    %swap3A_38 = vector.shape_cast %swap3A_37 : vector<16xi32> to vector<16xi32>
    %swap3A_39 = vector.shape_cast %shift_right_logical3A_35 : vector<16xi32> to vector<16xi32>
    tpu.vector_store %arg8[%swap3A_36], %swap3A_39 {strides = array<i32>} : memref<80xi32, #tpu.memory_space<vmem>>, vector<16xi32>,
    %get3A_40 = arith.constant 0 : i32
    %get3A_41 = arith.constant 0 : i32
    %get3A_42 = tpu.memref_slice %arg6[%get3A_40, %get3A_41] : memref<125x80xi32, #tpu.memory_space<vmem>> -> memref<1x80xi32, #tpu.memory_space<vmem>>
    %get3A_43 = tpu.memref_squeeze %get3A_42 : memref<1x80xi32, #tpu.memory_space<vmem>> -> memref<80xi32, #tpu.memory_space<vmem>>
    %get3A_44 = arith.constant 16 : index
    %get3A_45 = tpu.vector_load %get3A_43[%get3A_44] {strides = array<i32>} : memref<80xi32, #tpu.memory_space<vmem>>, vector<16xi32>,
    %get3A_46 = vector.shape_cast %get3A_45 : vector<16xi32> to vector<16xi32>
    %and3A_47 = arith.constant 65535 : i32
    %and3A_48 = vector.broadcast %and3A_47 : i32 to vector<16xi32>
    %and3A_49 = arith.andi %get3A_46, %and3A_48 : vector<16xi32>
    %swap3A_50 = arith.constant 16 : index
    %swap3A_51 = tpu.vector_load %arg7[%swap3A_50] {strides = array<i32>} : memref<80xi32, #tpu.memory_space<vmem>>, vector<16xi32>,
    %swap3A_52 = vector.shape_cast %swap3A_51 : vector<16xi32> to vector<16xi32>
    %swap3A_53 = vector.shape_cast %and3A_49 : vector<16xi32> to vector<16xi32>
    tpu.vector_store %arg7[%swap3A_50], %swap3A_53 {strides = array<i32>} : memref<80xi32, #tpu.memory_space<vmem>>, vector<16xi32>,
    %shift_right_logical3A_54 = arith.constant 16 : i32
    %shift_right_logical3A_55 = vector.broadcast %shift_right_logical3A_54 : i32 to vector<16xi32>
    %shift_right_logical3A_56 = arith.shrui %get3A_46, %shift_right_logical3A_55 : vector<16xi32>
    %swap3A_57 = arith.constant 16 : index
    %swap3A_58 = tpu.vector_load %arg8[%swap3A_57] {strides = array<i32>} : memref<80xi32, #tpu.memory_space<vmem>>, vector<16xi32>,
    %swap3A_59 = vector.shape_cast %swap3A_58 : vector<16xi32> to vector<16xi32>
    %swap3A_60 = vector.shape_cast %shift_right_logical3A_56 : vector<16xi32> to vector<16xi32>
    tpu.vector_store %arg8[%swap3A_57], %swap3A_60 {strides = array<i32>} : memref<80xi32, #tpu.memory_space<vmem>>, vector<16xi32>,
    %get3A_61 = arith.constant 0 : i32
    %get3A_62 = arith.constant 0 : i32
    %get3A_63 = tpu.memref_slice %arg6[%get3A_61, %get3A_62] : memref<125x80xi32, #tpu.memory_space<vmem>> -> memref<1x80xi32, #tpu.memory_space<vmem>>
    %get3A_64 = tpu.memref_squeeze %get3A_63 : memref<1x80xi32, #tpu.memory_space<vmem>> -> memref<80xi32, #tpu.memory_space<vmem>>
    %get3A_65 = arith.constant 32 : index
    %get3A_66 = tpu.vector_load %get3A_64[%get3A_65] {strides = array<i32>} : memref<80xi32, #tpu.memory_space<vmem>>, vector<16xi32>,
    %get3A_67 = vector.shape_cast %get3A_66 : vector<16xi32> to vector<16xi32>
    %and3A_68 = arith.constant 65535 : i32
    %and3A_69 = vector.broadcast %and3A_68 : i32 to vector<16xi32>
    %and3A_70 = arith.andi %get3A_67, %and3A_69 : vector<16xi32>
    %swap3A_71 = arith.constant 32 : index
    %swap3A_72 = tpu.vector_load %arg7[%swap3A_71] {strides = array<i32>} : memref<80xi32, #tpu.memory_space<vmem>>, vector<16xi32>,
    %swap3A_73 = vector.shape_cast %swap3A_72 : vector<16xi32> to vector<16xi32>
    %swap3A_74 = vector.shape_cast %and3A_70 : vector<16xi32> to vector<16xi32>
    tpu.vector_store %arg7[%swap3A_71], %swap3A_74 {strides = array<i32>} : memref<80xi32, #tpu.memory_space<vmem>>, vector<16xi32>,
    %shift_right_logical3A_75 = arith.constant 16 : i32
    %shift_right_logical3A_76 = vector.broadcast %shift_right_logical3A_75 : i32 to vector<16xi32>
    %shift_right_logical3A_77 = arith.shrui %get3A_67, %shift_right_logical3A_76 : vector<16xi32>
    %swap3A_78 = arith.constant 32 : index
    %swap3A_79 = tpu.vector_load %arg8[%swap3A_78] {strides = array<i32>} : memref<80xi32, #tpu.memory_space<vmem>>, vector<16xi32>,
    %swap3A_80 = vector.shape_cast %swap3A_79 : vector<16xi32> to vector<16xi32>
    %swap3A_81 = vector.shape_cast %shift_right_logical3A_77 : vector<16xi32> to vector<16xi32>
    tpu.vector_store %arg8[%swap3A_78], %swap3A_81 {strides = array<i32>} : memref<80xi32, #tpu.memory_space<vmem>>, vector<16xi32>,
    %get3A_82 = arith.constant 0 : i32
    %get3A_83 = arith.constant 0 : i32
    %get3A_84 = tpu.memref_slice %arg6[%get3A_82, %get3A_83] : memref<125x80xi32, #tpu.memory_space<vmem>> -> memref<1x80xi32, #tpu.memory_space<vmem>>
    %get3A_85 = tpu.memref_squeeze %get3A_84 : memref<1x80xi32, #tpu.memory_space<vmem>> -> memref<80xi32, #tpu.memory_space<vmem>>
    %get3A_86 = arith.constant 48 : index
    %get3A_87 = tpu.vector_load %get3A_85[%get3A_86] {strides = array<i32>} : memref<80xi32, #tpu.memory_space<vmem>>, vector<16xi32>,
    %get3A_88 = vector.shape_cast %get3A_87 : vector<16xi32> to vector<16xi32>
    %and3A_89 = arith.constant 65535 : i32
    %and3A_90 = vector.broadcast %and3A_89 : i32 to vector<16xi32>
    %and3A_91 = arith.andi %get3A_88, %and3A_90 : vector<16xi32>
    %swap3A_92 = arith.constant 48 : index
    %swap3A_93 = tpu.vector_load %arg7[%swap3A_92] {strides = array<i32>} : memref<80xi32, #tpu.memory_space<vmem>>, vector<16xi32>,
    %swap3A_94 = vector.shape_cast %swap3A_93 : vector<16xi32> to vector<16xi32>
    %swap3A_95 = vector.shape_cast %and3A_91 : vector<16xi32> to vector<16xi32>
    tpu.vector_store %arg7[%swap3A_92], %swap3A_95 {strides = array<i32>} : memref<80xi32, #tpu.memory_space<vmem>>, vector<16xi32>,
    %shift_right_logical3A_96 = arith.constant 16 : i32
    %shift_right_logical3A_97 = vector.broadcast %shift_right_logical3A_96 : i32 to vector<16xi32>
    %shift_right_logical3A_98 = arith.shrui %get3A_88, %shift_right_logical3A_97 : vector<16xi32>
    %swap3A_99 = arith.constant 48 : index
    %swap3A_100 = tpu.vector_load %arg8[%swap3A_99] {strides = array<i32>} : memref<80xi32, #tpu.memory_space<vmem>>, vector<16xi32>,
    %swap3A_101 = vector.shape_cast %swap3A_100 : vector<16xi32> to vector<16xi32>
    %swap3A_102 = vector.shape_cast %shift_right_logical3A_98 : vector<16xi32> to vector<16xi32>
    tpu.vector_store %arg8[%swap3A_99], %swap3A_102 {strides = array<i32>} : memref<80xi32, #tpu.memory_space<vmem>>, vector<16xi32>,
    %get3A_103 = arith.constant 0 : i32
    %get3A_104 = arith.constant 0 : i32
    %get3A_105 = tpu.memref_slice %arg6[%get3A_103, %get3A_104] : memref<125x80xi32, #tpu.memory_space<vmem>> -> memref<1x80xi32, #tpu.memory_space<vmem>>
    %get3A_106 = tpu.memref_squeeze %get3A_105 : memref<1x80xi32, #tpu.memory_space<vmem>> -> memref<80xi32, #tpu.memory_space<vmem>>
    %get3A_107 = arith.constant 64 : index
    %get3A_108 = tpu.vector_load %get3A_106[%get3A_107] {strides = array<i32>} : memref<80xi32, #tpu.memory_space<vmem>>, vector<16xi32>,
    %get3A_109 = vector.shape_cast %get3A_108 : vector<16xi32> to vector<16xi32>
    %and3A_110 = arith.constant 65535 : i32
    %and3A_111 = vector.broadcast %and3A_110 : i32 to vector<16xi32>
    %and3A_112 = arith.andi %get3A_109, %and3A_111 : vector<16xi32>
    %swap3A_113 = arith.constant 64 : index
    %swap3A_114 = tpu.vector_load %arg7[%swap3A_113] {strides = array<i32>} : memref<80xi32, #tpu.memory_space<vmem>>, vector<16xi32>,
    %swap3A_115 = vector.shape_cast %swap3A_114 : vector<16xi32> to vector<16xi32>
    %swap3A_116 = vector.shape_cast %and3A_112 : vector<16xi32> to vector<16xi32>
    tpu.vector_store %arg7[%swap3A_113], %swap3A_116 {strides = array<i32>} : memref<80xi32, #tpu.memory_space<vmem>>, vector<16xi32>,
    %shift_right_logical3A_117 = arith.constant 16 : i32
    %shift_right_logical3A_118 = vector.broadcast %shift_right_logical3A_117 : i32 to vector<16xi32>
    %shift_right_logical3A_119 = arith.shrui %get3A_109, %shift_right_logical3A_118 : vector<16xi32>
    %swap3A_120 = arith.constant 64 : index
    %swap3A_121 = tpu.vector_load %arg8[%swap3A_120] {strides = array<i32>} : memref<80xi32, #tpu.memory_space<vmem>>, vector<16xi32>,
    %swap3A_122 = vector.shape_cast %swap3A_121 : vector<16xi32> to vector<16xi32>
    %swap3A_123 = vector.shape_cast %shift_right_logical3A_119 : vector<16xi32> to vector<16xi32>
    tpu.vector_store %arg8[%swap3A_120], %swap3A_123 {strides = array<i32>} : memref<80xi32, #tpu.memory_space<vmem>>, vector<16xi32>,
    %dma_start3A_124 = arith.constant 0 : i32
    %dma_start3A_125 = arith.constant 0 : i32
    %dma_start3A_126 = tpu.memref_slice %arg2[%dma_start3A_124, %dma_start3A_125] : memref<10000x128xf32, #tpu.memory_space<hbm>> -> memref<10000x128xf32, #tpu.memory_space<hbm>>
    tpu.enqueue_indirect_dma source(%dma_start3A_126 : memref<10000x128xf32, #tpu.memory_space<hbm>>) target(%arg13 : memref<80x128xf32, #tpu.memory_space<vmem>>) offsets(%arg7 : memref<80xi32, #tpu.memory_space<vmem>>) semaphore(%arg17 : memref<!tpu.dma_semaphore, #tpu.memory_space<semaphore_mem>>)
    %get3A_127 = arith.constant 1 : i32
    %get3A_128 = arith.constant 0 : i32
    %get3A_129 = tpu.memref_slice %arg6[%get3A_127, %get3A_128] : memref<125x80xi32, #tpu.memory_space<vmem>> -> memref<1x80xi32, #tpu.memory_space<vmem>>
    %get3A_130 = tpu.memref_squeeze %get3A_129 : memref<1x80xi32, #tpu.memory_space<vmem>> -> memref<80xi32, #tpu.memory_space<vmem>>
    %get3A_131 = arith.constant 0 : index
    %get3A_132 = tpu.vector_load %get3A_130[%get3A_131] {strides = array<i32>} : memref<80xi32, #tpu.memory_space<vmem>>, vector<16xi32>,
    %get3A_133 = vector.shape_cast %get3A_132 : vector<16xi32> to vector<16xi32>
    %and3A_134 = arith.constant 65535 : i32
    %and3A_135 = vector.broadcast %and3A_134 : i32 to vector<16xi32>
    %and3A_136 = arith.andi %get3A_133, %and3A_135 : vector<16xi32>
    %swap3A_137 = arith.constant 0 : index
    %swap3A_138 = tpu.vector_load %arg9[%swap3A_137] {strides = array<i32>} : memref<80xi32, #tpu.memory_space<vmem>>, vector<16xi32>,
    %swap3A_139 = vector.shape_cast %swap3A_138 : vector<16xi32> to vector<16xi32>
    %swap3A_140 = vector.shape_cast %and3A_136 : vector<16xi32> to vector<16xi32>
    tpu.vector_store %arg9[%swap3A_137], %swap3A_140 {strides = array<i32>} : memref<80xi32, #tpu.memory_space<vmem>>, vector<16xi32>,
    %shift_right_logical3A_141 = arith.constant 16 : i32
    %shift_right_logical3A_142 = vector.broadcast %shift_right_logical3A_141 : i32 to vector<16xi32>
    %shift_right_logical3A_143 = arith.shrui %get3A_133, %shift_right_logical3A_142 : vector<16xi32>
    %swap3A_144 = arith.constant 0 : index
    %swap3A_145 = tpu.vector_load %arg10[%swap3A_144] {strides = array<i32>} : memref<80xi32, #tpu.memory_space<vmem>>, vector<16xi32>,
    %swap3A_146 = vector.shape_cast %swap3A_145 : vector<16xi32> to vector<16xi32>
    %swap3A_147 = vector.shape_cast %shift_right_logical3A_143 : vector<16xi32> to vector<16xi32>
    tpu.vector_store %arg10[%swap3A_144], %swap3A_147 {strides = array<i32>} : memref<80xi32, #tpu.memory_space<vmem>>, vector<16xi32>,
    %get3A_148 = arith.constant 1 : i32
    %get3A_149 = arith.constant 0 : i32
    %get3A_150 = tpu.memref_slice %arg6[%get3A_148, %get3A_149] : memref<125x80xi32, #tpu.memory_space<vmem>> -> memref<1x80xi32, #tpu.memory_space<vmem>>
    %get3A_151 = tpu.memref_squeeze %get3A_150 : memref<1x80xi32, #tpu.memory_space<vmem>> -> memref<80xi32, #tpu.memory_space<vmem>>
    %get3A_152 = arith.constant 16 : index
    %get3A_153 = tpu.vector_load %get3A_151[%get3A_152] {strides = array<i32>} : memref<80xi32, #tpu.memory_space<vmem>>, vector<16xi32>,
    %get3A_154 = vector.shape_cast %get3A_153 : vector<16xi32> to vector<16xi32>
    %and3A_155 = arith.constant 65535 : i32
    %and3A_156 = vector.broadcast %and3A_155 : i32 to vector<16xi32>
    %and3A_157 = arith.andi %get3A_154, %and3A_156 : vector<16xi32>
    %swap3A_158 = arith.constant 16 : index
    %swap3A_159 = tpu.vector_load %arg9[%swap3A_158] {strides = array<i32>} : memref<80xi32, #tpu.memory_space<vmem>>, vector<16xi32>,
    %swap3A_160 = vector.shape_cast %swap3A_159 : vector<16xi32> to vector<16xi32>
    %swap3A_161 = vector.shape_cast %and3A_157 : vector<16xi32> to vector<16xi32>
    tpu.vector_store %arg9[%swap3A_158], %swap3A_161 {strides = array<i32>} : memref<80xi32, #tpu.memory_space<vmem>>, vector<16xi32>,
    %shift_right_logical3A_162 = arith.constant 16 : i32
    %shift_right_logical3A_163 = vector.broadcast %shift_right_logical3A_162 : i32 to vector<16xi32>
    %shift_right_logical3A_164 = arith.shrui %get3A_154, %shift_right_logical3A_163 : vector<16xi32>
    %swap3A_165 = arith.constant 16 : index
    %swap3A_166 = tpu.vector_load %arg10[%swap3A_165] {strides = array<i32>} : memref<80xi32, #tpu.memory_space<vmem>>, vector<16xi32>,
    %swap3A_167 = vector.shape_cast %swap3A_166 : vector<16xi32> to vector<16xi32>
    %swap3A_168 = vector.shape_cast %shift_right_logical3A_164 : vector<16xi32> to vector<16xi32>
    tpu.vector_store %arg10[%swap3A_165], %swap3A_168 {strides = array<i32>} : memref<80xi32, #tpu.memory_space<vmem>>, vector<16xi32>,
    %get3A_169 = arith.constant 1 : i32
    %get3A_170 = arith.constant 0 : i32
    %get3A_171 = tpu.memref_slice %arg6[%get3A_169, %get3A_170] : memref<125x80xi32, #tpu.memory_space<vmem>> -> memref<1x80xi32, #tpu.memory_space<vmem>>
    %get3A_172 = tpu.memref_squeeze %get3A_171 : memref<1x80xi32, #tpu.memory_space<vmem>> -> memref<80xi32, #tpu.memory_space<vmem>>
    %get3A_173 = arith.constant 32 : index
    %get3A_174 = tpu.vector_load %get3A_172[%get3A_173] {strides = array<i32>} : memref<80xi32, #tpu.memory_space<vmem>>, vector<16xi32>,
    %get3A_175 = vector.shape_cast %get3A_174 : vector<16xi32> to vector<16xi32>
    %and3A_176 = arith.constant 65535 : i32
    %and3A_177 = vector.broadcast %and3A_176 : i32 to vector<16xi32>
    %and3A_178 = arith.andi %get3A_175, %and3A_177 : vector<16xi32>
    %swap3A_179 = arith.constant 32 : index
    %swap3A_180 = tpu.vector_load %arg9[%swap3A_179] {strides = array<i32>} : memref<80xi32, #tpu.memory_space<vmem>>, vector<16xi32>,
    %swap3A_181 = vector.shape_cast %swap3A_180 : vector<16xi32> to vector<16xi32>
    %swap3A_182 = vector.shape_cast %and3A_178 : vector<16xi32> to vector<16xi32>
    tpu.vector_store %arg9[%swap3A_179], %swap3A_182 {strides = array<i32>} : memref<80xi32, #tpu.memory_space<vmem>>, vector<16xi32>,
    %shift_right_logical3A_183 = arith.constant 16 : i32
    %shift_right_logical3A_184 = vector.broadcast %shift_right_logical3A_183 : i32 to vector<16xi32>
    %shift_right_logical3A_185 = arith.shrui %get3A_175, %shift_right_logical3A_184 : vector<16xi32>
    %swap3A_186 = arith.constant 32 : index
    %swap3A_187 = tpu.vector_load %arg10[%swap3A_186] {strides = array<i32>} : memref<80xi32, #tpu.memory_space<vmem>>, vector<16xi32>,
    %swap3A_188 = vector.shape_cast %swap3A_187 : vector<16xi32> to vector<16xi32>
    %swap3A_189 = vector.shape_cast %shift_right_logical3A_185 : vector<16xi32> to vector<16xi32>
    tpu.vector_store %arg10[%swap3A_186], %swap3A_189 {strides = array<i32>} : memref<80xi32, #tpu.memory_space<vmem>>, vector<16xi32>,
    %get3A_190 = arith.constant 1 : i32
    %get3A_191 = arith.constant 0 : i32
    %get3A_192 = tpu.memref_slice %arg6[%get3A_190, %get3A_191] : memref<125x80xi32, #tpu.memory_space<vmem>> -> memref<1x80xi32, #tpu.memory_space<vmem>>
    %get3A_193 = tpu.memref_squeeze %get3A_192 : memref<1x80xi32, #tpu.memory_space<vmem>> -> memref<80xi32, #tpu.memory_space<vmem>>
    %get3A_194 = arith.constant 48 : index
    %get3A_195 = tpu.vector_load %get3A_193[%get3A_194] {strides = array<i32>} : memref<80xi32, #tpu.memory_space<vmem>>, vector<16xi32>,
    %get3A_196 = vector.shape_cast %get3A_195 : vector<16xi32> to vector<16xi32>
    %and3A_197 = arith.constant 65535 : i32
    %and3A_198 = vector.broadcast %and3A_197 : i32 to vector<16xi32>
    %and3A_199 = arith.andi %get3A_196, %and3A_198 : vector<16xi32>
    %swap3A_200 = arith.constant 48 : index
    %swap3A_201 = tpu.vector_load %arg9[%swap3A_200] {strides = array<i32>} : memref<80xi32, #tpu.memory_space<vmem>>, vector<16xi32>,
    %swap3A_202 = vector.shape_cast %swap3A_201 : vector<16xi32> to vector<16xi32>
    %swap3A_203 = vector.shape_cast %and3A_199 : vector<16xi32> to vector<16xi32>
    tpu.vector_store %arg9[%swap3A_200], %swap3A_203 {strides = array<i32>} : memref<80xi32, #tpu.memory_space<vmem>>, vector<16xi32>,
    %shift_right_logical3A_204 = arith.constant 16 : i32
    %shift_right_logical3A_205 = vector.broadcast %shift_right_logical3A_204 : i32 to vector<16xi32>
    %shift_right_logical3A_206 = arith.shrui %get3A_196, %shift_right_logical3A_205 : vector<16xi32>
    %swap3A_207 = arith.constant 48 : index
    %swap3A_208 = tpu.vector_load %arg10[%swap3A_207] {strides = array<i32>} : memref<80xi32, #tpu.memory_space<vmem>>, vector<16xi32>,
    %swap3A_209 = vector.shape_cast %swap3A_208 : vector<16xi32> to vector<16xi32>
    %swap3A_210 = vector.shape_cast %shift_right_logical3A_206 : vector<16xi32> to vector<16xi32>
    tpu.vector_store %arg10[%swap3A_207], %swap3A_210 {strides = array<i32>} : memref<80xi32, #tpu.memory_space<vmem>>, vector<16xi32>,
    %get3A_211 = arith.constant 1 : i32
    %get3A_212 = arith.constant 0 : i32
    %get3A_213 = tpu.memref_slice %arg6[%get3A_211, %get3A_212] : memref<125x80xi32, #tpu.memory_space<vmem>> -> memref<1x80xi32, #tpu.memory_space<vmem>>
    %get3A_214 = tpu.memref_squeeze %get3A_213 : memref<1x80xi32, #tpu.memory_space<vmem>> -> memref<80xi32, #tpu.memory_space<vmem>>
    %get3A_215 = arith.constant 64 : index
    %get3A_216 = tpu.vector_load %get3A_214[%get3A_215] {strides = array<i32>} : memref<80xi32, #tpu.memory_space<vmem>>, vector<16xi32>,
    %get3A_217 = vector.shape_cast %get3A_216 : vector<16xi32> to vector<16xi32>
    %and3A_218 = arith.constant 65535 : i32
    %and3A_219 = vector.broadcast %and3A_218 : i32 to vector<16xi32>
    %and3A_220 = arith.andi %get3A_217, %and3A_219 : vector<16xi32>
    %swap3A_221 = arith.constant 64 : index
    %swap3A_222 = tpu.vector_load %arg9[%swap3A_221] {strides = array<i32>} : memref<80xi32, #tpu.memory_space<vmem>>, vector<16xi32>,
    %swap3A_223 = vector.shape_cast %swap3A_222 : vector<16xi32> to vector<16xi32>
    %swap3A_224 = vector.shape_cast %and3A_220 : vector<16xi32> to vector<16xi32>
    tpu.vector_store %arg9[%swap3A_221], %swap3A_224 {strides = array<i32>} : memref<80xi32, #tpu.memory_space<vmem>>, vector<16xi32>,
    %shift_right_logical3A_225 = arith.constant 16 : i32
    %shift_right_logical3A_226 = vector.broadcast %shift_right_logical3A_225 : i32 to vector<16xi32>
    %shift_right_logical3A_227 = arith.shrui %get3A_217, %shift_right_logical3A_226 : vector<16xi32>
    %swap3A_228 = arith.constant 64 : index
    %swap3A_229 = tpu.vector_load %arg10[%swap3A_228] {strides = array<i32>} : memref<80xi32, #tpu.memory_space<vmem>>, vector<16xi32>,
    %swap3A_230 = vector.shape_cast %swap3A_229 : vector<16xi32> to vector<16xi32>
    %swap3A_231 = vector.shape_cast %shift_right_logical3A_227 : vector<16xi32> to vector<16xi32>
    tpu.vector_store %arg10[%swap3A_228], %swap3A_231 {strides = array<i32>} : memref<80xi32, #tpu.memory_space<vmem>>, vector<16xi32>,
    %dma_start3A_232 = arith.constant 0 : i32
    %dma_start3A_233 = arith.constant 0 : i32
    %dma_start3A_234 = tpu.memref_slice %arg2[%dma_start3A_232, %dma_start3A_233] : memref<10000x128xf32, #tpu.memory_space<hbm>> -> memref<10000x128xf32, #tpu.memory_space<hbm>>
    tpu.enqueue_indirect_dma source(%dma_start3A_234 : memref<10000x128xf32, #tpu.memory_space<hbm>>) target(%arg14 : memref<80x128xf32, #tpu.memory_space<vmem>>) offsets(%arg9 : memref<80xi32, #tpu.memory_space<vmem>>) semaphore(%arg18 : memref<!tpu.dma_semaphore, #tpu.memory_space<semaphore_mem>>)
    %get3A_235 = arith.constant 2 : i32
    %get3A_236 = arith.constant 0 : i32
    %get3A_237 = tpu.memref_slice %arg6[%get3A_235, %get3A_236] : memref<125x80xi32, #tpu.memory_space<vmem>> -> memref<1x80xi32, #tpu.memory_space<vmem>>
    %get3A_238 = tpu.memref_squeeze %get3A_237 : memref<1x80xi32, #tpu.memory_space<vmem>> -> memref<80xi32, #tpu.memory_space<vmem>>
    %get3A_239 = arith.constant 0 : index
    %get3A_240 = tpu.vector_load %get3A_238[%get3A_239] {strides = array<i32>} : memref<80xi32, #tpu.memory_space<vmem>>, vector<16xi32>,
    %get3A_241 = vector.shape_cast %get3A_240 : vector<16xi32> to vector<16xi32>
    %and3A_242 = arith.constant 65535 : i32
    %and3A_243 = vector.broadcast %and3A_242 : i32 to vector<16xi32>
    %and3A_244 = arith.andi %get3A_241, %and3A_243 : vector<16xi32>
    %swap3A_245 = arith.constant 0 : index
    %swap3A_246 = tpu.vector_load %arg11[%swap3A_245] {strides = array<i32>} : memref<80xi32, #tpu.memory_space<vmem>>, vector<16xi32>,
    %swap3A_247 = vector.shape_cast %swap3A_246 : vector<16xi32> to vector<16xi32>
    %swap3A_248 = vector.shape_cast %and3A_244 : vector<16xi32> to vector<16xi32>
    tpu.vector_store %arg11[%swap3A_245], %swap3A_248 {strides = array<i32>} : memref<80xi32, #tpu.memory_space<vmem>>, vector<16xi32>,
    %shift_right_logical3A_249 = arith.constant 16 : i32
    %shift_right_logical3A_250 = vector.broadcast %shift_right_logical3A_249 : i32 to vector<16xi32>
    %shift_right_logical3A_251 = arith.shrui %get3A_241, %shift_right_logical3A_250 : vector<16xi32>
    %swap3A_252 = arith.constant 0 : index
    %swap3A_253 = tpu.vector_load %arg12[%swap3A_252] {strides = array<i32>} : memref<80xi32, #tpu.memory_space<vmem>>, vector<16xi32>,
    %swap3A_254 = vector.shape_cast %swap3A_253 : vector<16xi32> to vector<16xi32>
    %swap3A_255 = vector.shape_cast %shift_right_logical3A_251 : vector<16xi32> to vector<16xi32>
    tpu.vector_store %arg12[%swap3A_252], %swap3A_255 {strides = array<i32>} : memref<80xi32, #tpu.memory_space<vmem>>, vector<16xi32>,
    %get3A_256 = arith.constant 2 : i32
    %get3A_257 = arith.constant 0 : i32
    %get3A_258 = tpu.memref_slice %arg6[%get3A_256, %get3A_257] : memref<125x80xi32, #tpu.memory_space<vmem>> -> memref<1x80xi32, #tpu.memory_space<vmem>>
    %get3A_259 = tpu.memref_squeeze %get3A_258 : memref<1x80xi32, #tpu.memory_space<vmem>> -> memref<80xi32, #tpu.memory_space<vmem>>
    %get3A_260 = arith.constant 16 : index
    %get3A_261 = tpu.vector_load %get3A_259[%get3A_260] {strides = array<i32>} : memref<80xi32, #tpu.memory_space<vmem>>, vector<16xi32>,
    %get3A_262 = vector.shape_cast %get3A_261 : vector<16xi32> to vector<16xi32>
    %and3A_263 = arith.constant 65535 : i32
    %and3A_264 = vector.broadcast %and3A_263 : i32 to vector<16xi32>
    %and3A_265 = arith.andi %get3A_262, %and3A_264 : vector<16xi32>
    %swap3A_266 = arith.constant 16 : index
    %swap3A_267 = tpu.vector_load %arg11[%swap3A_266] {strides = array<i32>} : memref<80xi32, #tpu.memory_space<vmem>>, vector<16xi32>,
    %swap3A_268 = vector.shape_cast %swap3A_267 : vector<16xi32> to vector<16xi32>
    %swap3A_269 = vector.shape_cast %and3A_265 : vector<16xi32> to vector<16xi32>
    tpu.vector_store %arg11[%swap3A_266], %swap3A_269 {strides = array<i32>} : memref<80xi32, #tpu.memory_space<vmem>>, vector<16xi32>,
    %shift_right_logical3A_270 = arith.constant 16 : i32
    %shift_right_logical3A_271 = vector.broadcast %shift_right_logical3A_270 : i32 to vector<16xi32>
    %shift_right_logical3A_272 = arith.shrui %get3A_262, %shift_right_logical3A_271 : vector<16xi32>
    %swap3A_273 = arith.constant 16 : index
    %swap3A_274 = tpu.vector_load %arg12[%swap3A_273] {strides = array<i32>} : memref<80xi32, #tpu.memory_space<vmem>>, vector<16xi32>,
    %swap3A_275 = vector.shape_cast %swap3A_274 : vector<16xi32> to vector<16xi32>
    %swap3A_276 = vector.shape_cast %shift_right_logical3A_272 : vector<16xi32> to vector<16xi32>
    tpu.vector_store %arg12[%swap3A_273], %swap3A_276 {strides = array<i32>} : memref<80xi32, #tpu.memory_space<vmem>>, vector<16xi32>,
    %get3A_277 = arith.constant 2 : i32
    %get3A_278 = arith.constant 0 : i32
    %get3A_279 = tpu.memref_slice %arg6[%get3A_277, %get3A_278] : memref<125x80xi32, #tpu.memory_space<vmem>> -> memref<1x80xi32, #tpu.memory_space<vmem>>
    %get3A_280 = tpu.memref_squeeze %get3A_279 : memref<1x80xi32, #tpu.memory_space<vmem>> -> memref<80xi32, #tpu.memory_space<vmem>>
    %get3A_281 = arith.constant 32 : index
    %get3A_282 = tpu.vector_load %get3A_280[%get3A_281] {strides = array<i32>} : memref<80xi32, #tpu.memory_space<vmem>>, vector<16xi32>,
    %get3A_283 = vector.shape_cast %get3A_282 : vector<16xi32> to vector<16xi32>
    %and3A_284 = arith.constant 65535 : i32
    %and3A_285 = vector.broadcast %and3A_284 : i32 to vector<16xi32>
    %and3A_286 = arith.andi %get3A_283, %and3A_285 : vector<16xi32>
    %swap3A_287 = arith.constant 32 : index
    %swap3A_288 = tpu.vector_load %arg11[%swap3A_287] {strides = array<i32>} : memref<80xi32, #tpu.memory_space<vmem>>, vector<16xi32>,
    %swap3A_289 = vector.shape_cast %swap3A_288 : vector<16xi32> to vector<16xi32>
    %swap3A_290 = vector.shape_cast %and3A_286 : vector<16xi32> to vector<16xi32>
    tpu.vector_store %arg11[%swap3A_287], %swap3A_290 {strides = array<i32>} : memref<80xi32, #tpu.memory_space<vmem>>, vector<16xi32>,
    %shift_right_logical3A_291 = arith.constant 16 : i32
    %shift_right_logical3A_292 = vector.broadcast %shift_right_logical3A_291 : i32 to vector<16xi32>
    %shift_right_logical3A_293 = arith.shrui %get3A_283, %shift_right_logical3A_292 : vector<16xi32>
    %swap3A_294 = arith.constant 32 : index
    %swap3A_295 = tpu.vector_load %arg12[%swap3A_294] {strides = array<i32>} : memref<80xi32, #tpu.memory_space<vmem>>, vector<16xi32>,
    %swap3A_296 = vector.shape_cast %swap3A_295 : vector<16xi32> to vector<16xi32>
    %swap3A_297 = vector.shape_cast %shift_right_logical3A_293 : vector<16xi32> to vector<16xi32>
    tpu.vector_store %arg12[%swap3A_294], %swap3A_297 {strides = array<i32>} : memref<80xi32, #tpu.memory_space<vmem>>, vector<16xi32>,
    %get3A_298 = arith.constant 2 : i32
    %get3A_299 = arith.constant 0 : i32
    %get3A_300 = tpu.memref_slice %arg6[%get3A_298, %get3A_299] : memref<125x80xi32, #tpu.memory_space<vmem>> -> memref<1x80xi32, #tpu.memory_space<vmem>>
    %get3A_301 = tpu.memref_squeeze %get3A_300 : memref<1x80xi32, #tpu.memory_space<vmem>> -> memref<80xi32, #tpu.memory_space<vmem>>
    %get3A_302 = arith.constant 48 : index
    %get3A_303 = tpu.vector_load %get3A_301[%get3A_302] {strides = array<i32>} : memref<80xi32, #tpu.memory_space<vmem>>, vector<16xi32>,
    %get3A_304 = vector.shape_cast %get3A_303 : vector<16xi32> to vector<16xi32>
    %and3A_305 = arith.constant 65535 : i32
    %and3A_306 = vector.broadcast %and3A_305 : i32 to vector<16xi32>
    %and3A_307 = arith.andi %get3A_304, %and3A_306 : vector<16xi32>
    %swap3A_308 = arith.constant 48 : index
    %swap3A_309 = tpu.vector_load %arg11[%swap3A_308] {strides = array<i32>} : memref<80xi32, #tpu.memory_space<vmem>>, vector<16xi32>,
    %swap3A_310 = vector.shape_cast %swap3A_309 : vector<16xi32> to vector<16xi32>
    %swap3A_311 = vector.shape_cast %and3A_307 : vector<16xi32> to vector<16xi32>
    tpu.vector_store %arg11[%swap3A_308], %swap3A_311 {strides = array<i32>} : memref<80xi32, #tpu.memory_space<vmem>>, vector<16xi32>,
    %shift_right_logical3A_312 = arith.constant 16 : i32
    %shift_right_logical3A_313 = vector.broadcast %shift_right_logical3A_312 : i32 to vector<16xi32>
    %shift_right_logical3A_314 = arith.shrui %get3A_304, %shift_right_logical3A_313 : vector<16xi32>
    %swap3A_315 = arith.constant 48 : index
    %swap3A_316 = tpu.vector_load %arg12[%swap3A_315] {strides = array<i32>} : memref<80xi32, #tpu.memory_space<vmem>>, vector<16xi32>,
    %swap3A_317 = vector.shape_cast %swap3A_316 : vector<16xi32> to vector<16xi32>
    %swap3A_318 = vector.shape_cast %shift_right_logical3A_314 : vector<16xi32> to vector<16xi32>
    tpu.vector_store %arg12[%swap3A_315], %swap3A_318 {strides = array<i32>} : memref<80xi32, #tpu.memory_space<vmem>>, vector<16xi32>,
    %get3A_319 = arith.constant 2 : i32
    %get3A_320 = arith.constant 0 : i32
    %get3A_321 = tpu.memref_slice %arg6[%get3A_319, %get3A_320] : memref<125x80xi32, #tpu.memory_space<vmem>> -> memref<1x80xi32, #tpu.memory_space<vmem>>
    %get3A_322 = tpu.memref_squeeze %get3A_321 : memref<1x80xi32, #tpu.memory_space<vmem>> -> memref<80xi32, #tpu.memory_space<vmem>>
    %get3A_323 = arith.constant 64 : index
    %get3A_324 = tpu.vector_load %get3A_322[%get3A_323] {strides = array<i32>} : memref<80xi32, #tpu.memory_space<vmem>>, vector<16xi32>,
    %get3A_325 = vector.shape_cast %get3A_324 : vector<16xi32> to vector<16xi32>
    %and3A_326 = arith.constant 65535 : i32
    %and3A_327 = vector.broadcast %and3A_326 : i32 to vector<16xi32>
    %and3A_328 = arith.andi %get3A_325, %and3A_327 : vector<16xi32>
    %swap3A_329 = arith.constant 64 : index
    %swap3A_330 = tpu.vector_load %arg11[%swap3A_329] {strides = array<i32>} : memref<80xi32, #tpu.memory_space<vmem>>, vector<16xi32>,
    %swap3A_331 = vector.shape_cast %swap3A_330 : vector<16xi32> to vector<16xi32>
    %swap3A_332 = vector.shape_cast %and3A_328 : vector<16xi32> to vector<16xi32>
    tpu.vector_store %arg11[%swap3A_329], %swap3A_332 {strides = array<i32>} : memref<80xi32, #tpu.memory_space<vmem>>, vector<16xi32>,
    %shift_right_logical3A_333 = arith.constant 16 : i32
    %shift_right_logical3A_334 = vector.broadcast %shift_right_logical3A_333 : i32 to vector<16xi32>
    %shift_right_logical3A_335 = arith.shrui %get3A_325, %shift_right_logical3A_334 : vector<16xi32>
    %swap3A_336 = arith.constant 64 : index
    %swap3A_337 = tpu.vector_load %arg12[%swap3A_336] {strides = array<i32>} : memref<80xi32, #tpu.memory_space<vmem>>, vector<16xi32>,
    %swap3A_338 = vector.shape_cast %swap3A_337 : vector<16xi32> to vector<16xi32>
    %swap3A_339 = vector.shape_cast %shift_right_logical3A_335 : vector<16xi32> to vector<16xi32>
    tpu.vector_store %arg12[%swap3A_336], %swap3A_339 {strides = array<i32>} : memref<80xi32, #tpu.memory_space<vmem>>, vector<16xi32>,
    %scan3A = arith.constant 0 : i32
    %scan3A_340 = arith.constant 0 : i32
    %scan3A_341 = arith.constant 41 : i32
    %scan3A_342 = arith.addi %scan3A_340, %scan3A_341 : i32
    %scan3A_343 = arith.constant 1 : i32
    scf.for %scan3A_356 = %scan3A_340 to %scan3A_342 step %scan3A_343  : i32 {
      %mul3A_357 = arith.constant 3 : i32
      %mul3A_358 = arith.muli %mul3A_357, %scan3A_356 : i32
      %dma_start3A_359 = arith.constant 0 : i32
      %dma_start3A_360 = arith.constant 0 : i32
      %dma_start3A_361 = tpu.memref_slice %arg2[%dma_start3A_359, %dma_start3A_360] : memref<10000x128xf32, #tpu.memory_space<hbm>> -> memref<10000x128xf32, #tpu.memory_space<hbm>>
      tpu.enqueue_indirect_dma source(%dma_start3A_361 : memref<10000x128xf32, #tpu.memory_space<hbm>>) target(%arg15 : memref<80x128xf32, #tpu.memory_space<vmem>>) offsets(%arg11 : memref<80xi32, #tpu.memory_space<vmem>>) semaphore(%arg19 : memref<!tpu.dma_semaphore, #tpu.memory_space<semaphore_mem>>)
      %dma_wait3A_362 = arith.constant 0 : i32
      %dma_wait3A_363 = arith.constant 0 : i32
      %dma_wait3A_364 = tpu.memref_slice %arg2[%dma_wait3A_362, %dma_wait3A_363] : memref<10000x128xf32, #tpu.memory_space<hbm>> -> memref<10000x128xf32, #tpu.memory_space<hbm>>
      tpu.wait_indirect_dma semaphore(%arg17 : memref<!tpu.dma_semaphore, #tpu.memory_space<semaphore_mem>>) src(%dma_wait3A_364 : memref<10000x128xf32, #tpu.memory_space<hbm>>) dst(%arg13 : memref<80x128xf32, #tpu.memory_space<vmem>>)
      "tpu.region"() ({
        %run_scoped3A = tpu.sem_alloc : memref<!tpu.dma_semaphore, #tpu.memory_space<semaphore_mem>>
        %dma_start3A_688 = arith.constant 0 : i32
        %dma_start3A_689 = arith.constant 0 : i32
        %dma_start3A_690 = tpu.memref_slice %arg16[%dma_start3A_688, %dma_start3A_689] : memref<10240x128xf32, #tpu.memory_space<vmem_shared>> -> memref<10240x128xf32, #tpu.memory_space<vmem_shared>>
        tpu.enqueue_indirect_dma source(%arg13 : memref<80x128xf32, #tpu.memory_space<vmem>>) target(%dma_start3A_690 : memref<10240x128xf32, #tpu.memory_space<vmem_shared>>) offsets(%arg8 : memref<80xi32, #tpu.memory_space<vmem>>) semaphore(%run_scoped3A : memref<!tpu.dma_semaphore, #tpu.memory_space<semaphore_mem>>) {add = true}
        %dma_wait3A_691 = arith.constant 0 : i32
        %dma_wait3A_692 = arith.constant 0 : i32
        %dma_wait3A_693 = tpu.memref_slice %arg16[%dma_wait3A_691, %dma_wait3A_692] : memref<10240x128xf32, #tpu.memory_space<vmem_shared>> -> memref<10240x128xf32, #tpu.memory_space<vmem_shared>>
        tpu.wait_indirect_dma semaphore(%run_scoped3A : memref<!tpu.dma_semaphore, #tpu.memory_space<semaphore_mem>>) src(%arg13 : memref<80x128xf32, #tpu.memory_space<vmem>>) dst(%dma_wait3A_693 : memref<10240x128xf32, #tpu.memory_space<vmem_shared>>)
        tpu.yield
      }) : () -> ()
      %add3A_365 = arith.constant 3 : i32
      %add3A_366 = arith.addi %mul3A_358, %add3A_365 : i32
      %min3A = arith.constant 124 : i32
      %min3A_367 = arith.minsi %add3A_366, %min3A : i32
      %get3A_368 = arith.constant 0 : i32
      %get3A_369 = tpu.memref_slice %arg6[%min3A_367, %get3A_368] : memref<125x80xi32, #tpu.memory_space<vmem>> -> memref<1x80xi32, #tpu.memory_space<vmem>>
      %get3A_370 = tpu.memref_squeeze %get3A_369 : memref<1x80xi32, #tpu.memory_space<vmem>> -> memref<80xi32, #tpu.memory_space<vmem>>
      %get3A_371 = arith.constant 0 : index
      %get3A_372 = tpu.vector_load %get3A_370[%get3A_371] {strides = array<i32>} : memref<80xi32, #tpu.memory_space<vmem>>, vector<16xi32>,
      %get3A_373 = vector.shape_cast %get3A_372 : vector<16xi32> to vector<16xi32>
      %and3A_374 = arith.constant 65535 : i32
      %and3A_375 = vector.broadcast %and3A_374 : i32 to vector<16xi32>
      %and3A_376 = arith.andi %get3A_373, %and3A_375 : vector<16xi32>
      %swap3A_377 = arith.constant 0 : index
      %swap3A_378 = tpu.vector_load %arg7[%swap3A_377] {strides = array<i32>} : memref<80xi32, #tpu.memory_space<vmem>>, vector<16xi32>,
      %swap3A_379 = vector.shape_cast %swap3A_378 : vector<16xi32> to vector<16xi32>
      %swap3A_380 = vector.shape_cast %and3A_376 : vector<16xi32> to vector<16xi32>
      tpu.vector_store %arg7[%swap3A_377], %swap3A_380 {strides = array<i32>} : memref<80xi32, #tpu.memory_space<vmem>>, vector<16xi32>,
      %shift_right_logical3A_381 = arith.constant 16 : i32
      %shift_right_logical3A_382 = vector.broadcast %shift_right_logical3A_381 : i32 to vector<16xi32>
      %shift_right_logical3A_383 = arith.shrui %get3A_373, %shift_right_logical3A_382 : vector<16xi32>
      %swap3A_384 = arith.constant 0 : index
      %swap3A_385 = tpu.vector_load %arg8[%swap3A_384] {strides = array<i32>} : memref<80xi32, #tpu.memory_space<vmem>>, vector<16xi32>,
      %swap3A_386 = vector.shape_cast %swap3A_385 : vector<16xi32> to vector<16xi32>
      %swap3A_387 = vector.shape_cast %shift_right_logical3A_383 : vector<16xi32> to vector<16xi32>
      tpu.vector_store %arg8[%swap3A_384], %swap3A_387 {strides = array<i32>} : memref<80xi32, #tpu.memory_space<vmem>>, vector<16xi32>,
      %get3A_388 = arith.constant 0 : i32
      %get3A_389 = tpu.memref_slice %arg6[%min3A_367, %get3A_388] : memref<125x80xi32, #tpu.memory_space<vmem>> -> memref<1x80xi32, #tpu.memory_space<vmem>>
      %get3A_390 = tpu.memref_squeeze %get3A_389 : memref<1x80xi32, #tpu.memory_space<vmem>> -> memref<80xi32, #tpu.memory_space<vmem>>
      %get3A_391 = arith.constant 16 : index
      %get3A_392 = tpu.vector_load %get3A_390[%get3A_391] {strides = array<i32>} : memref<80xi32, #tpu.memory_space<vmem>>, vector<16xi32>,
      %get3A_393 = vector.shape_cast %get3A_392 : vector<16xi32> to vector<16xi32>
      %and3A_394 = arith.constant 65535 : i32
      %and3A_395 = vector.broadcast %and3A_394 : i32 to vector<16xi32>
      %and3A_396 = arith.andi %get3A_393, %and3A_395 : vector<16xi32>
      %swap3A_397 = arith.constant 16 : index
      %swap3A_398 = tpu.vector_load %arg7[%swap3A_397] {strides = array<i32>} : memref<80xi32, #tpu.memory_space<vmem>>, vector<16xi32>,
      %swap3A_399 = vector.shape_cast %swap3A_398 : vector<16xi32> to vector<16xi32>
      %swap3A_400 = vector.shape_cast %and3A_396 : vector<16xi32> to vector<16xi32>
      tpu.vector_store %arg7[%swap3A_397], %swap3A_400 {strides = array<i32>} : memref<80xi32, #tpu.memory_space<vmem>>, vector<16xi32>,
      %shift_right_logical3A_401 = arith.constant 16 : i32
      %shift_right_logical3A_402 = vector.broadcast %shift_right_logical3A_401 : i32 to vector<16xi32>
      %shift_right_logical3A_403 = arith.shrui %get3A_393, %shift_right_logical3A_402 : vector<16xi32>
      %swap3A_404 = arith.constant 16 : index
      %swap3A_405 = tpu.vector_load %arg8[%swap3A_404] {strides = array<i32>} : memref<80xi32, #tpu.memory_space<vmem>>, vector<16xi32>,
      %swap3A_406 = vector.shape_cast %swap3A_405 : vector<16xi32> to vector<16xi32>
      %swap3A_407 = vector.shape_cast %shift_right_logical3A_403 : vector<16xi32> to vector<16xi32>
      tpu.vector_store %arg8[%swap3A_404], %swap3A_407 {strides = array<i32>} : memref<80xi32, #tpu.memory_space<vmem>>, vector<16xi32>,
      %get3A_408 = arith.constant 0 : i32
      %get3A_409 = tpu.memref_slice %arg6[%min3A_367, %get3A_408] : memref<125x80xi32, #tpu.memory_space<vmem>> -> memref<1x80xi32, #tpu.memory_space<vmem>>
      %get3A_410 = tpu.memref_squeeze %get3A_409 : memref<1x80xi32, #tpu.memory_space<vmem>> -> memref<80xi32, #tpu.memory_space<vmem>>
      %get3A_411 = arith.constant 32 : index
      %get3A_412 = tpu.vector_load %get3A_410[%get3A_411] {strides = array<i32>} : memref<80xi32, #tpu.memory_space<vmem>>, vector<16xi32>,
      %get3A_413 = vector.shape_cast %get3A_412 : vector<16xi32> to vector<16xi32>
      %and3A_414 = arith.constant 65535 : i32
      %and3A_415 = vector.broadcast %and3A_414 : i32 to vector<16xi32>
      %and3A_416 = arith.andi %get3A_413, %and3A_415 : vector<16xi32>
      %swap3A_417 = arith.constant 32 : index
      %swap3A_418 = tpu.vector_load %arg7[%swap3A_417] {strides = array<i32>} : memref<80xi32, #tpu.memory_space<vmem>>, vector<16xi32>,
      %swap3A_419 = vector.shape_cast %swap3A_418 : vector<16xi32> to vector<16xi32>
      %swap3A_420 = vector.shape_cast %and3A_416 : vector<16xi32> to vector<16xi32>
      tpu.vector_store %arg7[%swap3A_417], %swap3A_420 {strides = array<i32>} : memref<80xi32, #tpu.memory_space<vmem>>, vector<16xi32>,
      %shift_right_logical3A_421 = arith.constant 16 : i32
      %shift_right_logical3A_422 = vector.broadcast %shift_right_logical3A_421 : i32 to vector<16xi32>
      %shift_right_logical3A_423 = arith.shrui %get3A_413, %shift_right_logical3A_422 : vector<16xi32>
      %swap3A_424 = arith.constant 32 : index
      %swap3A_425 = tpu.vector_load %arg8[%swap3A_424] {strides = array<i32>} : memref<80xi32, #tpu.memory_space<vmem>>, vector<16xi32>,
      %swap3A_426 = vector.shape_cast %swap3A_425 : vector<16xi32> to vector<16xi32>
      %swap3A_427 = vector.shape_cast %shift_right_logical3A_423 : vector<16xi32> to vector<16xi32>
      tpu.vector_store %arg8[%swap3A_424], %swap3A_427 {strides = array<i32>} : memref<80xi32, #tpu.memory_space<vmem>>, vector<16xi32>,
      %get3A_428 = arith.constant 0 : i32
      %get3A_429 = tpu.memref_slice %arg6[%min3A_367, %get3A_428] : memref<125x80xi32, #tpu.memory_space<vmem>> -> memref<1x80xi32, #tpu.memory_space<vmem>>
      %get3A_430 = tpu.memref_squeeze %get3A_429 : memref<1x80xi32, #tpu.memory_space<vmem>> -> memref<80xi32, #tpu.memory_space<vmem>>
      %get3A_431 = arith.constant 48 : index
      %get3A_432 = tpu.vector_load %get3A_430[%get3A_431] {strides = array<i32>} : memref<80xi32, #tpu.memory_space<vmem>>, vector<16xi32>,
      %get3A_433 = vector.shape_cast %get3A_432 : vector<16xi32> to vector<16xi32>
      %and3A_434 = arith.constant 65535 : i32
      %and3A_435 = vector.broadcast %and3A_434 : i32 to vector<16xi32>
      %and3A_436 = arith.andi %get3A_433, %and3A_435 : vector<16xi32>
      %swap3A_437 = arith.constant 48 : index
      %swap3A_438 = tpu.vector_load %arg7[%swap3A_437] {strides = array<i32>} : memref<80xi32, #tpu.memory_space<vmem>>, vector<16xi32>,
      %swap3A_439 = vector.shape_cast %swap3A_438 : vector<16xi32> to vector<16xi32>
      %swap3A_440 = vector.shape_cast %and3A_436 : vector<16xi32> to vector<16xi32>
      tpu.vector_store %arg7[%swap3A_437], %swap3A_440 {strides = array<i32>} : memref<80xi32, #tpu.memory_space<vmem>>, vector<16xi32>,
      %shift_right_logical3A_441 = arith.constant 16 : i32
      %shift_right_logical3A_442 = vector.broadcast %shift_right_logical3A_441 : i32 to vector<16xi32>
      %shift_right_logical3A_443 = arith.shrui %get3A_433, %shift_right_logical3A_442 : vector<16xi32>
      %swap3A_444 = arith.constant 48 : index
      %swap3A_445 = tpu.vector_load %arg8[%swap3A_444] {strides = array<i32>} : memref<80xi32, #tpu.memory_space<vmem>>, vector<16xi32>,
      %swap3A_446 = vector.shape_cast %swap3A_445 : vector<16xi32> to vector<16xi32>
      %swap3A_447 = vector.shape_cast %shift_right_logical3A_443 : vector<16xi32> to vector<16xi32>
      tpu.vector_store %arg8[%swap3A_444], %swap3A_447 {strides = array<i32>} : memref<80xi32, #tpu.memory_space<vmem>>, vector<16xi32>,
      %get3A_448 = arith.constant 0 : i32
      %get3A_449 = tpu.memref_slice %arg6[%min3A_367, %get3A_448] : memref<125x80xi32, #tpu.memory_space<vmem>> -> memref<1x80xi32, #tpu.memory_space<vmem>>
      %get3A_450 = tpu.memref_squeeze %get3A_449 : memref<1x80xi32, #tpu.memory_space<vmem>> -> memref<80xi32, #tpu.memory_space<vmem>>
      %get3A_451 = arith.constant 64 : index
      %get3A_452 = tpu.vector_load %get3A_450[%get3A_451] {strides = array<i32>} : memref<80xi32, #tpu.memory_space<vmem>>, vector<16xi32>,
      %get3A_453 = vector.shape_cast %get3A_452 : vector<16xi32> to vector<16xi32>
      %and3A_454 = arith.constant 65535 : i32
      %and3A_455 = vector.broadcast %and3A_454 : i32 to vector<16xi32>
      %and3A_456 = arith.andi %get3A_453, %and3A_455 : vector<16xi32>
      %swap3A_457 = arith.constant 64 : index
      %swap3A_458 = tpu.vector_load %arg7[%swap3A_457] {strides = array<i32>} : memref<80xi32, #tpu.memory_space<vmem>>, vector<16xi32>,
      %swap3A_459 = vector.shape_cast %swap3A_458 : vector<16xi32> to vector<16xi32>
      %swap3A_460 = vector.shape_cast %and3A_456 : vector<16xi32> to vector<16xi32>
      tpu.vector_store %arg7[%swap3A_457], %swap3A_460 {strides = array<i32>} : memref<80xi32, #tpu.memory_space<vmem>>, vector<16xi32>,
      %shift_right_logical3A_461 = arith.constant 16 : i32
      %shift_right_logical3A_462 = vector.broadcast %shift_right_logical3A_461 : i32 to vector<16xi32>
      %shift_right_logical3A_463 = arith.shrui %get3A_453, %shift_right_logical3A_462 : vector<16xi32>
      %swap3A_464 = arith.constant 64 : index
      %swap3A_465 = tpu.vector_load %arg8[%swap3A_464] {strides = array<i32>} : memref<80xi32, #tpu.memory_space<vmem>>, vector<16xi32>,
      %swap3A_466 = vector.shape_cast %swap3A_465 : vector<16xi32> to vector<16xi32>
      %swap3A_467 = vector.shape_cast %shift_right_logical3A_463 : vector<16xi32> to vector<16xi32>
      tpu.vector_store %arg8[%swap3A_464], %swap3A_467 {strides = array<i32>} : memref<80xi32, #tpu.memory_space<vmem>>, vector<16xi32>,
      %dma_start3A_468 = arith.constant 0 : i32
      %dma_start3A_469 = arith.constant 0 : i32
      %dma_start3A_470 = tpu.memref_slice %arg2[%dma_start3A_468, %dma_start3A_469] : memref<10000x128xf32, #tpu.memory_space<hbm>> -> memref<10000x128xf32, #tpu.memory_space<hbm>>
      tpu.enqueue_indirect_dma source(%dma_start3A_470 : memref<10000x128xf32, #tpu.memory_space<hbm>>) target(%arg13 : memref<80x128xf32, #tpu.memory_space<vmem>>) offsets(%arg7 : memref<80xi32, #tpu.memory_space<vmem>>) semaphore(%arg17 : memref<!tpu.dma_semaphore, #tpu.memory_space<semaphore_mem>>)
      %dma_wait3A_471 = arith.constant 0 : i32
      %dma_wait3A_472 = arith.constant 0 : i32
      %dma_wait3A_473 = tpu.memref_slice %arg2[%dma_wait3A_471, %dma_wait3A_472] : memref<10000x128xf32, #tpu.memory_space<hbm>> -> memref<10000x128xf32, #tpu.memory_space<hbm>>
      tpu.wait_indirect_dma semaphore(%arg18 : memref<!tpu.dma_semaphore, #tpu.memory_space<semaphore_mem>>) src(%dma_wait3A_473 : memref<10000x128xf32, #tpu.memory_space<hbm>>) dst(%arg14 : memref<80x128xf32, #tpu.memory_space<vmem>>)
      "tpu.region"() ({
        %run_scoped3A = tpu.sem_alloc : memref<!tpu.dma_semaphore, #tpu.memory_space<semaphore_mem>>
        %dma_start3A_688 = arith.constant 0 : i32
        %dma_start3A_689 = arith.constant 0 : i32
        %dma_start3A_690 = tpu.memref_slice %arg16[%dma_start3A_688, %dma_start3A_689] : memref<10240x128xf32, #tpu.memory_space<vmem_shared>> -> memref<10240x128xf32, #tpu.memory_space<vmem_shared>>
        tpu.enqueue_indirect_dma source(%arg14 : memref<80x128xf32, #tpu.memory_space<vmem>>) target(%dma_start3A_690 : memref<10240x128xf32, #tpu.memory_space<vmem_shared>>) offsets(%arg10 : memref<80xi32, #tpu.memory_space<vmem>>) semaphore(%run_scoped3A : memref<!tpu.dma_semaphore, #tpu.memory_space<semaphore_mem>>) {add = true}
        %dma_wait3A_691 = arith.constant 0 : i32
        %dma_wait3A_692 = arith.constant 0 : i32
        %dma_wait3A_693 = tpu.memref_slice %arg16[%dma_wait3A_691, %dma_wait3A_692] : memref<10240x128xf32, #tpu.memory_space<vmem_shared>> -> memref<10240x128xf32, #tpu.memory_space<vmem_shared>>
        tpu.wait_indirect_dma semaphore(%run_scoped3A : memref<!tpu.dma_semaphore, #tpu.memory_space<semaphore_mem>>) src(%arg14 : memref<80x128xf32, #tpu.memory_space<vmem>>) dst(%dma_wait3A_693 : memref<10240x128xf32, #tpu.memory_space<vmem_shared>>)
        tpu.yield
      }) : () -> ()
      %add3A_474 = arith.constant 4 : i32
      %add3A_475 = arith.addi %mul3A_358, %add3A_474 : i32
      %min3A_476 = arith.constant 124 : i32
      %min3A_477 = arith.minsi %add3A_475, %min3A_476 : i32
      %get3A_478 = arith.constant 0 : i32
      %get3A_479 = tpu.memref_slice %arg6[%min3A_477, %get3A_478] : memref<125x80xi32, #tpu.memory_space<vmem>> -> memref<1x80xi32, #tpu.memory_space<vmem>>
      %get3A_480 = tpu.memref_squeeze %get3A_479 : memref<1x80xi32, #tpu.memory_space<vmem>> -> memref<80xi32, #tpu.memory_space<vmem>>
      %get3A_481 = arith.constant 0 : index
      %get3A_482 = tpu.vector_load %get3A_480[%get3A_481] {strides = array<i32>} : memref<80xi32, #tpu.memory_space<vmem>>, vector<16xi32>,
      %get3A_483 = vector.shape_cast %get3A_482 : vector<16xi32> to vector<16xi32>
      %and3A_484 = arith.constant 65535 : i32
      %and3A_485 = vector.broadcast %and3A_484 : i32 to vector<16xi32>
      %and3A_486 = arith.andi %get3A_483, %and3A_485 : vector<16xi32>
      %swap3A_487 = arith.constant 0 : index
      %swap3A_488 = tpu.vector_load %arg9[%swap3A_487] {strides = array<i32>} : memref<80xi32, #tpu.memory_space<vmem>>, vector<16xi32>,
      %swap3A_489 = vector.shape_cast %swap3A_488 : vector<16xi32> to vector<16xi32>
      %swap3A_490 = vector.shape_cast %and3A_486 : vector<16xi32> to vector<16xi32>
      tpu.vector_store %arg9[%swap3A_487], %swap3A_490 {strides = array<i32>} : memref<80xi32, #tpu.memory_space<vmem>>, vector<16xi32>,
      %shift_right_logical3A_491 = arith.constant 16 : i32
      %shift_right_logical3A_492 = vector.broadcast %shift_right_logical3A_491 : i32 to vector<16xi32>
      %shift_right_logical3A_493 = arith.shrui %get3A_483, %shift_right_logical3A_492 : vector<16xi32>
      %swap3A_494 = arith.constant 0 : index
      %swap3A_495 = tpu.vector_load %arg10[%swap3A_494] {strides = array<i32>} : memref<80xi32, #tpu.memory_space<vmem>>, vector<16xi32>,
      %swap3A_496 = vector.shape_cast %swap3A_495 : vector<16xi32> to vector<16xi32>
      %swap3A_497 = vector.shape_cast %shift_right_logical3A_493 : vector<16xi32> to vector<16xi32>
      tpu.vector_store %arg10[%swap3A_494], %swap3A_497 {strides = array<i32>} : memref<80xi32, #tpu.memory_space<vmem>>, vector<16xi32>,
      %get3A_498 = arith.constant 0 : i32
      %get3A_499 = tpu.memref_slice %arg6[%min3A_477, %get3A_498] : memref<125x80xi32, #tpu.memory_space<vmem>> -> memref<1x80xi32, #tpu.memory_space<vmem>>
      %get3A_500 = tpu.memref_squeeze %get3A_499 : memref<1x80xi32, #tpu.memory_space<vmem>> -> memref<80xi32, #tpu.memory_space<vmem>>
      %get3A_501 = arith.constant 16 : index
      %get3A_502 = tpu.vector_load %get3A_500[%get3A_501] {strides = array<i32>} : memref<80xi32, #tpu.memory_space<vmem>>, vector<16xi32>,
      %get3A_503 = vector.shape_cast %get3A_502 : vector<16xi32> to vector<16xi32>
      %and3A_504 = arith.constant 65535 : i32
      %and3A_505 = vector.broadcast %and3A_504 : i32 to vector<16xi32>
      %and3A_506 = arith.andi %get3A_503, %and3A_505 : vector<16xi32>
      %swap3A_507 = arith.constant 16 : index
      %swap3A_508 = tpu.vector_load %arg9[%swap3A_507] {strides = array<i32>} : memref<80xi32, #tpu.memory_space<vmem>>, vector<16xi32>,
      %swap3A_509 = vector.shape_cast %swap3A_508 : vector<16xi32> to vector<16xi32>
      %swap3A_510 = vector.shape_cast %and3A_506 : vector<16xi32> to vector<16xi32>
      tpu.vector_store %arg9[%swap3A_507], %swap3A_510 {strides = array<i32>} : memref<80xi32, #tpu.memory_space<vmem>>, vector<16xi32>,
      %shift_right_logical3A_511 = arith.constant 16 : i32
      %shift_right_logical3A_512 = vector.broadcast %shift_right_logical3A_511 : i32 to vector<16xi32>
      %shift_right_logical3A_513 = arith.shrui %get3A_503, %shift_right_logical3A_512 : vector<16xi32>
      %swap3A_514 = arith.constant 16 : index
      %swap3A_515 = tpu.vector_load %arg10[%swap3A_514] {strides = array<i32>} : memref<80xi32, #tpu.memory_space<vmem>>, vector<16xi32>,
      %swap3A_516 = vector.shape_cast %swap3A_515 : vector<16xi32> to vector<16xi32>
      %swap3A_517 = vector.shape_cast %shift_right_logical3A_513 : vector<16xi32> to vector<16xi32>
      tpu.vector_store %arg10[%swap3A_514], %swap3A_517 {strides = array<i32>} : memref<80xi32, #tpu.memory_space<vmem>>, vector<16xi32>,
      %get3A_518 = arith.constant 0 : i32
      %get3A_519 = tpu.memref_slice %arg6[%min3A_477, %get3A_518] : memref<125x80xi32, #tpu.memory_space<vmem>> -> memref<1x80xi32, #tpu.memory_space<vmem>>
      %get3A_520 = tpu.memref_squeeze %get3A_519 : memref<1x80xi32, #tpu.memory_space<vmem>> -> memref<80xi32, #tpu.memory_space<vmem>>
      %get3A_521 = arith.constant 32 : index
      %get3A_522 = tpu.vector_load %get3A_520[%get3A_521] {strides = array<i32>} : memref<80xi32, #tpu.memory_space<vmem>>, vector<16xi32>,
      %get3A_523 = vector.shape_cast %get3A_522 : vector<16xi32> to vector<16xi32>
      %and3A_524 = arith.constant 65535 : i32
      %and3A_525 = vector.broadcast %and3A_524 : i32 to vector<16xi32>
      %and3A_526 = arith.andi %get3A_523, %and3A_525 : vector<16xi32>
      %swap3A_527 = arith.constant 32 : index
      %swap3A_528 = tpu.vector_load %arg9[%swap3A_527] {strides = array<i32>} : memref<80xi32, #tpu.memory_space<vmem>>, vector<16xi32>,
      %swap3A_529 = vector.shape_cast %swap3A_528 : vector<16xi32> to vector<16xi32>
      %swap3A_530 = vector.shape_cast %and3A_526 : vector<16xi32> to vector<16xi32>
      tpu.vector_store %arg9[%swap3A_527], %swap3A_530 {strides = array<i32>} : memref<80xi32, #tpu.memory_space<vmem>>, vector<16xi32>,
      %shift_right_logical3A_531 = arith.constant 16 : i32
      %shift_right_logical3A_532 = vector.broadcast %shift_right_logical3A_531 : i32 to vector<16xi32>
      %shift_right_logical3A_533 = arith.shrui %get3A_523, %shift_right_logical3A_532 : vector<16xi32>
      %swap3A_534 = arith.constant 32 : index
      %swap3A_535 = tpu.vector_load %arg10[%swap3A_534] {strides = array<i32>} : memref<80xi32, #tpu.memory_space<vmem>>, vector<16xi32>,
      %swap3A_536 = vector.shape_cast %swap3A_535 : vector<16xi32> to vector<16xi32>
      %swap3A_537 = vector.shape_cast %shift_right_logical3A_533 : vector<16xi32> to vector<16xi32>
      tpu.vector_store %arg10[%swap3A_534], %swap3A_537 {strides = array<i32>} : memref<80xi32, #tpu.memory_space<vmem>>, vector<16xi32>,
      %get3A_538 = arith.constant 0 : i32
      %get3A_539 = tpu.memref_slice %arg6[%min3A_477, %get3A_538] : memref<125x80xi32, #tpu.memory_space<vmem>> -> memref<1x80xi32, #tpu.memory_space<vmem>>
      %get3A_540 = tpu.memref_squeeze %get3A_539 : memref<1x80xi32, #tpu.memory_space<vmem>> -> memref<80xi32, #tpu.memory_space<vmem>>
      %get3A_541 = arith.constant 48 : index
      %get3A_542 = tpu.vector_load %get3A_540[%get3A_541] {strides = array<i32>} : memref<80xi32, #tpu.memory_space<vmem>>, vector<16xi32>,
      %get3A_543 = vector.shape_cast %get3A_542 : vector<16xi32> to vector<16xi32>
      %and3A_544 = arith.constant 65535 : i32
      %and3A_545 = vector.broadcast %and3A_544 : i32 to vector<16xi32>
      %and3A_546 = arith.andi %get3A_543, %and3A_545 : vector<16xi32>
      %swap3A_547 = arith.constant 48 : index
      %swap3A_548 = tpu.vector_load %arg9[%swap3A_547] {strides = array<i32>} : memref<80xi32, #tpu.memory_space<vmem>>, vector<16xi32>,
      %swap3A_549 = vector.shape_cast %swap3A_548 : vector<16xi32> to vector<16xi32>
      %swap3A_550 = vector.shape_cast %and3A_546 : vector<16xi32> to vector<16xi32>
      tpu.vector_store %arg9[%swap3A_547], %swap3A_550 {strides = array<i32>} : memref<80xi32, #tpu.memory_space<vmem>>, vector<16xi32>,
      %shift_right_logical3A_551 = arith.constant 16 : i32
      %shift_right_logical3A_552 = vector.broadcast %shift_right_logical3A_551 : i32 to vector<16xi32>
      %shift_right_logical3A_553 = arith.shrui %get3A_543, %shift_right_logical3A_552 : vector<16xi32>
      %swap3A_554 = arith.constant 48 : index
      %swap3A_555 = tpu.vector_load %arg10[%swap3A_554] {strides = array<i32>} : memref<80xi32, #tpu.memory_space<vmem>>, vector<16xi32>,
      %swap3A_556 = vector.shape_cast %swap3A_555 : vector<16xi32> to vector<16xi32>
      %swap3A_557 = vector.shape_cast %shift_right_logical3A_553 : vector<16xi32> to vector<16xi32>
      tpu.vector_store %arg10[%swap3A_554], %swap3A_557 {strides = array<i32>} : memref<80xi32, #tpu.memory_space<vmem>>, vector<16xi32>,
      %get3A_558 = arith.constant 0 : i32
      %get3A_559 = tpu.memref_slice %arg6[%min3A_477, %get3A_558] : memref<125x80xi32, #tpu.memory_space<vmem>> -> memref<1x80xi32, #tpu.memory_space<vmem>>
      %get3A_560 = tpu.memref_squeeze %get3A_559 : memref<1x80xi32, #tpu.memory_space<vmem>> -> memref<80xi32, #tpu.memory_space<vmem>>
      %get3A_561 = arith.constant 64 : index
      %get3A_562 = tpu.vector_load %get3A_560[%get3A_561] {strides = array<i32>} : memref<80xi32, #tpu.memory_space<vmem>>, vector<16xi32>,
      %get3A_563 = vector.shape_cast %get3A_562 : vector<16xi32> to vector<16xi32>
      %and3A_564 = arith.constant 65535 : i32
      %and3A_565 = vector.broadcast %and3A_564 : i32 to vector<16xi32>
      %and3A_566 = arith.andi %get3A_563, %and3A_565 : vector<16xi32>
      %swap3A_567 = arith.constant 64 : index
      %swap3A_568 = tpu.vector_load %arg9[%swap3A_567] {strides = array<i32>} : memref<80xi32, #tpu.memory_space<vmem>>, vector<16xi32>,
      %swap3A_569 = vector.shape_cast %swap3A_568 : vector<16xi32> to vector<16xi32>
      %swap3A_570 = vector.shape_cast %and3A_566 : vector<16xi32> to vector<16xi32>
      tpu.vector_store %arg9[%swap3A_567], %swap3A_570 {strides = array<i32>} : memref<80xi32, #tpu.memory_space<vmem>>, vector<16xi32>,
      %shift_right_logical3A_571 = arith.constant 16 : i32
      %shift_right_logical3A_572 = vector.broadcast %shift_right_logical3A_571 : i32 to vector<16xi32>
      %shift_right_logical3A_573 = arith.shrui %get3A_563, %shift_right_logical3A_572 : vector<16xi32>
      %swap3A_574 = arith.constant 64 : index
      %swap3A_575 = tpu.vector_load %arg10[%swap3A_574] {strides = array<i32>} : memref<80xi32, #tpu.memory_space<vmem>>, vector<16xi32>,
      %swap3A_576 = vector.shape_cast %swap3A_575 : vector<16xi32> to vector<16xi32>
      %swap3A_577 = vector.shape_cast %shift_right_logical3A_573 : vector<16xi32> to vector<16xi32>
      tpu.vector_store %arg10[%swap3A_574], %swap3A_577 {strides = array<i32>} : memref<80xi32, #tpu.memory_space<vmem>>, vector<16xi32>,
      %dma_start3A_578 = arith.constant 0 : i32
      %dma_start3A_579 = arith.constant 0 : i32
      %dma_start3A_580 = tpu.memref_slice %arg2[%dma_start3A_578, %dma_start3A_579] : memref<10000x128xf32, #tpu.memory_space<hbm>> -> memref<10000x128xf32, #tpu.memory_space<hbm>>
      tpu.enqueue_indirect_dma source(%dma_start3A_580 : memref<10000x128xf32, #tpu.memory_space<hbm>>) target(%arg14 : memref<80x128xf32, #tpu.memory_space<vmem>>) offsets(%arg9 : memref<80xi32, #tpu.memory_space<vmem>>) semaphore(%arg18 : memref<!tpu.dma_semaphore, #tpu.memory_space<semaphore_mem>>)
      %dma_wait3A_581 = arith.constant 0 : i32
      %dma_wait3A_582 = arith.constant 0 : i32
      %dma_wait3A_583 = tpu.memref_slice %arg2[%dma_wait3A_581, %dma_wait3A_582] : memref<10000x128xf32, #tpu.memory_space<hbm>> -> memref<10000x128xf32, #tpu.memory_space<hbm>>
      tpu.wait_indirect_dma semaphore(%arg19 : memref<!tpu.dma_semaphore, #tpu.memory_space<semaphore_mem>>) src(%dma_wait3A_583 : memref<10000x128xf32, #tpu.memory_space<hbm>>) dst(%arg15 : memref<80x128xf32, #tpu.memory_space<vmem>>)
      "tpu.region"() ({
        %run_scoped3A = tpu.sem_alloc : memref<!tpu.dma_semaphore, #tpu.memory_space<semaphore_mem>>
        %dma_start3A_688 = arith.constant 0 : i32
        %dma_start3A_689 = arith.constant 0 : i32
        %dma_start3A_690 = tpu.memref_slice %arg16[%dma_start3A_688, %dma_start3A_689] : memref<10240x128xf32, #tpu.memory_space<vmem_shared>> -> memref<10240x128xf32, #tpu.memory_space<vmem_shared>>
        tpu.enqueue_indirect_dma source(%arg15 : memref<80x128xf32, #tpu.memory_space<vmem>>) target(%dma_start3A_690 : memref<10240x128xf32, #tpu.memory_space<vmem_shared>>) offsets(%arg12 : memref<80xi32, #tpu.memory_space<vmem>>) semaphore(%run_scoped3A : memref<!tpu.dma_semaphore, #tpu.memory_space<semaphore_mem>>) {add = true}
        %dma_wait3A_691 = arith.constant 0 : i32
        %dma_wait3A_692 = arith.constant 0 : i32
        %dma_wait3A_693 = tpu.memref_slice %arg16[%dma_wait3A_691, %dma_wait3A_692] : memref<10240x128xf32, #tpu.memory_space<vmem_shared>> -> memref<10240x128xf32, #tpu.memory_space<vmem_shared>>
        tpu.wait_indirect_dma semaphore(%run_scoped3A : memref<!tpu.dma_semaphore, #tpu.memory_space<semaphore_mem>>) src(%arg15 : memref<80x128xf32, #tpu.memory_space<vmem>>) dst(%dma_wait3A_693 : memref<10240x128xf32, #tpu.memory_space<vmem_shared>>)
        tpu.yield
      }) : () -> ()
      %add3A_584 = arith.constant 5 : i32
      %add3A_585 = arith.addi %mul3A_358, %add3A_584 : i32
      %min3A_586 = arith.constant 124 : i32
      %min3A_587 = arith.minsi %add3A_585, %min3A_586 : i32
      %get3A_588 = arith.constant 0 : i32
      %get3A_589 = tpu.memref_slice %arg6[%min3A_587, %get3A_588] : memref<125x80xi32, #tpu.memory_space<vmem>> -> memref<1x80xi32, #tpu.memory_space<vmem>>
      %get3A_590 = tpu.memref_squeeze %get3A_589 : memref<1x80xi32, #tpu.memory_space<vmem>> -> memref<80xi32, #tpu.memory_space<vmem>>
      %get3A_591 = arith.constant 0 : index
      %get3A_592 = tpu.vector_load %get3A_590[%get3A_591] {strides = array<i32>} : memref<80xi32, #tpu.memory_space<vmem>>, vector<16xi32>,
      %get3A_593 = vector.shape_cast %get3A_592 : vector<16xi32> to vector<16xi32>
      %and3A_594 = arith.constant 65535 : i32
      %and3A_595 = vector.broadcast %and3A_594 : i32 to vector<16xi32>
      %and3A_596 = arith.andi %get3A_593, %and3A_595 : vector<16xi32>
      %swap3A_597 = arith.constant 0 : index
      %swap3A_598 = tpu.vector_load %arg11[%swap3A_597] {strides = array<i32>} : memref<80xi32, #tpu.memory_space<vmem>>, vector<16xi32>,
      %swap3A_599 = vector.shape_cast %swap3A_598 : vector<16xi32> to vector<16xi32>
      %swap3A_600 = vector.shape_cast %and3A_596 : vector<16xi32> to vector<16xi32>
      tpu.vector_store %arg11[%swap3A_597], %swap3A_600 {strides = array<i32>} : memref<80xi32, #tpu.memory_space<vmem>>, vector<16xi32>,
      %shift_right_logical3A_601 = arith.constant 16 : i32
      %shift_right_logical3A_602 = vector.broadcast %shift_right_logical3A_601 : i32 to vector<16xi32>
      %shift_right_logical3A_603 = arith.shrui %get3A_593, %shift_right_logical3A_602 : vector<16xi32>
      %swap3A_604 = arith.constant 0 : index
      %swap3A_605 = tpu.vector_load %arg12[%swap3A_604] {strides = array<i32>} : memref<80xi32, #tpu.memory_space<vmem>>, vector<16xi32>,
      %swap3A_606 = vector.shape_cast %swap3A_605 : vector<16xi32> to vector<16xi32>
      %swap3A_607 = vector.shape_cast %shift_right_logical3A_603 : vector<16xi32> to vector<16xi32>
      tpu.vector_store %arg12[%swap3A_604], %swap3A_607 {strides = array<i32>} : memref<80xi32, #tpu.memory_space<vmem>>, vector<16xi32>,
      %get3A_608 = arith.constant 0 : i32
      %get3A_609 = tpu.memref_slice %arg6[%min3A_587, %get3A_608] : memref<125x80xi32, #tpu.memory_space<vmem>> -> memref<1x80xi32, #tpu.memory_space<vmem>>
      %get3A_610 = tpu.memref_squeeze %get3A_609 : memref<1x80xi32, #tpu.memory_space<vmem>> -> memref<80xi32, #tpu.memory_space<vmem>>
      %get3A_611 = arith.constant 16 : index
      %get3A_612 = tpu.vector_load %get3A_610[%get3A_611] {strides = array<i32>} : memref<80xi32, #tpu.memory_space<vmem>>, vector<16xi32>,
      %get3A_613 = vector.shape_cast %get3A_612 : vector<16xi32> to vector<16xi32>
      %and3A_614 = arith.constant 65535 : i32
      %and3A_615 = vector.broadcast %and3A_614 : i32 to vector<16xi32>
      %and3A_616 = arith.andi %get3A_613, %and3A_615 : vector<16xi32>
      %swap3A_617 = arith.constant 16 : index
      %swap3A_618 = tpu.vector_load %arg11[%swap3A_617] {strides = array<i32>} : memref<80xi32, #tpu.memory_space<vmem>>, vector<16xi32>,
      %swap3A_619 = vector.shape_cast %swap3A_618 : vector<16xi32> to vector<16xi32>
      %swap3A_620 = vector.shape_cast %and3A_616 : vector<16xi32> to vector<16xi32>
      tpu.vector_store %arg11[%swap3A_617], %swap3A_620 {strides = array<i32>} : memref<80xi32, #tpu.memory_space<vmem>>, vector<16xi32>,
      %shift_right_logical3A_621 = arith.constant 16 : i32
      %shift_right_logical3A_622 = vector.broadcast %shift_right_logical3A_621 : i32 to vector<16xi32>
      %shift_right_logical3A_623 = arith.shrui %get3A_613, %shift_right_logical3A_622 : vector<16xi32>
      %swap3A_624 = arith.constant 16 : index
      %swap3A_625 = tpu.vector_load %arg12[%swap3A_624] {strides = array<i32>} : memref<80xi32, #tpu.memory_space<vmem>>, vector<16xi32>,
      %swap3A_626 = vector.shape_cast %swap3A_625 : vector<16xi32> to vector<16xi32>
      %swap3A_627 = vector.shape_cast %shift_right_logical3A_623 : vector<16xi32> to vector<16xi32>
      tpu.vector_store %arg12[%swap3A_624], %swap3A_627 {strides = array<i32>} : memref<80xi32, #tpu.memory_space<vmem>>, vector<16xi32>,
      %get3A_628 = arith.constant 0 : i32
      %get3A_629 = tpu.memref_slice %arg6[%min3A_587, %get3A_628] : memref<125x80xi32, #tpu.memory_space<vmem>> -> memref<1x80xi32, #tpu.memory_space<vmem>>
      %get3A_630 = tpu.memref_squeeze %get3A_629 : memref<1x80xi32, #tpu.memory_space<vmem>> -> memref<80xi32, #tpu.memory_space<vmem>>
      %get3A_631 = arith.constant 32 : index
      %get3A_632 = tpu.vector_load %get3A_630[%get3A_631] {strides = array<i32>} : memref<80xi32, #tpu.memory_space<vmem>>, vector<16xi32>,
      %get3A_633 = vector.shape_cast %get3A_632 : vector<16xi32> to vector<16xi32>
      %and3A_634 = arith.constant 65535 : i32
      %and3A_635 = vector.broadcast %and3A_634 : i32 to vector<16xi32>
      %and3A_636 = arith.andi %get3A_633, %and3A_635 : vector<16xi32>
      %swap3A_637 = arith.constant 32 : index
      %swap3A_638 = tpu.vector_load %arg11[%swap3A_637] {strides = array<i32>} : memref<80xi32, #tpu.memory_space<vmem>>, vector<16xi32>,
      %swap3A_639 = vector.shape_cast %swap3A_638 : vector<16xi32> to vector<16xi32>
      %swap3A_640 = vector.shape_cast %and3A_636 : vector<16xi32> to vector<16xi32>
      tpu.vector_store %arg11[%swap3A_637], %swap3A_640 {strides = array<i32>} : memref<80xi32, #tpu.memory_space<vmem>>, vector<16xi32>,
      %shift_right_logical3A_641 = arith.constant 16 : i32
      %shift_right_logical3A_642 = vector.broadcast %shift_right_logical3A_641 : i32 to vector<16xi32>
      %shift_right_logical3A_643 = arith.shrui %get3A_633, %shift_right_logical3A_642 : vector<16xi32>
      %swap3A_644 = arith.constant 32 : index
      %swap3A_645 = tpu.vector_load %arg12[%swap3A_644] {strides = array<i32>} : memref<80xi32, #tpu.memory_space<vmem>>, vector<16xi32>,
      %swap3A_646 = vector.shape_cast %swap3A_645 : vector<16xi32> to vector<16xi32>
      %swap3A_647 = vector.shape_cast %shift_right_logical3A_643 : vector<16xi32> to vector<16xi32>
      tpu.vector_store %arg12[%swap3A_644], %swap3A_647 {strides = array<i32>} : memref<80xi32, #tpu.memory_space<vmem>>, vector<16xi32>,
      %get3A_648 = arith.constant 0 : i32
      %get3A_649 = tpu.memref_slice %arg6[%min3A_587, %get3A_648] : memref<125x80xi32, #tpu.memory_space<vmem>> -> memref<1x80xi32, #tpu.memory_space<vmem>>
      %get3A_650 = tpu.memref_squeeze %get3A_649 : memref<1x80xi32, #tpu.memory_space<vmem>> -> memref<80xi32, #tpu.memory_space<vmem>>
      %get3A_651 = arith.constant 48 : index
      %get3A_652 = tpu.vector_load %get3A_650[%get3A_651] {strides = array<i32>} : memref<80xi32, #tpu.memory_space<vmem>>, vector<16xi32>,
      %get3A_653 = vector.shape_cast %get3A_652 : vector<16xi32> to vector<16xi32>
      %and3A_654 = arith.constant 65535 : i32
      %and3A_655 = vector.broadcast %and3A_654 : i32 to vector<16xi32>
      %and3A_656 = arith.andi %get3A_653, %and3A_655 : vector<16xi32>
      %swap3A_657 = arith.constant 48 : index
      %swap3A_658 = tpu.vector_load %arg11[%swap3A_657] {strides = array<i32>} : memref<80xi32, #tpu.memory_space<vmem>>, vector<16xi32>,
      %swap3A_659 = vector.shape_cast %swap3A_658 : vector<16xi32> to vector<16xi32>
      %swap3A_660 = vector.shape_cast %and3A_656 : vector<16xi32> to vector<16xi32>
      tpu.vector_store %arg11[%swap3A_657], %swap3A_660 {strides = array<i32>} : memref<80xi32, #tpu.memory_space<vmem>>, vector<16xi32>,
      %shift_right_logical3A_661 = arith.constant 16 : i32
      %shift_right_logical3A_662 = vector.broadcast %shift_right_logical3A_661 : i32 to vector<16xi32>
      %shift_right_logical3A_663 = arith.shrui %get3A_653, %shift_right_logical3A_662 : vector<16xi32>
      %swap3A_664 = arith.constant 48 : index
      %swap3A_665 = tpu.vector_load %arg12[%swap3A_664] {strides = array<i32>} : memref<80xi32, #tpu.memory_space<vmem>>, vector<16xi32>,
      %swap3A_666 = vector.shape_cast %swap3A_665 : vector<16xi32> to vector<16xi32>
      %swap3A_667 = vector.shape_cast %shift_right_logical3A_663 : vector<16xi32> to vector<16xi32>
      tpu.vector_store %arg12[%swap3A_664], %swap3A_667 {strides = array<i32>} : memref<80xi32, #tpu.memory_space<vmem>>, vector<16xi32>,
      %get3A_668 = arith.constant 0 : i32
      %get3A_669 = tpu.memref_slice %arg6[%min3A_587, %get3A_668] : memref<125x80xi32, #tpu.memory_space<vmem>> -> memref<1x80xi32, #tpu.memory_space<vmem>>
      %get3A_670 = tpu.memref_squeeze %get3A_669 : memref<1x80xi32, #tpu.memory_space<vmem>> -> memref<80xi32, #tpu.memory_space<vmem>>
      %get3A_671 = arith.constant 64 : index
      %get3A_672 = tpu.vector_load %get3A_670[%get3A_671] {strides = array<i32>} : memref<80xi32, #tpu.memory_space<vmem>>, vector<16xi32>,
      %get3A_673 = vector.shape_cast %get3A_672 : vector<16xi32> to vector<16xi32>
      %and3A_674 = arith.constant 65535 : i32
      %and3A_675 = vector.broadcast %and3A_674 : i32 to vector<16xi32>
      %and3A_676 = arith.andi %get3A_673, %and3A_675 : vector<16xi32>
      %swap3A_677 = arith.constant 64 : index
      %swap3A_678 = tpu.vector_load %arg11[%swap3A_677] {strides = array<i32>} : memref<80xi32, #tpu.memory_space<vmem>>, vector<16xi32>,
      %swap3A_679 = vector.shape_cast %swap3A_678 : vector<16xi32> to vector<16xi32>
      %swap3A_680 = vector.shape_cast %and3A_676 : vector<16xi32> to vector<16xi32>
      tpu.vector_store %arg11[%swap3A_677], %swap3A_680 {strides = array<i32>} : memref<80xi32, #tpu.memory_space<vmem>>, vector<16xi32>,
      %shift_right_logical3A_681 = arith.constant 16 : i32
      %shift_right_logical3A_682 = vector.broadcast %shift_right_logical3A_681 : i32 to vector<16xi32>
      %shift_right_logical3A_683 = arith.shrui %get3A_673, %shift_right_logical3A_682 : vector<16xi32>
      %swap3A_684 = arith.constant 64 : index
      %swap3A_685 = tpu.vector_load %arg12[%swap3A_684] {strides = array<i32>} : memref<80xi32, #tpu.memory_space<vmem>>, vector<16xi32>,
      %swap3A_686 = vector.shape_cast %swap3A_685 : vector<16xi32> to vector<16xi32>
      %swap3A_687 = vector.shape_cast %shift_right_logical3A_683 : vector<16xi32> to vector<16xi32>
      tpu.vector_store %arg12[%swap3A_684], %swap3A_687 {strides = array<i32>} : memref<80xi32, #tpu.memory_space<vmem>>, vector<16xi32>,
    }
    %scan3A_344 = arith.constant 41 : i32
    %dma_wait3A_345 = arith.constant 0 : i32
    %dma_wait3A_346 = arith.constant 0 : i32
    %dma_wait3A_347 = tpu.memref_slice %arg2[%dma_wait3A_345, %dma_wait3A_346] : memref<10000x128xf32, #tpu.memory_space<hbm>> -> memref<10000x128xf32, #tpu.memory_space<hbm>>
    tpu.wait_indirect_dma semaphore(%arg17 : memref<!tpu.dma_semaphore, #tpu.memory_space<semaphore_mem>>) src(%dma_wait3A_347 : memref<10000x128xf32, #tpu.memory_space<hbm>>) dst(%arg13 : memref<80x128xf32, #tpu.memory_space<vmem>>)
    "tpu.region"() ({
      %run_scoped3A = tpu.sem_alloc : memref<!tpu.dma_semaphore, #tpu.memory_space<semaphore_mem>>
      %dma_start3A_356 = arith.constant 0 : i32
      %dma_start3A_357 = arith.constant 0 : i32
      %dma_start3A_358 = tpu.memref_slice %arg16[%dma_start3A_356, %dma_start3A_357] : memref<10240x128xf32, #tpu.memory_space<vmem_shared>> -> memref<10240x128xf32, #tpu.memory_space<vmem_shared>>
      tpu.enqueue_indirect_dma source(%arg13 : memref<80x128xf32, #tpu.memory_space<vmem>>) target(%dma_start3A_358 : memref<10240x128xf32, #tpu.memory_space<vmem_shared>>) offsets(%arg8 : memref<80xi32, #tpu.memory_space<vmem>>) semaphore(%run_scoped3A : memref<!tpu.dma_semaphore, #tpu.memory_space<semaphore_mem>>) {add = true}
      %dma_wait3A_359 = arith.constant 0 : i32
      %dma_wait3A_360 = arith.constant 0 : i32
      %dma_wait3A_361 = tpu.memref_slice %arg16[%dma_wait3A_359, %dma_wait3A_360] : memref<10240x128xf32, #tpu.memory_space<vmem_shared>> -> memref<10240x128xf32, #tpu.memory_space<vmem_shared>>
      tpu.wait_indirect_dma semaphore(%run_scoped3A : memref<!tpu.dma_semaphore, #tpu.memory_space<semaphore_mem>>) src(%arg13 : memref<80x128xf32, #tpu.memory_space<vmem>>) dst(%dma_wait3A_361 : memref<10240x128xf32, #tpu.memory_space<vmem_shared>>)
      tpu.yield
    }) : () -> ()
    %dma_wait3A_348 = arith.constant 0 : i32
    %dma_wait3A_349 = arith.constant 0 : i32
    %dma_wait3A_350 = tpu.memref_slice %arg2[%dma_wait3A_348, %dma_wait3A_349] : memref<10000x128xf32, #tpu.memory_space<hbm>> -> memref<10000x128xf32, #tpu.memory_space<hbm>>
    tpu.wait_indirect_dma semaphore(%arg18 : memref<!tpu.dma_semaphore, #tpu.memory_space<semaphore_mem>>) src(%dma_wait3A_350 : memref<10000x128xf32, #tpu.memory_space<hbm>>) dst(%arg14 : memref<80x128xf32, #tpu.memory_space<vmem>>)
    "tpu.region"() ({
      %run_scoped3A = tpu.sem_alloc : memref<!tpu.dma_semaphore, #tpu.memory_space<semaphore_mem>>
      %dma_start3A_356 = arith.constant 0 : i32
      %dma_start3A_357 = arith.constant 0 : i32
      %dma_start3A_358 = tpu.memref_slice %arg16[%dma_start3A_356, %dma_start3A_357] : memref<10240x128xf32, #tpu.memory_space<vmem_shared>> -> memref<10240x128xf32, #tpu.memory_space<vmem_shared>>
      tpu.enqueue_indirect_dma source(%arg14 : memref<80x128xf32, #tpu.memory_space<vmem>>) target(%dma_start3A_358 : memref<10240x128xf32, #tpu.memory_space<vmem_shared>>) offsets(%arg10 : memref<80xi32, #tpu.memory_space<vmem>>) semaphore(%run_scoped3A : memref<!tpu.dma_semaphore, #tpu.memory_space<semaphore_mem>>) {add = true}
      %dma_wait3A_359 = arith.constant 0 : i32
      %dma_wait3A_360 = arith.constant 0 : i32
      %dma_wait3A_361 = tpu.memref_slice %arg16[%dma_wait3A_359, %dma_wait3A_360] : memref<10240x128xf32, #tpu.memory_space<vmem_shared>> -> memref<10240x128xf32, #tpu.memory_space<vmem_shared>>
      tpu.wait_indirect_dma semaphore(%run_scoped3A : memref<!tpu.dma_semaphore, #tpu.memory_space<semaphore_mem>>) src(%arg14 : memref<80x128xf32, #tpu.memory_space<vmem>>) dst(%dma_wait3A_361 : memref<10240x128xf32, #tpu.memory_space<vmem_shared>>)
      tpu.yield
    }) : () -> ()
    %barrier3A_351 = arith.constant 0 : index
    tpu.barrier barrier_id(%barrier3A_351)
    %mul3A_352 = arith.constant 640 : i32
    %mul3A_353 = arith.muli %arg1, %mul3A_352 : i32
    %mul3A_354 = arith.constant 640 : i32
    %mul3A_355 = arith.muli %arg1, %mul3A_354 : i32
    "tpu.region"() ({
      %run_scoped3A = tpu.sem_alloc : memref<!tpu.dma_semaphore, #tpu.memory_space<semaphore_mem>>
      %dma_start3A_356 = arith.constant 0 : i32
      %dma_start3A_357 = tpu.memref_slice %arg5[%arg0, %mul3A_355, %dma_start3A_356] : memref<2x10240x128xf32, #tpu.memory_space<hbm>> -> memref<1x640x128xf32, #tpu.memory_space<hbm>>
      %dma_start3A_358 = tpu.memref_squeeze %dma_start3A_357 : memref<1x640x128xf32, #tpu.memory_space<hbm>> -> memref<640x128xf32, #tpu.memory_space<hbm>>
      %dma_start3A_359 = arith.constant 0 : i32
      %dma_start3A_360 = tpu.memref_slice %arg16[%mul3A_353, %dma_start3A_359] : memref<10240x128xf32, #tpu.memory_space<vmem_shared>> -> memref<640x128xf32, #tpu.memory_space<vmem_shared>>
      tpu.enqueue_dma source(%dma_start3A_360 : memref<640x128xf32, #tpu.memory_space<vmem_shared>>) target(%dma_start3A_358 : memref<640x128xf32, #tpu.memory_space<hbm>>) target_semaphore(%run_scoped3A : memref<!tpu.dma_semaphore, #tpu.memory_space<semaphore_mem>>)
      %dma_wait3A_361 = arith.constant 0 : i32
      %dma_wait3A_362 = tpu.memref_slice %arg5[%arg0, %mul3A_355, %dma_wait3A_361] : memref<2x10240x128xf32, #tpu.memory_space<hbm>> -> memref<1x640x128xf32, #tpu.memory_space<hbm>>
      %dma_wait3A_363 = tpu.memref_squeeze %dma_wait3A_362 : memref<1x640x128xf32, #tpu.memory_space<hbm>> -> memref<640x128xf32, #tpu.memory_space<hbm>>
      %dma_wait3A_364 = arith.constant 0 : i32
      %dma_wait3A_365 = tpu.memref_slice %arg16[%mul3A_353, %dma_wait3A_364] : memref<10240x128xf32, #tpu.memory_space<vmem_shared>> -> memref<640x128xf32, #tpu.memory_space<vmem_shared>>
      tpu.wait_dma2 semaphore(%run_scoped3A : memref<!tpu.dma_semaphore, #tpu.memory_space<semaphore_mem>>) src(%dma_wait3A_365 : memref<640x128xf32, #tpu.memory_space<vmem_shared>>) dst(%dma_wait3A_363 : memref<640x128xf32, #tpu.memory_space<hbm>>)
      tpu.yield
    }) : () -> ()
    return
  }
}

module attributes {stable_mosaic.version = 14 : i64} {
  func.func @_pre_body(%arg0: i32, %arg1: memref<2000x128xf32, #tpu.memory_space<vmem>>, %arg2: memref<128x128xf32, #tpu.memory_space<vmem>>, %arg3: memref<1x128xf32, #tpu.memory_space<vmem>>, %arg4: memref<128x128xf32, #tpu.memory_space<vmem>>, %arg5: memref<2000x128xf32, #tpu.memory_space<vmem>>) attributes {dimension_semantics = [#tpu.dimension_semantics<arbitrary>], iteration_bounds = array<i64: 5>, scalar_prefetch = 0 : i64, scratch_operands = 0 : i64, tpu.core_type = #tpu.core_type<tc>, window_params = [{transform_indices = @transform_0, window_bounds = array<i64: 2000, 128>}, {pipeline_mode = #tpu.pipeline_mode<synchronous>, transform_indices = @transform_1, window_bounds = array<i64: 128, 128>}, {pipeline_mode = #tpu.pipeline_mode<synchronous>, transform_indices = @transform_2, window_bounds = array<i64: 1, 128>}, {pipeline_mode = #tpu.pipeline_mode<synchronous>, transform_indices = @transform_3, window_bounds = array<i64: 128, 128>}, {transform_indices = @transform_4, window_bounds = array<i64: 2000, 128>}]} {
    %get3A = arith.constant 0 : index
    %get3A_0 = arith.constant 0 : index
    %get3A_1 = vector.load %arg1[%get3A, %get3A_0] : memref<2000x128xf32, #tpu.memory_space<vmem>>, vector<2000x128xf32>
    %get3A_2 = arith.constant 0 : index
    %get3A_3 = arith.constant 0 : index
    %get3A_4 = vector.load %arg2[%get3A_2, %get3A_3] : memref<128x128xf32, #tpu.memory_space<vmem>>, vector<128x128xf32>
    %dot_general3A = arith.constant dense<0.000000e+00> : vector<2000x128xf32>
    %dot_general3A_5 = tpu.matmul %get3A_1, %get3A_4, %dot_general3A {dimension_numbers = #tpu.dot_dimension_numbers<[1], [0], [0], [1], [0, 0, 1, 1], [], []>, transpose_lhs_hint = false} : vector<2000x128xf32>, vector<128x128xf32>, vector<2000x128xf32> -> vector<2000x128xf32>
    %get3A_6 = arith.constant 0 : index
    %get3A_7 = arith.constant 0 : index
    %get3A_8 = vector.load %arg3[%get3A_6, %get3A_7] : memref<1x128xf32, #tpu.memory_space<vmem>>, vector<1x128xf32>
    %add3A = vector.broadcast %get3A_8 : vector<1x128xf32> to vector<2000x128xf32>
    %add3A_9 = arith.addf %dot_general3A_5, %add3A : vector<2000x128xf32>
    %get3A_10 = arith.constant 0 : index
    %get3A_11 = arith.constant 0 : index
    %get3A_12 = vector.load %arg4[%get3A_10, %get3A_11] : memref<128x128xf32, #tpu.memory_space<vmem>>, vector<128x128xf32>
    %dot_general3A_13 = arith.constant dense<0.000000e+00> : vector<2000x128xf32>
    %dot_general3A_14 = tpu.matmul %add3A_9, %get3A_12, %dot_general3A_13 {dimension_numbers = #tpu.dot_dimension_numbers<[1], [0], [0], [1], [0, 0, 1, 1], [], []>, transpose_lhs_hint = false} : vector<2000x128xf32>, vector<128x128xf32>, vector<2000x128xf32> -> vector<2000x128xf32>
    %swap3A = arith.constant 0 : index
    %swap3A_15 = arith.constant 0 : index
    %swap3A_16 = vector.load %arg5[%swap3A, %swap3A_15] : memref<2000x128xf32, #tpu.memory_space<vmem>>, vector<2000x128xf32>
    tpu.vector_store %arg5[%swap3A, %swap3A_15], %dot_general3A_14 {strides = array<i32>} : memref<2000x128xf32, #tpu.memory_space<vmem>>, vector<2000x128xf32>,
    return
  }
  func.func @transform_0(%arg0: i32) -> (i32, i32) {
    %c0_i32 = arith.constant 0 : i32
    %c0_i32_0 = arith.constant 0 : i32
    return %arg0, %c0_i32 : i32, i32
  }
  func.func @transform_1(%arg0: i32) -> (i32, i32) {
    %c0_i32 = arith.constant 0 : i32
    %c0_i32_0 = arith.constant 0 : i32
    %c0_i32_1 = arith.constant 0 : i32
    return %c0_i32, %c0_i32_0 : i32, i32
  }
  func.func @transform_2(%arg0: i32) -> (i32, i32) {
    %c0_i32 = arith.constant 0 : i32
    %c0_i32_0 = arith.constant 0 : i32
    %c0_i32_1 = arith.constant 0 : i32
    return %c0_i32, %c0_i32_0 : i32, i32
  }
  func.func @transform_3(%arg0: i32) -> (i32, i32) {
    %c0_i32 = arith.constant 0 : i32
    %c0_i32_0 = arith.constant 0 : i32
    %c0_i32_1 = arith.constant 0 : i32
    return %c0_i32, %c0_i32_0 : i32, i32
  }
  func.func @transform_4(%arg0: i32) -> (i32, i32) {
    %c0_i32 = arith.constant 0 : i32
    %c0_i32_0 = arith.constant 0 : i32
    return %arg0, %c0_i32 : i32, i32
  }
}

module attributes {stable_mosaic.version = 14 : i64} {
  func.func @_mid_body(%arg0: i32, %arg1: memref<2000x128xf32, #tpu.memory_space<vmem>>, %arg2: memref<2x2000x128xf32, #tpu.memory_space<vmem>>, %arg3: memref<1x128xf32, #tpu.memory_space<vmem>>, %arg4: memref<128x128xf32, #tpu.memory_space<vmem>>, %arg5: memref<2000x128xf32, #tpu.memory_space<vmem>>) attributes {dimension_semantics = [#tpu.dimension_semantics<arbitrary>], iteration_bounds = array<i64: 5>, scalar_prefetch = 0 : i64, scratch_operands = 0 : i64, tpu.core_type = #tpu.core_type<tc>, window_params = [{transform_indices = @transform_0, window_bounds = array<i64: 2000, 128>}, {transform_indices = @transform_1, window_bounds = array<i64: 2, 2000, 128>}, {pipeline_mode = #tpu.pipeline_mode<synchronous>, transform_indices = @transform_2, window_bounds = array<i64: 1, 128>}, {pipeline_mode = #tpu.pipeline_mode<synchronous>, transform_indices = @transform_3, window_bounds = array<i64: 128, 128>}, {transform_indices = @transform_4, window_bounds = array<i64: 2000, 128>}]} {
    %get3A = arith.constant 0 : index
    %get3A_0 = arith.constant 0 : index
    %get3A_1 = vector.load %arg1[%get3A, %get3A_0] : memref<2000x128xf32, #tpu.memory_space<vmem>>, vector<2000x128xf32>
    %get3A_2 = arith.constant 0 : index
    %get3A_3 = arith.constant 0 : index
    %get3A_4 = arith.constant 0 : index
    %get3A_5 = vector.load %arg2[%get3A_2, %get3A_3, %get3A_4] : memref<2x2000x128xf32, #tpu.memory_space<vmem>>, vector<1x2000x128xf32>
    %get3A_6 = vector.shape_cast %get3A_5 : vector<1x2000x128xf32> to vector<2000x128xf32>
    %add3A = arith.addf %get3A_1, %get3A_6 : vector<2000x128xf32>
    %get3A_7 = arith.constant 1 : index
    %get3A_8 = arith.constant 0 : index
    %get3A_9 = arith.constant 0 : index
    %get3A_10 = vector.load %arg2[%get3A_7, %get3A_8, %get3A_9] : memref<2x2000x128xf32, #tpu.memory_space<vmem>>, vector<1x2000x128xf32>
    %get3A_11 = vector.shape_cast %get3A_10 : vector<1x2000x128xf32> to vector<2000x128xf32>
    %add3A_12 = arith.addf %add3A, %get3A_11 : vector<2000x128xf32>
    %get3A_13 = arith.constant 0 : index
    %get3A_14 = arith.constant 0 : index
    %get3A_15 = vector.load %arg3[%get3A_13, %get3A_14] : memref<1x128xf32, #tpu.memory_space<vmem>>, vector<1x128xf32>
    %add3A_16 = vector.broadcast %get3A_15 : vector<1x128xf32> to vector<2000x128xf32>
    %add3A_17 = arith.addf %add3A_12, %add3A_16 : vector<2000x128xf32>
    %max3A = arith.constant 0.000000e+00 : f32
    %max3A_18 = vector.broadcast %max3A : f32 to vector<2000x128xf32>
    %max3A_19 = arith.maximumf %add3A_17, %max3A_18 : vector<2000x128xf32>
    %get3A_20 = arith.constant 0 : index
    %get3A_21 = arith.constant 0 : index
    %get3A_22 = vector.load %arg4[%get3A_20, %get3A_21] : memref<128x128xf32, #tpu.memory_space<vmem>>, vector<128x128xf32>
    %dot_general3A = arith.constant dense<0.000000e+00> : vector<2000x128xf32>
    %dot_general3A_23 = tpu.matmul %max3A_19, %get3A_22, %dot_general3A {dimension_numbers = #tpu.dot_dimension_numbers<[1], [0], [0], [1], [0, 0, 1, 1], [], []>, transpose_lhs_hint = false} : vector<2000x128xf32>, vector<128x128xf32>, vector<2000x128xf32> -> vector<2000x128xf32>
    %swap3A = arith.constant 0 : index
    %swap3A_24 = arith.constant 0 : index
    %swap3A_25 = vector.load %arg5[%swap3A, %swap3A_24] : memref<2000x128xf32, #tpu.memory_space<vmem>>, vector<2000x128xf32>
    tpu.vector_store %arg5[%swap3A, %swap3A_24], %dot_general3A_23 {strides = array<i32>} : memref<2000x128xf32, #tpu.memory_space<vmem>>, vector<2000x128xf32>,
    return
  }
  func.func @transform_0(%arg0: i32) -> (i32, i32) {
    %c0_i32 = arith.constant 0 : i32
    %c0_i32_0 = arith.constant 0 : i32
    return %arg0, %c0_i32 : i32, i32
  }
  func.func @transform_1(%arg0: i32) -> (i32, i32, i32) {
    %c0_i32 = arith.constant 0 : i32
    %c0_i32_0 = arith.constant 0 : i32
    %c0_i32_1 = arith.constant 0 : i32
    return %c0_i32, %arg0, %c0_i32_0 : i32, i32, i32
  }
  func.func @transform_2(%arg0: i32) -> (i32, i32) {
    %c0_i32 = arith.constant 0 : i32
    %c0_i32_0 = arith.constant 0 : i32
    %c0_i32_1 = arith.constant 0 : i32
    return %c0_i32, %c0_i32_0 : i32, i32
  }
  func.func @transform_3(%arg0: i32) -> (i32, i32) {
    %c0_i32 = arith.constant 0 : i32
    %c0_i32_0 = arith.constant 0 : i32
    %c0_i32_1 = arith.constant 0 : i32
    return %c0_i32, %c0_i32_0 : i32, i32
  }
  func.func @transform_4(%arg0: i32) -> (i32, i32) {
    %c0_i32 = arith.constant 0 : i32
    %c0_i32_0 = arith.constant 0 : i32
    return %arg0, %c0_i32 : i32, i32
  }
}

module attributes {stable_mosaic.version = 14 : i64} {
  func.func @_out_body(%arg0: i32, %arg1: memref<2000x128xf32, #tpu.memory_space<vmem>>, %arg2: memref<2x2000x128xf32, #tpu.memory_space<vmem>>, %arg3: memref<1x128xf32, #tpu.memory_space<vmem>>, %arg4: memref<2000x128xf32, #tpu.memory_space<vmem>>) attributes {dimension_semantics = [#tpu.dimension_semantics<arbitrary>], iteration_bounds = array<i64: 5>, scalar_prefetch = 0 : i64, scratch_operands = 0 : i64, tpu.core_type = #tpu.core_type<tc>, window_params = [{transform_indices = @transform_0, window_bounds = array<i64: 2000, 128>}, {transform_indices = @transform_1, window_bounds = array<i64: 2, 2000, 128>}, {pipeline_mode = #tpu.pipeline_mode<synchronous>, transform_indices = @transform_2, window_bounds = array<i64: 1, 128>}, {transform_indices = @transform_3, window_bounds = array<i64: 2000, 128>}]} {
    %get3A = arith.constant 0 : index
    %get3A_0 = arith.constant 0 : index
    %get3A_1 = vector.load %arg1[%get3A, %get3A_0] : memref<2000x128xf32, #tpu.memory_space<vmem>>, vector<2000x128xf32>
    %get3A_2 = arith.constant 0 : index
    %get3A_3 = arith.constant 0 : index
    %get3A_4 = arith.constant 0 : index
    %get3A_5 = vector.load %arg2[%get3A_2, %get3A_3, %get3A_4] : memref<2x2000x128xf32, #tpu.memory_space<vmem>>, vector<1x2000x128xf32>
    %get3A_6 = vector.shape_cast %get3A_5 : vector<1x2000x128xf32> to vector<2000x128xf32>
    %add3A = arith.addf %get3A_1, %get3A_6 : vector<2000x128xf32>
    %get3A_7 = arith.constant 1 : index
    %get3A_8 = arith.constant 0 : index
    %get3A_9 = arith.constant 0 : index
    %get3A_10 = vector.load %arg2[%get3A_7, %get3A_8, %get3A_9] : memref<2x2000x128xf32, #tpu.memory_space<vmem>>, vector<1x2000x128xf32>
    %get3A_11 = vector.shape_cast %get3A_10 : vector<1x2000x128xf32> to vector<2000x128xf32>
    %add3A_12 = arith.addf %add3A, %get3A_11 : vector<2000x128xf32>
    %get3A_13 = arith.constant 0 : index
    %get3A_14 = arith.constant 0 : index
    %get3A_15 = vector.load %arg3[%get3A_13, %get3A_14] : memref<1x128xf32, #tpu.memory_space<vmem>>, vector<1x128xf32>
    %add3A_16 = vector.broadcast %get3A_15 : vector<1x128xf32> to vector<2000x128xf32>
    %add3A_17 = arith.addf %add3A_12, %add3A_16 : vector<2000x128xf32>
    %swap3A = arith.constant 0 : index
    %swap3A_18 = arith.constant 0 : index
    %swap3A_19 = vector.load %arg4[%swap3A, %swap3A_18] : memref<2000x128xf32, #tpu.memory_space<vmem>>, vector<2000x128xf32>
    tpu.vector_store %arg4[%swap3A, %swap3A_18], %add3A_17 {strides = array<i32>} : memref<2000x128xf32, #tpu.memory_space<vmem>>, vector<2000x128xf32>,
    return
  }
  func.func @transform_0(%arg0: i32) -> (i32, i32) {
    %c0_i32 = arith.constant 0 : i32
    %c0_i32_0 = arith.constant 0 : i32
    return %arg0, %c0_i32 : i32, i32
  }
  func.func @transform_1(%arg0: i32) -> (i32, i32, i32) {
    %c0_i32 = arith.constant 0 : i32
    %c0_i32_0 = arith.constant 0 : i32
    %c0_i32_1 = arith.constant 0 : i32
    return %c0_i32, %arg0, %c0_i32_0 : i32, i32, i32
  }
  func.func @transform_2(%arg0: i32) -> (i32, i32) {
    %c0_i32 = arith.constant 0 : i32
    %c0_i32_0 = arith.constant 0 : i32
    %c0_i32_1 = arith.constant 0 : i32
    return %c0_i32, %c0_i32_0 : i32, i32
  }
  func.func @transform_3(%arg0: i32) -> (i32, i32) {
    %c0_i32 = arith.constant 0 : i32
    %c0_i32_0 = arith.constant 0 : i32
    return %arg0, %c0_i32 : i32, i32
  }
}

</mosaic_0001>

<sc_bundles>
// kernel: kernel.10.cloned.1.call-start
scs
__scs_entry_jumppad:
0x0: {  	(pc) =	sbr.rel $0x88, $3  }
0x1: {  	(tag) =	ssettag $0x0;
	lr =	simm.s32 $0x1  }
0x2: {  	[smem:$0x3F99] =	sst lr;
	_ =	strace $0xD0000000  }
0x3: {  	_ = 	snop  }
0x4: {  	_ = 	snop  }
0x5: {  	_ = 	snop  }
0x6: {  	_ = 	snop  }
0x7: {  	_ = 	snop  }
__scs_overlays_trampoline_lowered:
0x8: {  	[smem:$0x3FA8] =	sst s0  }
0x9: {  	[smem:$0x3FA9] =	sst s1  }
0xa: {  	[smem:$0x3FAA] =	sst s2  }
0xb: {  	[smem:$0x3FAB] =	sst s3  }
0xc: {  	[smem:$0x3FAC] =	sst s4  }
0xd: {  	[smem:$0x3FAD] =	sst s5  }
0xe: {  	[smem:$0x3FAE] =	sst s6  }
0xf: {  	[smem:$0x3FAF] =	sst s7  }
0x10: {  	[smem:$0x3FB0] =	sst s8  }
0x11: {  	[smem:$0x3FB1] =	sst s9;
	s0 =	simm.s32 @!p0 $0x0  }
0x12: {  	s1 =	sld [smem:$0x3F97];
	s0 =	simm.s32 @p0 $0x1  }
0x13: {  	[smem:$0x3FB2] =	sst s0;
	s0 =	simm.s32 @!p1 $0x0  }
0x14: {  	s2 =	sld [smem:$0x3F96];
	s0 =	simm.s32 @p1 $0x1  }
0x15: {  	[smem:$0x3FB3] =	sst s0;
	s0 =	simm.s32 @!p2 $0x0  }
0x16: {  	s3 =	sld [smem:$0x3FDB];
	s0 =	simm.s32 @p2 $0x1  }
0x17: {  	s4 =	simm.s32 $0x1BF5;
	[smem:$0x3FB5] =	sst s0  }
0x18: {  	s0 =	sld [smem:$0x3F98];
	_ =	swait.ge [sflag:s4], $0x0  }
0x19: {  	s7 =	sld [smem:$0x3F99]  }
0x1a: {  	s8 =	sadd.s32 $0xFFFFE003, lr  }
0x1b: {  	s9 =	sadd.s32 $0xFFFFFEF7, lr;
	s5 =	simm.s32 $0xFFFFFFFF;
	p2 =	slt.u32 s8, $0xFFFFF086  }
0x1c: {  	p1 =	slt.u32 s9, $0xF7A;
	s5 =	simm.s32 @!p2 $0x0  }
0x1d: {  	s5 =	simm.s32 @p1 $0x1;
	p0 =	seq.s32 s7, s2  }
0x1e: {  	s7 =	smul.u32 @!p0 $0xF7A, s2;
	p2 =	seq.s32 @!p0 s5, $0x0  }
0x1f: {  	s9 =	smul.u32 $0xF7A, s1;
	s8 =	simm.s32 @!p0 $0x1BF5;
	p2 =	por !p2, p0  }
0x20: {  	[sflag:s8] =	ssyncset.s32 @!p0 $0xFFFFF086;
	s6 =	sadd.s32 @!p0 s3, s7;
	s7 =	simm.s32 @!p0 $0x108  }
0x21: {  	s3 =	sadd.s32 s3, s9;
	s6 =	sadd.s32 @!p0 $0x88, s6;
	s7 =	simm.s32 @p2 $0x1082  }
0x22: {  	[simem:s7], [sflag:s8] =	dma.local @!p0 [hbm:s6], $0xF7A  }
0x23: {  	s9 =	sor.u32 $0xD0000000, s2;
	s6 =	simm.s32 $0x108;
	_ =	swait.ge @!p0 [sflag:s8], $0x0  }
0x24: {  	s3 =	sadd.s32 $0x88, s3;
	s6 =	simm.s32 @!p1 $0x1082;
	[sflag:s4] =	ssyncset.s32 $0xFFFFF086  }
0x25: {  	[simem:s6], [sflag:s4] =	dma.local [hbm:s3], $0xF7A  }
0x26: {  	[smem:$0x3F99] =	sst s1;
	(tag) =	ssettag s2;
	_ =	strace s9  }
0x27: {  	s1 =	sld [smem:$0x3FA9]  }
0x28: {  	s2 =	sld [smem:$0x3FAA]  }
0x29: {  	s4 =	sld [smem:$0x3FAC]  }
0x2a: {  	p0 =	seq.s32 s5, $0x0;
	s5 =	sld [smem:$0x3FAD]  }
0x2b: {  	s6 =	sld [smem:$0x3FAE]  }
0x2c: {  	s7 =	sld [smem:$0x3FAF]  }
0x2d: {  	s3 =	simm.s32 $0x108;
	s8 =	sld [smem:$0x3FB0]  }
0x2e: {  	s3 =	simm.s32 @!p0 $0x1082;
	s9 =	sld [smem:$0x3FB1]  }
0x2f: {  	lr =	sadd.s32 s0, s3;
	s0 =	sld [smem:$0x3FA8]  }
0x30: {  	s3 =	sld [smem:$0x3FAB]  }
0x31: {  	[smem:$0x3FB4] =	sst s10  }
0x32: {  	s10 =	sld [smem:$0x3FB2];
	_ =	sdelay $0x3  }
0x33: {  	p0 =	seq.s32 s10, $0x1;
	s10 =	sld [smem:$0x3FB4];
	_ =	sdelay $0x3  }
0x34: {  	[smem:$0x3FB4] =	sst s10  }
0x35: {  	s10 =	sld [smem:$0x3FB3];
	_ =	sdelay $0x3  }
0x36: {  	p1 =	seq.s32 s10, $0x1;
	s10 =	sld [smem:$0x3FB4];
	_ =	sdelay $0x3  }
0x37: {  	[smem:$0x3FB4] =	sst s10  }
0x38: {  	s10 =	sld [smem:$0x3FB5]  }
0x39: {  	_ = 	snop;
	(pc) =	sbr.ind lr, $3  }
0x3a: {  	_ = 	snop  }
0x3b: {  	_ = 	snop  }
0x3c: {  	p2 =	seq.s32 s10, $0x1;
	s10 =	sld [smem:$0x3FB4]  }
0x3d: {  	_ =	shalt  }
0x3e: {  	_ =	shalt  }
0x3f: {  	_ =	shalt  }
0x40: {  	_ =	shalt  }
0x41: {  	_ =	shalt  }
0x42: {  	_ =	shalt  }
0x43: {  	_ =	shalt  }
0x44: {  	_ =	shalt  }
0x45: {  	_ =	shalt  }
0x46: {  	_ =	shalt  }
0x47: {  	_ =	shalt  }
0x48: {  	_ =	shalt  }
0x49: {  	_ =	shalt  }
0x4a: {  	_ =	shalt  }
0x4b: {  	_ =	shalt  }
0x4c: {  	_ =	shalt  }
0x4d: {  	_ =	shalt  }
0x4e: {  	_ =	shalt  }
0x4f: {  	_ =	shalt  }
0x50: {  	_ =	shalt  }
0x51: {  	_ =	shalt  }
0x52: {  	_ =	shalt  }
0x53: {  	_ =	shalt  }
0x54: {  	_ =	shalt  }
0x55: {  	_ =	shalt  }
0x56: {  	_ =	shalt  }
0x57: {  	_ =	shalt  }
0x58: {  	_ =	shalt  }
0x59: {  	_ =	shalt  }
0x5a: {  	_ =	shalt  }
0x5b: {  	_ =	shalt  }
0x5c: {  	_ =	shalt  }
0x5d: {  	_ =	shalt  }
0x5e: {  	_ =	shalt  }
0x5f: {  	_ =	shalt  }
0x60: {  	_ =	shalt  }
0x61: {  	_ =	shalt  }
0x62: {  	_ =	shalt  }
0x63: {  	_ =	shalt  }
0x64: {  	_ =	shalt  }
0x65: {  	_ =	shalt  }
0x66: {  	_ =	shalt  }
0x67: {  	_ =	shalt  }
0x68: {  	_ =	shalt  }
0x69: {  	_ =	shalt  }
0x6a: {  	_ =	shalt  }
0x6b: {  	_ =	shalt  }
0x6c: {  	_ =	shalt  }
0x6d: {  	_ =	shalt  }
0x6e: {  	_ =	shalt  }
0x6f: {  	_ =	shalt  }
0x70: {  	_ =	shalt  }
0x71: {  	_ =	shalt  }
0x72: {  	_ =	shalt  }
0x73: {  	_ =	shalt  }
0x74: {  	_ =	shalt  }
0x75: {  	_ =	shalt  }
0x76: {  	_ =	shalt  }
0x77: {  	_ =	shalt  }
0x78: {  	_ =	shalt  }
0x79: {  	_ =	shalt  }
0x7a: {  	_ =	shalt  }
0x7b: {  	_ =	shalt  }
0x7c: {  	_ =	shalt  }
0x7d: {  	_ =	shalt  }
0x7e: {  	_ =	shalt  }
0x7f: {  	_ =	shalt  }
0x80: {  	_ =	shalt  }
0x81: {  	_ =	shalt  }
0x82: {  	_ =	shalt  }
0x83: {  	_ =	shalt  }
0x84: {  	_ =	shalt  }
0x85: {  	_ =	shalt  }
0x86: {  	_ =	shalt  }
0x87: {  	_ =	shalt  }
.Lfunc_end0:
.L_simem_size_0:
called_computation.1_lowered:
.L_overlay_start_0:
0x88: {  	s2 =	sld [smem:$0x3FD9]  }
0x89: {  	s3 =	sld [smem:$0x3FFE];
	_ =	sdelay $0x1  }
0x8a: {  	s1 =	srdreg.scid  }
0x8b: {  	s0 =	sand.u32 $0x1, s1  }
0x8c: {  	s17 =	sshll.u32 s0, $0xA;
	s2 =	sadd.s32 s3, s2  }
0x8d: {  	s2 =	sadd.s32 s2, s17  }
0x8e: {  	[smem:$0x3FC0] =	sst s2  }
0x8f: {  	_ = 	snop  }
0x90: {  	s2 =	sld [smem:$0x3FD0];
	(tm) =	ssettm $0x1  }
0x91: {  	s18 =	sld [smem:$0x3FFB];
	_ =	sdelay $0x3  }
0x92: {  	_ =	strace s18  }
0x93: {  	s3 =	sld [smem:$0x3FFC];
	_ =	sdelay $0x3  }
0x94: {  	_ =	strace s3  }
0x95: {  	s3 =	sld [smem:$0x3FFD];
	_ =	sdelay $0x3  }
0x96: {  	_ =	strace s3  }
0x97: {  	_ =	strace $0x8FFFFFFF  }
0x98: {  	s19 =	sld [smem:$0x3FDB];
	_ =	sdelay $0x1  }
0x99: {  	s4 =	simm.s32 $_scs_section_size  }
0x9a: {  	s5 =	simm.s32 $_size__tile_overlayer_lowered;
	s6 =	simm.s32 $_tile_overlayer_lowered  }
0x9b: {  	s22 =	simm.s32 $0x1BFF;
	s21 =	sshll.u32 s6, $0x1;
	s3 =	sadd.s32 s4, s19  }
0x9c: {  	s7 =	simm.s32 $0x0;
	s20 =	sshll.u32 s5, $0x1;
	s5 =	sadd.s32 s21, s3  }
0x9d: {  	[timem:s7], [sflag:s22] =	dma.local [hbm:s5], s20  }
0x9e: {  	_ =	swait.ge [sflag:s22], s20  }
0x9f: {  	s4 =	ssub.s32 $0x0, s20;
	[sflag:s22] =	ssyncset.done $0x0  }
0xa0: {  	[sflag:s22] =	ssyncadd.s32 s4;
	_ =	sdelay $0x1  }
0xa1: {  	s23 =	simm.s32 $0x1B8B  }
0xa2: {  	_ =	swait.ge [sflag:s23], $0x1  }
0xa3: {  	[sflag:s23] =	ssyncset.done $0x0  }
0xa4: {  	s25 =	simm.s32 $0x1B8E;
	s24 =	sld [smem:$0x3FFE];
	[sflag:s23] =	ssyncadd.s32 $0xFFFFFFFF  }
0xa5: {  	s26 =	simm.s32 $execute0_lowered;
	[smem:$0x3FD2] =	sst s25  }
0xa6: {  	s5 =	sshll.u32 s26, $0x1;
	_ =	strace $0x80000049;
	[dreg:$0x1] =	wrdreg $0xFFFFFFFF  }
0xa7: {  	s28 =	simm.s32 $_size_execute0_lowered;
	s3 =	sadd.s32 s3, s5;
	[dreg:$0x0] =	wrdreg $0x0  }
0xa8: {  	s5 =	sshll.u32 s28, $0x1;
	[dreg:$0x2] =	wrdreg s3  }
0xa9: {  	[dreg:$0x3] =	wrdreg s5  }
0xaa: {  	[dreg:$0x4] =	wrdreg $0xC0  }
0xab: {  	_ =	task [dreg:s7], $0x5FFFF  }
0xac: {  	[dreg:$0x1] =	wrdreg $0xFFFFFFFF  }
0xad: {  	[dreg:$0x0] =	wrdreg $0x60  }
0xae: {  	[dreg:$0x2] =	wrdreg s2  }
0xaf: {  	[dreg:$0x3] =	wrdreg s24  }
0xb0: {  	[dreg:$0x4] =	wrdreg $0xBB000  }
0xb1: {  	[dreg:$0x5] =	wrdreg $0x9  }
0xb2: {  	_ =	task.clear_ibuf [dreg:s7], $0x6FFFF;
	_ =	strace $0x90000049  }
0xb3: {  	s29 =	simm.s32 $0x9;
	_ =	strace $0x8000004B  }
0xb4: {  	_ =	swait.ge [sflag:s29], $0x1  }
0xb5: {  	[sflag:s29] =	ssyncadd.s32 $0xFFFFFFFF  }
0xb6: {  	_ =	strace $0x9000004B  }
0xb7: {  	_ =	sfence  }
0xb8: {  	s30 =	sld [smem:$0x0];
	_ =	sdelay $0x2  }
0xb9: {  	s31 =	sshll.u32 s1, $0xD;
	s1 =	sshrl.u32 s1, $0x2  }
0xba: {  	s3 =	sand.u32 $0x4000, s31;
	s1 =	sadd.s32 s1, s30  }
0xbb: {  	s0 =	sor.u32 s3, s0;
	s1 =	sshll.u32 s1, $0x11  }
0xbc: {  	s0 =	sor.u32 s1, s0  }
0xbd: {  	s0 =	sadd.s32 $0x8F2B, s0  }
0xbe: {  	[sflag:s0] =	ssyncadd.remote.s32 $0x1  }
0xbf: {  	_ =	sfence.sel $0xFFFF  }
0xc0: {  	[dreg:$0x0] =	wrdreg $0xFFFFFFFF;
	(pc) =	sbr.abs _section_cstart, $3  }
0xc1: {  	[dreg:$0x1] =	wrdreg $0xFFFFFFFF  }
0xc2: {  	_ =	task.clear_ibuf [dreg:s7], $0x2FFFF;
	_ =	strace $0x9FFFFFFF  }
0xc3: {  	(tm) =	ssettm $0x7FFFFFFF  }
tec
execute0_lowered:
.L_overlay_start_1:
0x0: {  	(tag) =	ssettag $0x1  }
0x1: {  	s0 =	rddreg [dreg:$0x0]  }
0x2: {  	s6 =	rddreg [dreg:$0x1];
	s1 =	srdreg.scid  }
0x3: {  	s3 =	rddreg [dreg:$0x2];
	s2 =	stileid.u32;
	s4 =	simm.s32 $0x0  }
0x4: {  	s12 =	simm.s32 $0x2;
	s13 =	simm.s32 $0x50;
	s14 =	simm.s32 $0x4000  }
0x5: {  	s15 =	simm.s32 $0x4300;
	s16 =	simm.s32 $0x4100;
	s17 =	simm.s32 $0x6B00  }
0x6: {  	s18 =	simm.s32 $0x4200;
	s19 =	simm.s32 $0x9300;
	s20 =	simm.s32 $0x4080  }
0x7: {  	s21 =	simm.s32 $0x4;
	s22 =	simm.s32 $0x4180;
	s23 =	simm.s32 $0x3  }
0x8: {  	s24 =	simm.s32 $0x4280;
	s7 =	sand.u32 $0x1, s1;
	s1 =	rddreg [dreg:$0x3]  }
0x9: {  	s26 =	simm.s32 $0x0;
	s8 =	smul.u32 $0x14000, s2;
	[smem:$0x7FF] =	sst s4  }
0xa: {  	s9 =	sshll.u32 s2, $0xB;
	s11 =	smul.u32 $0x50000, s2;
	s25 =	sshll.u32 s2, $0x6  }
0xb: {  	s5 =	smul.u32 $0x140000, s7;
	_ =	strace $0x8000004A;
	s10 =	ssub.s32 $0x2, s7  }
0xc: {  	s9 =	sadd.s32 s9, s6;
	s7 =	sshll.u32 s7, $0xF;
	s30 =	sshrl.u32 s10, $0x1  }
0xd: {  	s31 =	sshrl.u32 s11, $0x2;
	s7 =	sadd.s32 s7, s9;
	s5 =	sadd.s32 s8, s5  }
0xe: {  	s10 =	ssub.s32 s10, s30;
	s11 =	sadd.s32 s31, s3;
	s7 =	sadd.s32 $0x2000, s7  }
0xf: {  	s8 =	sshrl.u32 s5, $0x3;
	s5 =	sadd.s32 $0x12000, s6;
	s9 =	smax.u32 s10, $0x1  }
0x10: {  	s10 =	sshrl.u32 s11, $0x3;
	s11 =	simm.s32 $0x1;
	s8 =	sadd.s32 s8, s6  }
0x11: {  	s6 =	sor.u32 $0x1C01, s25;
	s25 =	sor.u32 $0x1C04, s25;
	s8 =	sadd.s32 $0x14800, s8  }
.LBB2_1:
0x12: {  	[spmem:s10], [sflag:s6] =	dma.local [hbm:s5], $0x2800  }
0x13: {  	[tilespmem:s4], [sflag:$0x2] =	stream.linear.gather [hbm4b:s7+s4], $0x3E80, $0x38;
	[tilespmem:$0x1FB00] =	vst v63  }
0x14: {  	_ =	swait.ge [sflag:s11], $0x2800  }
0x15: {  	[sflag:s11] =	ssyncset.done $0x0  }
0x16: {  	[sflag:s11] =	ssyncadd.s32 $0xFFFFD800  }
0x17: {  	_ =	swait.ge [sflag:s12], $0x3E80  }
0x18: {  	[sflag:s12] =	ssyncset.done $0x0  }
0x19: {  	[sflag:s12] =	ssyncadd.s32 $0xFFFFC180  }
0x1a: {  	[bflag:$0x0] =	sbarrier.arrive $0xFFFF  }
0x1b: {  	v0 =	vld [tilespmem:$0x0];
	_ =	sdelay $0x1  }
0x1c: {  	v1 =	vld [tilespmem:$0x10];
	_ =	sdelay $0x1  }
0x1d: {  	v2 =	vld [tilespmem:$0x20]  }
0x1e: {  	v3 =	vand.u32 $0xFFFF, v0  }
0x1f: {  	v10 =	vld [tilespmem:$0x30];
	v0 =	vshrl.u32 v0, $0x10;
	[tilespmem:$0x4000] =	vst v3  }
0x20: {  	v11 =	vand.u32 $0xFFFF, v1;
	[tilespmem:$0x4080] =	vst v0  }
0x21: {  	v13 =	vld [tilespmem:$0x40];
	v12 =	vshrl.u32 v1, $0x10;
	[tilespmem:$0x4010] =	vst v11  }
0x22: {  	v14 =	vand.u32 $0xFFFF, v2;
	[tilespmem:$0x4090] =	vst v12  }
0x23: {  	v15 =	vshrl.u32 v2, $0x10;
	[tilespmem:$0x4020] =	vst v14  }
0x24: {  	v16 =	vand.u32 $0xFFFF, v10;
	[tilespmem:$0x40A0] =	vst v15  }
0x25: {  	v17 =	vshrl.u32 v10, $0x10;
	[tilespmem:$0x4030] =	vst v16  }
0x26: {  	v18 =	vand.u32 $0xFFFF, v13;
	[tilespmem:$0x40B0] =	vst v17  }
0x27: {  	v19 =	vshrl.u32 v13, $0x10;
	[tilespmem:$0x4040] =	vst v18  }
0x28: {  	[tilespmem:$0x40C0] =	vst v19  }
0x29: {  	[tilespmem:s15], [sflag:$0x1] =	stream.indirect.gather [hbm4b:s0+s13], $0x80, s14, s13, $0xb8;
	[tilespmem:$0x1FB00] =	vst v63  }
0x2a: {  	v20 =	vld [tilespmem:$0x80];
	_ =	sdelay $0x1  }
0x2b: {  	v21 =	vld [tilespmem:$0x90];
	_ =	sdelay $0x1  }
0x2c: {  	v22 =	vld [tilespmem:$0xA0]  }
0x2d: {  	v23 =	vand.u32 $0xFFFF, v20  }
0x2e: {  	v24 =	vld [tilespmem:$0xB0];
	v0 =	vshrl.u32 v20, $0x10;
	[tilespmem:$0x4100] =	vst v23  }
0x2f: {  	v25 =	vand.u32 $0xFFFF, v21;
	[tilespmem:$0x4180] =	vst v0  }
0x30: {  	v27 =	vld [tilespmem:$0xC0];
	v26 =	vshrl.u32 v21, $0x10;
	[tilespmem:$0x4110] =	vst v25  }
0x31: {  	v28 =	vand.u32 $0xFFFF, v22;
	[tilespmem:$0x4190] =	vst v26  }
0x32: {  	v29 =	vshrl.u32 v22, $0x10;
	[tilespmem:$0x4120] =	vst v28  }
0x33: {  	v30 =	vand.u32 $0xFFFF, v24;
	[tilespmem:$0x41A0] =	vst v29  }
0x34: {  	v31 =	vshrl.u32 v24, $0x10;
	[tilespmem:$0x4130] =	vst v30  }
0x35: {  	v32 =	vand.u32 $0xFFFF, v27;
	[tilespmem:$0x41B0] =	vst v31  }
0x36: {  	v33 =	vshrl.u32 v27, $0x10;
	[tilespmem:$0x4140] =	vst v32  }
0x37: {  	[tilespmem:$0x41C0] =	vst v33  }
0x38: {  	[tilespmem:s17], [sflag:$0x2] =	stream.indirect.gather [hbm4b:s0+s13], $0x80, s16, s13, $0xb8;
	[tilespmem:$0x1FB00] =	vst v63  }
0x39: {  	v34 =	vld [tilespmem:$0x100];
	_ =	sdelay $0x1  }
0x3a: {  	v35 =	vld [tilespmem:$0x110];
	_ =	sdelay $0x1  }
0x3b: {  	v36 =	vld [tilespmem:$0x120]  }
0x3c: {  	v37 =	vand.u32 $0xFFFF, v34  }
0x3d: {  	v38 =	vld [tilespmem:$0x130];
	v0 =	vshrl.u32 v34, $0x10;
	[tilespmem:$0x4200] =	vst v37  }
0x3e: {  	v39 =	vand.u32 $0xFFFF, v35;
	[tilespmem:$0x4280] =	vst v0  }
0x3f: {  	v41 =	vld [tilespmem:$0x140];
	v40 =	vshrl.u32 v35, $0x10;
	[tilespmem:$0x4210] =	vst v39  }
0x40: {  	v42 =	vand.u32 $0xFFFF, v36;
	[tilespmem:$0x4290] =	vst v40  }
0x41: {  	v43 =	vshrl.u32 v36, $0x10;
	[tilespmem:$0x4220] =	vst v42  }
0x42: {  	v44 =	vand.u32 $0xFFFF, v38;
	[tilespmem:$0x42A0] =	vst v43  }
0x43: {  	v45 =	vshrl.u32 v38, $0x10;
	[tilespmem:$0x4230] =	vst v44  }
0x44: {  	v46 =	vand.u32 $0xFFFF, v41;
	[tilespmem:$0x42B0] =	vst v45  }
0x45: {  	v47 =	vshrl.u32 v41, $0x10;
	[tilespmem:$0x4240] =	vst v46  }
0x46: {  	[tilespmem:$0x42C0] =	vst v47  }
0x47: {  	[tilespmem:s19], [sflag:$0x3] =	stream.indirect.gather [hbm4b:s0+s13], $0x80, s18, s13, $0xb8;
	[tilespmem:$0x1FB00] =	vst v63  }
0x48: {  	_ =	swait.ge [sflag:s11], $0x2800  }
0x49: {  	[sflag:s11] =	ssyncset.done $0x0  }
0x4a: {  	[sflag:s11] =	ssyncadd.s32 $0xFFFFD800  }
0x4b: {  	[spmem:s3] =	stream.indirect.scatter.add.f32 [tilespmem:s15], [sflag:$0x4], $0x80, s20, s13, $0xb8;
	[tilespmem:$0x1FB00] =	vst v63  }
0x4c: {  	_ =	swait.ge [sflag:s21], $0x2800  }
0x4d: {  	[sflag:s21] =	ssyncset.done $0x0  }
0x4e: {  	s28 =	simm.s32 $0x240;
	[sflag:s21] =	ssyncadd.s32 $0xFFFFD800  }
0x4f: {  	v48 =	vld [tilespmem:s28+$0xFFFFFF40];
	_ =	sdelay $0x4  }
0x50: {  	v49 =	vand.u32 $0xFFFF, v48  }
0x51: {  	v0 =	vshrl.u32 v48, $0x10;
	[tilespmem:$0x4000] =	vst v49  }
0x52: {  	[tilespmem:$0x4080] =	vst v0  }
0x53: {  	v0 =	vld [tilespmem:s28+$0xFFFFFF50];
	_ =	sdelay $0x4  }
0x54: {  	v50 =	vand.u32 $0xFFFF, v0  }
0x55: {  	v0 =	vshrl.u32 v0, $0x10;
	[tilespmem:$0x4010] =	vst v50  }
0x56: {  	[tilespmem:$0x4090] =	vst v0  }
0x57: {  	v0 =	vld [tilespmem:s28+$0xFFFFFF60];
	_ =	sdelay $0x4  }
0x58: {  	v51 =	vand.u32 $0xFFFF, v0  }
0x59: {  	v0 =	vshrl.u32 v0, $0x10;
	[tilespmem:$0x4020] =	vst v51  }
0x5a: {  	[tilespmem:$0x40A0] =	vst v0  }
0x5b: {  	v0 =	vld [tilespmem:s28+$0xFFFFFF70];
	_ =	sdelay $0x4  }
0x5c: {  	v52 =	vand.u32 $0xFFFF, v0  }
0x5d: {  	v0 =	vshrl.u32 v0, $0x10;
	[tilespmem:$0x4030] =	vst v52  }
0x5e: {  	[tilespmem:$0x40B0] =	vst v0  }
0x5f: {  	v0 =	vld [tilespmem:s28+$0xFFFFFF80];
	_ =	sdelay $0x4  }
0x60: {  	v53 =	vand.u32 $0xFFFF, v0  }
0x61: {  	v0 =	vshrl.u32 v0, $0x10;
	[tilespmem:$0x4040] =	vst v53  }
0x62: {  	[tilespmem:$0x40C0] =	vst v0  }
0x63: {  	[tilespmem:s15], [sflag:$0x1] =	stream.indirect.gather [hbm4b:s0+s13], $0x80, s14, s13, $0xb8;
	[tilespmem:$0x1FB00] =	vst v63  }
0x64: {  	_ =	swait.ge [sflag:s12], $0x2800  }
0x65: {  	[sflag:s12] =	ssyncset.done $0x0  }
0x66: {  	[sflag:s12] =	ssyncadd.s32 $0xFFFFD800  }
0x67: {  	[spmem:s3] =	stream.indirect.scatter.add.f32 [tilespmem:s17], [sflag:$0x4], $0x80, s22, s13, $0xb8;
	[tilespmem:$0x1FB00] =	vst v63  }
0x68: {  	_ =	swait.ge [sflag:s21], $0x2800  }
0x69: {  	[sflag:s21] =	ssyncset.done $0x0  }
0x6a: {  	[sflag:s21] =	ssyncadd.s32 $0xFFFFD800  }
0x6b: {  	v54 =	vld [tilespmem:s28+$0xFFFFFFC0];
	_ =	sdelay $0x4  }
0x6c: {  	v55 =	vand.u32 $0xFFFF, v54  }
0x6d: {  	v0 =	vshrl.u32 v54, $0x10;
	[tilespmem:$0x4100] =	vst v55  }
0x6e: {  	[tilespmem:$0x4180] =	vst v0  }
0x6f: {  	v0 =	vld [tilespmem:s28+$0xFFFFFFD0];
	_ =	sdelay $0x4  }
0x70: {  	v56 =	vand.u32 $0xFFFF, v0  }
0x71: {  	v0 =	vshrl.u32 v0, $0x10;
	[tilespmem:$0x4110] =	vst v56  }
0x72: {  	[tilespmem:$0x4190] =	vst v0  }
0x73: {  	v0 =	vld [tilespmem:s28+$0xFFFFFFE0];
	_ =	sdelay $0x4  }
0x74: {  	v57 =	vand.u32 $0xFFFF, v0  }
0x75: {  	v0 =	vshrl.u32 v0, $0x10;
	[tilespmem:$0x4120] =	vst v57  }
0x76: {  	[tilespmem:$0x41A0] =	vst v0  }
0x77: {  	v0 =	vld [tilespmem:s28+$0xFFFFFFF0];
	_ =	sdelay $0x4  }
0x78: {  	v58 =	vand.u32 $0xFFFF, v0  }
0x79: {  	v0 =	vshrl.u32 v0, $0x10;
	[tilespmem:$0x4130] =	vst v58  }
0x7a: {  	[tilespmem:$0x41B0] =	vst v0  }
0x7b: {  	v0 =	vld [tilespmem:s28+$0x0];
	_ =	sdelay $0x4  }
0x7c: {  	v59 =	vand.u32 $0xFFFF, v0  }
0x7d: {  	v0 =	vshrl.u32 v0, $0x10;
	[tilespmem:$0x4140] =	vst v59  }
0x7e: {  	[tilespmem:$0x41C0] =	vst v0  }
0x7f: {  	[tilespmem:s17], [sflag:$0x2] =	stream.indirect.gather [hbm4b:s0+s13], $0x80, s16, s13, $0xb8;
	[tilespmem:$0x1FB00] =	vst v63  }
0x80: {  	_ =	swait.ge [sflag:s23], $0x2800  }
0x81: {  	[sflag:s23] =	ssyncset.done $0x0  }
0x82: {  	[sflag:s23] =	ssyncadd.s32 $0xFFFFD800  }
0x83: {  	[spmem:s3] =	stream.indirect.scatter.add.f32 [tilespmem:s19], [sflag:$0x4], $0x80, s24, s13, $0xb8;
	[tilespmem:$0x1FB00] =	vst v63  }
0x84: {  	_ =	swait.ge [sflag:s21], $0x2800  }
0x85: {  	s29 =	smin.u32 s4, $0x77;
	[sflag:s21] =	ssyncset.done $0x0  }
0x86: {  	s31 =	sshll.u32 s29, $0x7;
	[sflag:s21] =	ssyncadd.s32 $0xFFFFD800  }
0x87: {  	v60 =	vld [tilespmem:s31+$0x280];
	_ =	sdelay $0x4  }
0x88: {  	v61 =	vand.u32 $0xFFFF, v60  }
0x89: {  	v0 =	vshrl.u32 v60, $0x10;
	[tilespmem:$0x4200] =	vst v61  }
0x8a: {  	[tilespmem:$0x4280] =	vst v0  }
0x8b: {  	v0 =	vld [tilespmem:s31+$0x290];
	_ =	sdelay $0x4  }
0x8c: {  	v62 =	vand.u32 $0xFFFF, v0  }
0x8d: {  	v0 =	vshrl.u32 v0, $0x10;
	[tilespmem:$0x4210] =	vst v62  }
0x8e: {  	[tilespmem:$0x4290] =	vst v0  }
0x8f: {  	v0 =	vld [tilespmem:s31+$0x2A0];
	_ =	sdelay $0x4  }
0x90: {  	v63 =	vand.u32 $0xFFFF, v0  }
0x91: {  	v0 =	vshrl.u32 v0, $0x10;
	[tilespmem:$0x4220] =	vst v63  }
0x92: {  	s29 =	simm.s32 $0x3;
	[tilespmem:$0x42A0] =	vst v0  }
.LBB2_2:
0x93: {  	p0 =	sne.s32 s29, $0x78  }
0x94: {  	v0 =	vld [tilespmem:s31+$0x2B0];
	s28 =	sadd.s32 $0x180, s28;
	s30 =	smov.u32 s29;
	s29 =	sadd.s32 $0x3, s29  }
0x95: {  	_ =	sdelay $0x3  }
0x96: {  	v1 =	vand.u32 $0xFFFF, v0;
	v0 =	vshrl.u32 v0, $0x10  }
0x97: {  	[tilespmem:$0x4230] =	vst v1  }
0x98: {  	[tilespmem:$0x42B0] =	vst v0  }
0x99: {  	v0 =	vld [tilespmem:s31+$0x2C0];
	_ =	sdelay $0x4  }
0x9a: {  	v1 =	vand.u32 $0xFFFF, v0;
	v0 =	vshrl.u32 v0, $0x10  }
0x9b: {  	[tilespmem:$0x4240] =	vst v1  }
0x9c: {  	[tilespmem:$0x42C0] =	vst v0  }
0x9d: {  	[tilespmem:s19], [sflag:$0x3] =	stream.indirect.gather [hbm4b:s0+s13], $0x80, s18, s13, $0xb8;
	[tilespmem:$0x1FB00] =	vst v63  }
0x9e: {  	_ =	swait.ge [sflag:s11], $0x2800  }
0x9f: {  	[sflag:s11] =	ssyncset.done $0x0  }
0xa0: {  	[sflag:s11] =	ssyncadd.s32 $0xFFFFD800  }
0xa1: {  	[spmem:s3] =	stream.indirect.scatter.add.f32 [tilespmem:s15], [sflag:$0x4], $0x80, s20, s13, $0xb8;
	[tilespmem:$0x1FB00] =	vst v63  }
0xa2: {  	_ =	swait.ge [sflag:s21], $0x2800  }
0xa3: {  	[sflag:s21] =	ssyncset.done $0x0  }
0xa4: {  	[sflag:s21] =	ssyncadd.s32 $0xFFFFD800  }
0xa5: {  	v0 =	vld [tilespmem:s28+$0xFFFFFF40];
	_ =	sdelay $0x4  }
0xa6: {  	v1 =	vand.u32 $0xFFFF, v0;
	v0 =	vshrl.u32 v0, $0x10  }
0xa7: {  	[tilespmem:$0x4000] =	vst v1  }
0xa8: {  	[tilespmem:$0x4080] =	vst v0  }
0xa9: {  	v0 =	vld [tilespmem:s28+$0xFFFFFF50];
	_ =	sdelay $0x4  }
0xaa: {  	v1 =	vand.u32 $0xFFFF, v0;
	v0 =	vshrl.u32 v0, $0x10  }
0xab: {  	[tilespmem:$0x4010] =	vst v1  }
0xac: {  	[tilespmem:$0x4090] =	vst v0  }
0xad: {  	v0 =	vld [tilespmem:s28+$0xFFFFFF60];
	_ =	sdelay $0x4  }
0xae: {  	v1 =	vand.u32 $0xFFFF, v0;
	v0 =	vshrl.u32 v0, $0x10  }
0xaf: {  	[tilespmem:$0x4020] =	vst v1  }
0xb0: {  	[tilespmem:$0x40A0] =	vst v0  }
0xb1: {  	v0 =	vld [tilespmem:s28+$0xFFFFFF70];
	_ =	sdelay $0x4  }
0xb2: {  	v1 =	vand.u32 $0xFFFF, v0;
	v0 =	vshrl.u32 v0, $0x10  }
0xb3: {  	[tilespmem:$0x4030] =	vst v1  }
0xb4: {  	[tilespmem:$0x40B0] =	vst v0  }
0xb5: {  	v0 =	vld [tilespmem:s28+$0xFFFFFF80];
	_ =	sdelay $0x4  }
0xb6: {  	v1 =	vand.u32 $0xFFFF, v0;
	v0 =	vshrl.u32 v0, $0x10  }
0xb7: {  	[tilespmem:$0x4040] =	vst v1  }
0xb8: {  	[tilespmem:$0x40C0] =	vst v0  }
0xb9: {  	[tilespmem:s15], [sflag:$0x1] =	stream.indirect.gather [hbm4b:s0+s13], $0x80, s14, s13, $0xb8;
	[tilespmem:$0x1FB00] =	vst v63  }
0xba: {  	_ =	swait.ge [sflag:s12], $0x2800  }
0xbb: {  	[sflag:s12] =	ssyncset.done $0x0  }
0xbc: {  	[sflag:s12] =	ssyncadd.s32 $0xFFFFD800  }
0xbd: {  	[spmem:s3] =	stream.indirect.scatter.add.f32 [tilespmem:s17], [sflag:$0x4], $0x80, s22, s13, $0xb8;
	[tilespmem:$0x1FB00] =	vst v63  }
0xbe: {  	_ =	swait.ge [sflag:s21], $0x2800  }
0xbf: {  	[sflag:s21] =	ssyncset.done $0x0  }
0xc0: {  	[sflag:s21] =	ssyncadd.s32 $0xFFFFD800  }
0xc1: {  	v0 =	vld [tilespmem:s28+$0xFFFFFFC0];
	_ =	sdelay $0x4  }
0xc2: {  	v1 =	vand.u32 $0xFFFF, v0;
	v0 =	vshrl.u32 v0, $0x10  }
0xc3: {  	[tilespmem:$0x4100] =	vst v1  }
0xc4: {  	[tilespmem:$0x4180] =	vst v0  }
0xc5: {  	v0 =	vld [tilespmem:s28+$0xFFFFFFD0];
	_ =	sdelay $0x4  }
0xc6: {  	v1 =	vand.u32 $0xFFFF, v0;
	v0 =	vshrl.u32 v0, $0x10  }
0xc7: {  	[tilespmem:$0x4110] =	vst v1  }
0xc8: {  	[tilespmem:$0x4190] =	vst v0  }
0xc9: {  	v0 =	vld [tilespmem:s28+$0xFFFFFFE0];
	_ =	sdelay $0x4  }
0xca: {  	v1 =	vand.u32 $0xFFFF, v0;
	v0 =	vshrl.u32 v0, $0x10  }
0xcb: {  	[tilespmem:$0x4120] =	vst v1  }
0xcc: {  	[tilespmem:$0x41A0] =	vst v0  }
0xcd: {  	v0 =	vld [tilespmem:s28+$0xFFFFFFF0];
	_ =	sdelay $0x4  }
0xce: {  	v1 =	vand.u32 $0xFFFF, v0;
	v0 =	vshrl.u32 v0, $0x10  }
0xcf: {  	[tilespmem:$0x4130] =	vst v1  }
0xd0: {  	[tilespmem:$0x41B0] =	vst v0  }
0xd1: {  	v0 =	vld [tilespmem:s28+$0x0];
	_ =	sdelay $0x3  }
0xd2: {  	s30 =	smin.u32 s30, $0x77  }
0xd3: {  	s31 =	sshll.u32 s30, $0x7;
	v1 =	vand.u32 $0xFFFF, v0;
	v0 =	vshrl.u32 v0, $0x10  }
0xd4: {  	[tilespmem:$0x4140] =	vst v1  }
0xd5: {  	[tilespmem:$0x41C0] =	vst v0  }
0xd6: {  	[tilespmem:s17], [sflag:$0x2] =	stream.indirect.gather [hbm4b:s0+s13], $0x80, s16, s13, $0xb8;
	[tilespmem:$0x1FB00] =	vst v63  }
0xd7: {  	_ =	swait.ge [sflag:s23], $0x2800  }
0xd8: {  	[sflag:s23] =	ssyncset.done $0x0  }
0xd9: {  	[sflag:s23] =	ssyncadd.s32 $0xFFFFD800  }
0xda: {  	[spmem:s3] =	stream.indirect.scatter.add.f32 [tilespmem:s19], [sflag:$0x4], $0x80, s24, s13, $0xb8;
	[tilespmem:$0x1FB00] =	vst v63  }
0xdb: {  	_ =	swait.ge [sflag:s21], $0x2800  }
0xdc: {  	[sflag:s21] =	ssyncset.done $0x0  }
0xdd: {  	[sflag:s21] =	ssyncadd.s32 $0xFFFFD800  }
0xde: {  	v0 =	vld [tilespmem:s31+$0x280];
	_ =	sdelay $0x4  }
0xdf: {  	v1 =	vand.u32 $0xFFFF, v0;
	v0 =	vshrl.u32 v0, $0x10  }
0xe0: {  	[tilespmem:$0x4200] =	vst v1  }
0xe1: {  	[tilespmem:$0x4280] =	vst v0  }
0xe2: {  	v0 =	vld [tilespmem:s31+$0x290];
	_ =	sdelay $0x4  }
0xe3: {  	v1 =	vand.u32 $0xFFFF, v0;
	v0 =	vshrl.u32 v0, $0x10  }
0xe4: {  	[tilespmem:$0x4210] =	vst v1  }
0xe5: {  	[tilespmem:$0x4290] =	vst v0  }
0xe6: {  	v0 =	vld [tilespmem:s31+$0x2A0];
	_ =	sdelay $0x2  }
.Ltmp0:
0xe7: {  	(pc) =	sbr.rel @p0 .LBB2_2-.Ltmp0, $4  }
0xe8: {  	_ = 	snop  }
0xe9: {  	v1 =	vand.u32 $0xFFFF, v0;
	v0 =	vshrl.u32 v0, $0x10  }
0xea: {  	[tilespmem:$0x4220] =	vst v1  }
0xeb: {  	[tilespmem:$0x42A0] =	vst v0  }
0xec: {  	v0 =	vld [tilespmem:s31+$0x2B0];
	_ =	sdelay $0x4  }
0xed: {  	v1 =	vand.u32 $0xFFFF, v0  }
0xee: {  	v0 =	vshrl.u32 v0, $0x10;
	[tilespmem:$0x4230] =	vst v1  }
0xef: {  	[tilespmem:$0x42B0] =	vst v0  }
0xf0: {  	v0 =	vld [tilespmem:s31+$0x2C0];
	_ =	sdelay $0x4  }
0xf1: {  	v63 =	vand.u32 $0xFFFF, v0  }
0xf2: {  	v0 =	vshrl.u32 v0, $0x10;
	[tilespmem:$0x4240] =	vst v63  }
0xf3: {  	[tilespmem:$0x42C0] =	vst v0  }
0xf4: {  	_ =	swait.ge [sflag:s11], $0x2800  }
0xf5: {  	[sflag:s11] =	ssyncset.done $0x0  }
0xf6: {  	[sflag:s11] =	ssyncadd.s32 $0xFFFFD800  }
0xf7: {  	[spmem:s3] =	stream.indirect.scatter.add.f32 [tilespmem:s15], [sflag:$0x4], $0x80, s20, s13, $0xb8;
	[tilespmem:$0x1FB00] =	vst v63  }
0xf8: {  	_ =	swait.ge [sflag:s21], $0x2800  }
0xf9: {  	[sflag:s21] =	ssyncset.done $0x0  }
0xfa: {  	[sflag:s21] =	ssyncadd.s32 $0xFFFFD800  }
0xfb: {  	_ =	swait.ge [sflag:s12], $0x2800  }
0xfc: {  	[sflag:s12] =	ssyncset.done $0x0  }
0xfd: {  	[sflag:s12] =	ssyncadd.s32 $0xFFFFD800  }
0xfe: {  	[spmem:s3] =	stream.indirect.scatter.add.f32 [tilespmem:s17], [sflag:$0x4], $0x80, s22, s13, $0xb8;
	[tilespmem:$0x1FB00] =	vst v63  }
0xff: {  	_ =	swait.ge [sflag:s21], $0x2800  }
0x100: {  	s26 =	sadd.s32 $0x1, s26;
	[sflag:s21] =	ssyncset.done $0x0  }
0x101: {  	p0 =	sne.s32 s26, s9;
	[sflag:s21] =	ssyncadd.s32 $0xFFFFD800  }
.Ltmp1:
0x102: {  	[bflag:$0x0] =	sbarrier.arrive $0xFFFF;
	(pc) =	sbr.rel @p0 .LBB2_1-.Ltmp1, $4  }
0x103: {  	[hbm:s8], [sflag:s25] =	dma.local [spmem:s10], $0x2800  }
0x104: {  	_ =	swait.ge [sflag:s21], $0x2800  }
0x105: {  	[sflag:s21] =	ssyncset.done $0x0  }
0x106: {  	[sflag:s21] =	ssyncadd.s32 $0xFFFFD800  }
0x107: {  	_ =	sfence.sel $0x180000  }
0x108: {  	[bflag:$0x0] =	sbarrier.arrive $0xFFFF  }
0x109: {  	p0 =	sne.s32 s2, $0x0;
	_ =	strace $0x9000004A  }
0x10a: {  	s0 =	sadd.s32 @!p0 $0x100000, s1;
	[bflag:$0x2] =	sbarrier.arrive $0xFFFF  }
0x10b: {  	[sflag:s0] =	ssyncadd.tile.s32 @!p0 $0x1;
	_ =	shalt  }
.Lfunc_end2:
_tile_overlayer_lowered:
.L_overlay_start_2:
0x10c: {  	(tag) =	ssettag $0x2  }
0x10d: {  	s0 =	rddreg [dreg:$0x0];
	s2 =	stileid.u32  }
0x10e: {  	s1 =	rddreg [dreg:$0x1];
	p0 =	sne.s32 s2, $0x0  }
0x10f: {  	s3 =	rddreg [dreg:$0x2];
	[bflag:$0x3] =	sbarrier.arrive $0xFFFF;
	s2 =	simm.s32 @!p0 $0x1C04  }
0x110: {  	[timem:s3], [sflag:s2] =	dma.local @!p0 [hbm:s0], s1  }
0x111: {  	s0 =	simm.s32 @!p0 $0x4  }
0x112: {  	_ =	swait.ge @!p0 [sflag:s0], s1  }
0x113: {  	s1 =	ssub.s32 @!p0 $0x0, s1;
	[sflag:s0] =	ssyncset.done @!p0 $0x0  }
0x114: {  	[sflag:s0] =	ssyncadd.s32 @!p0 s1  }
0x115: {  	[bflag:$0x3] =	sbarrier.arrive $0xFFFF  }
0x116: {  	_ =	shalt  }

// kernel: kernel.7.cloned.1.call-start
scs
__scs_entry_jumppad:
0x0: {  	(pc) =	sbr.rel $0x88, $3  }
0x1: {  	(tag) =	ssettag $0x0;
	lr =	simm.s32 $0x1  }
0x2: {  	[smem:$0x3F99] =	sst lr;
	_ =	strace $0xD0000000  }
0x3: {  	_ = 	snop  }
0x4: {  	_ = 	snop  }
0x5: {  	_ = 	snop  }
0x6: {  	_ = 	snop  }
0x7: {  	_ = 	snop  }
__scs_overlays_trampoline_lowered:
0x8: {  	[smem:$0x3FA8] =	sst s0  }
0x9: {  	[smem:$0x3FA9] =	sst s1  }
0xa: {  	[smem:$0x3FAA] =	sst s2  }
0xb: {  	[smem:$0x3FAB] =	sst s3  }
0xc: {  	[smem:$0x3FAC] =	sst s4  }
0xd: {  	[smem:$0x3FAD] =	sst s5  }
0xe: {  	[smem:$0x3FAE] =	sst s6  }
0xf: {  	[smem:$0x3FAF] =	sst s7  }
0x10: {  	[smem:$0x3FB0] =	sst s8  }
0x11: {  	[smem:$0x3FB1] =	sst s9;
	s0 =	simm.s32 @!p0 $0x0  }
0x12: {  	s1 =	sld [smem:$0x3F97];
	s0 =	simm.s32 @p0 $0x1  }
0x13: {  	[smem:$0x3FB2] =	sst s0;
	s0 =	simm.s32 @!p1 $0x0  }
0x14: {  	s2 =	sld [smem:$0x3F96];
	s0 =	simm.s32 @p1 $0x1  }
0x15: {  	[smem:$0x3FB3] =	sst s0;
	s0 =	simm.s32 @!p2 $0x0  }
0x16: {  	s3 =	sld [smem:$0x3FDB];
	s0 =	simm.s32 @p2 $0x1  }
0x17: {  	s4 =	simm.s32 $0x1BF5;
	[smem:$0x3FB5] =	sst s0  }
0x18: {  	s0 =	sld [smem:$0x3F98];
	_ =	swait.ge [sflag:s4], $0x0  }
0x19: {  	s7 =	sld [smem:$0x3F99]  }
0x1a: {  	s8 =	sadd.s32 $0xFFFFE003, lr  }
0x1b: {  	s9 =	sadd.s32 $0xFFFFFEF7, lr;
	s5 =	simm.s32 $0xFFFFFFFF;
	p2 =	slt.u32 s8, $0xFFFFF086  }
0x1c: {  	p1 =	slt.u32 s9, $0xF7A;
	s5 =	simm.s32 @!p2 $0x0  }
0x1d: {  	s5 =	simm.s32 @p1 $0x1;
	p0 =	seq.s32 s7, s2  }
0x1e: {  	s7 =	smul.u32 @!p0 $0xF7A, s2;
	p2 =	seq.s32 @!p0 s5, $0x0  }
0x1f: {  	s9 =	smul.u32 $0xF7A, s1;
	s8 =	simm.s32 @!p0 $0x1BF5;
	p2 =	por !p2, p0  }
0x20: {  	[sflag:s8] =	ssyncset.s32 @!p0 $0xFFFFF086;
	s6 =	sadd.s32 @!p0 s3, s7;
	s7 =	simm.s32 @!p0 $0x108  }
0x21: {  	s3 =	sadd.s32 s3, s9;
	s6 =	sadd.s32 @!p0 $0x88, s6;
	s7 =	simm.s32 @p2 $0x1082  }
0x22: {  	[simem:s7], [sflag:s8] =	dma.local @!p0 [hbm:s6], $0xF7A  }
0x23: {  	s9 =	sor.u32 $0xD0000000, s2;
	s6 =	simm.s32 $0x108;
	_ =	swait.ge @!p0 [sflag:s8], $0x0  }
0x24: {  	s3 =	sadd.s32 $0x88, s3;
	s6 =	simm.s32 @!p1 $0x1082;
	[sflag:s4] =	ssyncset.s32 $0xFFFFF086  }
0x25: {  	[simem:s6], [sflag:s4] =	dma.local [hbm:s3], $0xF7A  }
0x26: {  	[smem:$0x3F99] =	sst s1;
	(tag) =	ssettag s2;
	_ =	strace s9  }
0x27: {  	s1 =	sld [smem:$0x3FA9]  }
0x28: {  	s2 =	sld [smem:$0x3FAA]  }
0x29: {  	s4 =	sld [smem:$0x3FAC]  }
0x2a: {  	p0 =	seq.s32 s5, $0x0;
	s5 =	sld [smem:$0x3FAD]  }
0x2b: {  	s6 =	sld [smem:$0x3FAE]  }
0x2c: {  	s7 =	sld [smem:$0x3FAF]  }
0x2d: {  	s3 =	simm.s32 $0x108;
	s8 =	sld [smem:$0x3FB0]  }
0x2e: {  	s3 =	simm.s32 @!p0 $0x1082;
	s9 =	sld [smem:$0x3FB1]  }
0x2f: {  	lr =	sadd.s32 s0, s3;
	s0 =	sld [smem:$0x3FA8]  }
0x30: {  	s3 =	sld [smem:$0x3FAB]  }
0x31: {  	[smem:$0x3FB4] =	sst s10  }
0x32: {  	s10 =	sld [smem:$0x3FB2];
	_ =	sdelay $0x3  }
0x33: {  	p0 =	seq.s32 s10, $0x1;
	s10 =	sld [smem:$0x3FB4];
	_ =	sdelay $0x3  }
0x34: {  	[smem:$0x3FB4] =	sst s10  }
0x35: {  	s10 =	sld [smem:$0x3FB3];
	_ =	sdelay $0x3  }
0x36: {  	p1 =	seq.s32 s10, $0x1;
	s10 =	sld [smem:$0x3FB4];
	_ =	sdelay $0x3  }
0x37: {  	[smem:$0x3FB4] =	sst s10  }
0x38: {  	s10 =	sld [smem:$0x3FB5]  }
0x39: {  	_ = 	snop;
	(pc) =	sbr.ind lr, $3  }
0x3a: {  	_ = 	snop  }
0x3b: {  	_ = 	snop  }
0x3c: {  	p2 =	seq.s32 s10, $0x1;
	s10 =	sld [smem:$0x3FB4]  }
0x3d: {  	_ =	shalt  }
0x3e: {  	_ =	shalt  }
0x3f: {  	_ =	shalt  }
0x40: {  	_ =	shalt  }
0x41: {  	_ =	shalt  }
0x42: {  	_ =	shalt  }
0x43: {  	_ =	shalt  }
0x44: {  	_ =	shalt  }
0x45: {  	_ =	shalt  }
0x46: {  	_ =	shalt  }
0x47: {  	_ =	shalt  }
0x48: {  	_ =	shalt  }
0x49: {  	_ =	shalt  }
0x4a: {  	_ =	shalt  }
0x4b: {  	_ =	shalt  }
0x4c: {  	_ =	shalt  }
0x4d: {  	_ =	shalt  }
0x4e: {  	_ =	shalt  }
0x4f: {  	_ =	shalt  }
0x50: {  	_ =	shalt  }
0x51: {  	_ =	shalt  }
0x52: {  	_ =	shalt  }
0x53: {  	_ =	shalt  }
0x54: {  	_ =	shalt  }
0x55: {  	_ =	shalt  }
0x56: {  	_ =	shalt  }
0x57: {  	_ =	shalt  }
0x58: {  	_ =	shalt  }
0x59: {  	_ =	shalt  }
0x5a: {  	_ =	shalt  }
0x5b: {  	_ =	shalt  }
0x5c: {  	_ =	shalt  }
0x5d: {  	_ =	shalt  }
0x5e: {  	_ =	shalt  }
0x5f: {  	_ =	shalt  }
0x60: {  	_ =	shalt  }
0x61: {  	_ =	shalt  }
0x62: {  	_ =	shalt  }
0x63: {  	_ =	shalt  }
0x64: {  	_ =	shalt  }
0x65: {  	_ =	shalt  }
0x66: {  	_ =	shalt  }
0x67: {  	_ =	shalt  }
0x68: {  	_ =	shalt  }
0x69: {  	_ =	shalt  }
0x6a: {  	_ =	shalt  }
0x6b: {  	_ =	shalt  }
0x6c: {  	_ =	shalt  }
0x6d: {  	_ =	shalt  }
0x6e: {  	_ =	shalt  }
0x6f: {  	_ =	shalt  }
0x70: {  	_ =	shalt  }
0x71: {  	_ =	shalt  }
0x72: {  	_ =	shalt  }
0x73: {  	_ =	shalt  }
0x74: {  	_ =	shalt  }
0x75: {  	_ =	shalt  }
0x76: {  	_ =	shalt  }
0x77: {  	_ =	shalt  }
0x78: {  	_ =	shalt  }
0x79: {  	_ =	shalt  }
0x7a: {  	_ =	shalt  }
0x7b: {  	_ =	shalt  }
0x7c: {  	_ =	shalt  }
0x7d: {  	_ =	shalt  }
0x7e: {  	_ =	shalt  }
0x7f: {  	_ =	shalt  }
0x80: {  	_ =	shalt  }
0x81: {  	_ =	shalt  }
0x82: {  	_ =	shalt  }
0x83: {  	_ =	shalt  }
0x84: {  	_ =	shalt  }
0x85: {  	_ =	shalt  }
0x86: {  	_ =	shalt  }
0x87: {  	_ =	shalt  }
.Lfunc_end0:
.L_simem_size_0:
called_computation_lowered:
.L_overlay_start_0:
0x88: {  	s2 =	sld [smem:$0x3FD9]  }
0x89: {  	s3 =	sld [smem:$0x3FFE];
	_ =	sdelay $0x1  }
0x8a: {  	s1 =	srdreg.scid  }
0x8b: {  	s0 =	sand.u32 $0x1, s1  }
0x8c: {  	s17 =	sshll.u32 s0, $0xA;
	s2 =	sadd.s32 s3, s2  }
0x8d: {  	s2 =	sadd.s32 s2, s17  }
0x8e: {  	[smem:$0x3FC0] =	sst s2  }
0x8f: {  	_ = 	snop  }
0x90: {  	s2 =	sld [smem:$0x3FD0];
	(tm) =	ssettm $0x1  }
0x91: {  	s18 =	sld [smem:$0x3FFB];
	_ =	sdelay $0x3  }
0x92: {  	_ =	strace s18  }
0x93: {  	s3 =	sld [smem:$0x3FFC];
	_ =	sdelay $0x3  }
0x94: {  	_ =	strace s3  }
0x95: {  	s3 =	sld [smem:$0x3FFD];
	_ =	sdelay $0x3  }
0x96: {  	_ =	strace s3  }
0x97: {  	_ =	strace $0x8FFFFFFF  }
0x98: {  	s19 =	sld [smem:$0x3FDB];
	_ =	sdelay $0x1  }
0x99: {  	s4 =	simm.s32 $_scs_section_size  }
0x9a: {  	s5 =	simm.s32 $_size__tile_overlayer_lowered;
	s6 =	simm.s32 $_tile_overlayer_lowered  }
0x9b: {  	s22 =	simm.s32 $0x1BFF;
	s21 =	sshll.u32 s6, $0x1;
	s3 =	sadd.s32 s4, s19  }
0x9c: {  	s7 =	simm.s32 $0x0;
	s20 =	sshll.u32 s5, $0x1;
	s5 =	sadd.s32 s21, s3  }
0x9d: {  	[timem:s7], [sflag:s22] =	dma.local [hbm:s5], s20  }
0x9e: {  	_ =	swait.ge [sflag:s22], s20  }
0x9f: {  	s4 =	ssub.s32 $0x0, s20;
	[sflag:s22] =	ssyncset.done $0x0  }
0xa0: {  	[sflag:s22] =	ssyncadd.s32 s4;
	_ =	sdelay $0x1  }
0xa1: {  	s23 =	simm.s32 $0x1B8B  }
0xa2: {  	_ =	swait.ge [sflag:s23], $0x1  }
0xa3: {  	[sflag:s23] =	ssyncset.done $0x0  }
0xa4: {  	s25 =	simm.s32 $0x1B8E;
	s24 =	sld [smem:$0x3FFE];
	[sflag:s23] =	ssyncadd.s32 $0xFFFFFFFF  }
0xa5: {  	s26 =	simm.s32 $execute0_lowered;
	[smem:$0x3FD2] =	sst s25  }
0xa6: {  	s5 =	sshll.u32 s26, $0x1;
	_ =	strace $0x80000046;
	[dreg:$0x1] =	wrdreg $0xFFFFFFFF  }
0xa7: {  	s28 =	simm.s32 $_size_execute0_lowered;
	s3 =	sadd.s32 s3, s5;
	[dreg:$0x0] =	wrdreg $0x0  }
0xa8: {  	s5 =	sshll.u32 s28, $0x1;
	[dreg:$0x2] =	wrdreg s3  }
0xa9: {  	[dreg:$0x3] =	wrdreg s5  }
0xaa: {  	[dreg:$0x4] =	wrdreg $0xC0  }
0xab: {  	_ =	task [dreg:s7], $0x5FFFF  }
0xac: {  	[dreg:$0x1] =	wrdreg $0xFFFFFFFF  }
0xad: {  	[dreg:$0x0] =	wrdreg $0x60  }
0xae: {  	[dreg:$0x2] =	wrdreg s2  }
0xaf: {  	[dreg:$0x3] =	wrdreg s24  }
0xb0: {  	[dreg:$0x4] =	wrdreg $0xBB000  }
0xb1: {  	[dreg:$0x5] =	wrdreg $0x9  }
0xb2: {  	_ =	task.clear_ibuf [dreg:s7], $0x6FFFF;
	_ =	strace $0x90000046  }
0xb3: {  	s29 =	simm.s32 $0x9;
	_ =	strace $0x80000048  }
0xb4: {  	_ =	swait.ge [sflag:s29], $0x1  }
0xb5: {  	[sflag:s29] =	ssyncadd.s32 $0xFFFFFFFF  }
0xb6: {  	_ =	strace $0x90000048  }
0xb7: {  	_ =	sfence  }
0xb8: {  	s30 =	sld [smem:$0x0];
	_ =	sdelay $0x2  }
0xb9: {  	s31 =	sshll.u32 s1, $0xD;
	s1 =	sshrl.u32 s1, $0x2  }
0xba: {  	s3 =	sand.u32 $0x4000, s31;
	s1 =	sadd.s32 s1, s30  }
0xbb: {  	s0 =	sor.u32 s3, s0;
	s1 =	sshll.u32 s1, $0x11  }
0xbc: {  	s0 =	sor.u32 s1, s0  }
0xbd: {  	s0 =	sadd.s32 $0x8F2B, s0  }
0xbe: {  	[sflag:s0] =	ssyncadd.remote.s32 $0x1  }
0xbf: {  	_ =	sfence.sel $0xFFFF  }
0xc0: {  	[dreg:$0x0] =	wrdreg $0xFFFFFFFF;
	(pc) =	sbr.abs _section_cstart, $3  }
0xc1: {  	[dreg:$0x1] =	wrdreg $0xFFFFFFFF  }
0xc2: {  	_ =	task.clear_ibuf [dreg:s7], $0x2FFFF;
	_ =	strace $0x9FFFFFFF  }
0xc3: {  	(tm) =	ssettm $0x7FFFFFFF  }
tec
execute0_lowered:
.L_overlay_start_1:
0x0: {  	(tag) =	ssettag $0x1  }
0x1: {  	s0 =	rddreg [dreg:$0x0]  }
0x2: {  	s6 =	rddreg [dreg:$0x1];
	s1 =	srdreg.scid  }
0x3: {  	s3 =	rddreg [dreg:$0x2];
	s2 =	stileid.u32;
	s4 =	simm.s32 $0x0  }
0x4: {  	s12 =	simm.s32 $0x2;
	s13 =	simm.s32 $0x50;
	s14 =	simm.s32 $0x4000  }
0x5: {  	s15 =	simm.s32 $0x4300;
	s16 =	simm.s32 $0x4100;
	s17 =	simm.s32 $0x6B00  }
0x6: {  	s18 =	simm.s32 $0x4200;
	s19 =	simm.s32 $0x9300;
	s20 =	simm.s32 $0x4080  }
0x7: {  	s21 =	simm.s32 $0x4;
	s22 =	simm.s32 $0x4180;
	s23 =	simm.s32 $0x3  }
0x8: {  	s24 =	simm.s32 $0x4280;
	s7 =	sand.u32 $0x1, s1;
	s1 =	rddreg [dreg:$0x3]  }
0x9: {  	s26 =	simm.s32 $0x0;
	s8 =	smul.u32 $0x14000, s2;
	[smem:$0x7FF] =	sst s4  }
0xa: {  	s9 =	sshll.u32 s2, $0xB;
	s11 =	smul.u32 $0x50000, s2;
	s25 =	sshll.u32 s2, $0x6  }
0xb: {  	s5 =	smul.u32 $0x140000, s7;
	_ =	strace $0x80000047;
	s10 =	ssub.s32 $0x2, s7  }
0xc: {  	s9 =	sadd.s32 s9, s6;
	s7 =	sshll.u32 s7, $0xF;
	s30 =	sshrl.u32 s10, $0x1  }
0xd: {  	s31 =	sshrl.u32 s11, $0x2;
	s7 =	sadd.s32 s7, s9;
	s5 =	sadd.s32 s8, s5  }
0xe: {  	s10 =	ssub.s32 s10, s30;
	s11 =	sadd.s32 s31, s3;
	s7 =	sadd.s32 $0x2000, s7  }
0xf: {  	s8 =	sshrl.u32 s5, $0x3;
	s5 =	sadd.s32 $0x12000, s6;
	s9 =	smax.u32 s10, $0x1  }
0x10: {  	s10 =	sshrl.u32 s11, $0x3;
	s11 =	simm.s32 $0x1;
	s8 =	sadd.s32 s8, s6  }
0x11: {  	s6 =	sor.u32 $0x1C01, s25;
	s25 =	sor.u32 $0x1C04, s25;
	s8 =	sadd.s32 $0x14800, s8  }
.LBB2_1:
0x12: {  	[spmem:s10], [sflag:s6] =	dma.local [hbm:s5], $0x2800  }
0x13: {  	[tilespmem:s4], [sflag:$0x2] =	stream.linear.gather [hbm4b:s7+s4], $0x3E80, $0x38;
	[tilespmem:$0x1FB00] =	vst v63  }
0x14: {  	_ =	swait.ge [sflag:s11], $0x2800  }
0x15: {  	[sflag:s11] =	ssyncset.done $0x0  }
0x16: {  	[sflag:s11] =	ssyncadd.s32 $0xFFFFD800  }
0x17: {  	_ =	swait.ge [sflag:s12], $0x3E80  }
0x18: {  	[sflag:s12] =	ssyncset.done $0x0  }
0x19: {  	[sflag:s12] =	ssyncadd.s32 $0xFFFFC180  }
0x1a: {  	[bflag:$0x0] =	sbarrier.arrive $0xFFFF  }
0x1b: {  	v0 =	vld [tilespmem:$0x0];
	_ =	sdelay $0x1  }
0x1c: {  	v1 =	vld [tilespmem:$0x10];
	_ =	sdelay $0x1  }
0x1d: {  	v2 =	vld [tilespmem:$0x20]  }
0x1e: {  	v3 =	vand.u32 $0xFFFF, v0  }
0x1f: {  	v10 =	vld [tilespmem:$0x30];
	v0 =	vshrl.u32 v0, $0x10;
	[tilespmem:$0x4000] =	vst v3  }
0x20: {  	v11 =	vand.u32 $0xFFFF, v1;
	[tilespmem:$0x4080] =	vst v0  }
0x21: {  	v13 =	vld [tilespmem:$0x40];
	v12 =	vshrl.u32 v1, $0x10;
	[tilespmem:$0x4010] =	vst v11  }
0x22: {  	v14 =	vand.u32 $0xFFFF, v2;
	[tilespmem:$0x4090] =	vst v12  }
0x23: {  	v15 =	vshrl.u32 v2, $0x10;
	[tilespmem:$0x4020] =	vst v14  }
0x24: {  	v16 =	vand.u32 $0xFFFF, v10;
	[tilespmem:$0x40A0] =	vst v15  }
0x25: {  	v17 =	vshrl.u32 v10, $0x10;
	[tilespmem:$0x4030] =	vst v16  }
0x26: {  	v18 =	vand.u32 $0xFFFF, v13;
	[tilespmem:$0x40B0] =	vst v17  }
0x27: {  	v19 =	vshrl.u32 v13, $0x10;
	[tilespmem:$0x4040] =	vst v18  }
0x28: {  	[tilespmem:$0x40C0] =	vst v19  }
0x29: {  	[tilespmem:s15], [sflag:$0x1] =	stream.indirect.gather [hbm4b:s0+s13], $0x80, s14, s13, $0xb8;
	[tilespmem:$0x1FB00] =	vst v63  }
0x2a: {  	v20 =	vld [tilespmem:$0x80];
	_ =	sdelay $0x1  }
0x2b: {  	v21 =	vld [tilespmem:$0x90];
	_ =	sdelay $0x1  }
0x2c: {  	v22 =	vld [tilespmem:$0xA0]  }
0x2d: {  	v23 =	vand.u32 $0xFFFF, v20  }
0x2e: {  	v24 =	vld [tilespmem:$0xB0];
	v0 =	vshrl.u32 v20, $0x10;
	[tilespmem:$0x4100] =	vst v23  }
0x2f: {  	v25 =	vand.u32 $0xFFFF, v21;
	[tilespmem:$0x4180] =	vst v0  }
0x30: {  	v27 =	vld [tilespmem:$0xC0];
	v26 =	vshrl.u32 v21, $0x10;
	[tilespmem:$0x4110] =	vst v25  }
0x31: {  	v28 =	vand.u32 $0xFFFF, v22;
	[tilespmem:$0x4190] =	vst v26  }
0x32: {  	v29 =	vshrl.u32 v22, $0x10;
	[tilespmem:$0x4120] =	vst v28  }
0x33: {  	v30 =	vand.u32 $0xFFFF, v24;
	[tilespmem:$0x41A0] =	vst v29  }
0x34: {  	v31 =	vshrl.u32 v24, $0x10;
	[tilespmem:$0x4130] =	vst v30  }
0x35: {  	v32 =	vand.u32 $0xFFFF, v27;
	[tilespmem:$0x41B0] =	vst v31  }
0x36: {  	v33 =	vshrl.u32 v27, $0x10;
	[tilespmem:$0x4140] =	vst v32  }
0x37: {  	[tilespmem:$0x41C0] =	vst v33  }
0x38: {  	[tilespmem:s17], [sflag:$0x2] =	stream.indirect.gather [hbm4b:s0+s13], $0x80, s16, s13, $0xb8;
	[tilespmem:$0x1FB00] =	vst v63  }
0x39: {  	v34 =	vld [tilespmem:$0x100];
	_ =	sdelay $0x1  }
0x3a: {  	v35 =	vld [tilespmem:$0x110];
	_ =	sdelay $0x1  }
0x3b: {  	v36 =	vld [tilespmem:$0x120]  }
0x3c: {  	v37 =	vand.u32 $0xFFFF, v34  }
0x3d: {  	v38 =	vld [tilespmem:$0x130];
	v0 =	vshrl.u32 v34, $0x10;
	[tilespmem:$0x4200] =	vst v37  }
0x3e: {  	v39 =	vand.u32 $0xFFFF, v35;
	[tilespmem:$0x4280] =	vst v0  }
0x3f: {  	v41 =	vld [tilespmem:$0x140];
	v40 =	vshrl.u32 v35, $0x10;
	[tilespmem:$0x4210] =	vst v39  }
0x40: {  	v42 =	vand.u32 $0xFFFF, v36;
	[tilespmem:$0x4290] =	vst v40  }
0x41: {  	v43 =	vshrl.u32 v36, $0x10;
	[tilespmem:$0x4220] =	vst v42  }
0x42: {  	v44 =	vand.u32 $0xFFFF, v38;
	[tilespmem:$0x42A0] =	vst v43  }
0x43: {  	v45 =	vshrl.u32 v38, $0x10;
	[tilespmem:$0x4230] =	vst v44  }
0x44: {  	v46 =	vand.u32 $0xFFFF, v41;
	[tilespmem:$0x42B0] =	vst v45  }
0x45: {  	v47 =	vshrl.u32 v41, $0x10;
	[tilespmem:$0x4240] =	vst v46  }
0x46: {  	[tilespmem:$0x42C0] =	vst v47  }
0x47: {  	[tilespmem:s19], [sflag:$0x3] =	stream.indirect.gather [hbm4b:s0+s13], $0x80, s18, s13, $0xb8;
	[tilespmem:$0x1FB00] =	vst v63  }
0x48: {  	_ =	swait.ge [sflag:s11], $0x2800  }
0x49: {  	[sflag:s11] =	ssyncset.done $0x0  }
0x4a: {  	[sflag:s11] =	ssyncadd.s32 $0xFFFFD800  }
0x4b: {  	[spmem:s3] =	stream.indirect.scatter.add.f32 [tilespmem:s15], [sflag:$0x4], $0x80, s20, s13, $0xb8;
	[tilespmem:$0x1FB00] =	vst v63  }
0x4c: {  	_ =	swait.ge [sflag:s21], $0x2800  }
0x4d: {  	[sflag:s21] =	ssyncset.done $0x0  }
0x4e: {  	s28 =	simm.s32 $0x240;
	[sflag:s21] =	ssyncadd.s32 $0xFFFFD800  }
0x4f: {  	v48 =	vld [tilespmem:s28+$0xFFFFFF40];
	_ =	sdelay $0x4  }
0x50: {  	v49 =	vand.u32 $0xFFFF, v48  }
0x51: {  	v0 =	vshrl.u32 v48, $0x10;
	[tilespmem:$0x4000] =	vst v49  }
0x52: {  	[tilespmem:$0x4080] =	vst v0  }
0x53: {  	v0 =	vld [tilespmem:s28+$0xFFFFFF50];
	_ =	sdelay $0x4  }
0x54: {  	v50 =	vand.u32 $0xFFFF, v0  }
0x55: {  	v0 =	vshrl.u32 v0, $0x10;
	[tilespmem:$0x4010] =	vst v50  }
0x56: {  	[tilespmem:$0x4090] =	vst v0  }
0x57: {  	v0 =	vld [tilespmem:s28+$0xFFFFFF60];
	_ =	sdelay $0x4  }
0x58: {  	v51 =	vand.u32 $0xFFFF, v0  }
0x59: {  	v0 =	vshrl.u32 v0, $0x10;
	[tilespmem:$0x4020] =	vst v51  }
0x5a: {  	[tilespmem:$0x40A0] =	vst v0  }
0x5b: {  	v0 =	vld [tilespmem:s28+$0xFFFFFF70];
	_ =	sdelay $0x4  }
0x5c: {  	v52 =	vand.u32 $0xFFFF, v0  }
0x5d: {  	v0 =	vshrl.u32 v0, $0x10;
	[tilespmem:$0x4030] =	vst v52  }
0x5e: {  	[tilespmem:$0x40B0] =	vst v0  }
0x5f: {  	v0 =	vld [tilespmem:s28+$0xFFFFFF80];
	_ =	sdelay $0x4  }
0x60: {  	v53 =	vand.u32 $0xFFFF, v0  }
0x61: {  	v0 =	vshrl.u32 v0, $0x10;
	[tilespmem:$0x4040] =	vst v53  }
0x62: {  	[tilespmem:$0x40C0] =	vst v0  }
0x63: {  	[tilespmem:s15], [sflag:$0x1] =	stream.indirect.gather [hbm4b:s0+s13], $0x80, s14, s13, $0xb8;
	[tilespmem:$0x1FB00] =	vst v63  }
0x64: {  	_ =	swait.ge [sflag:s12], $0x2800  }
0x65: {  	[sflag:s12] =	ssyncset.done $0x0  }
0x66: {  	[sflag:s12] =	ssyncadd.s32 $0xFFFFD800  }
0x67: {  	[spmem:s3] =	stream.indirect.scatter.add.f32 [tilespmem:s17], [sflag:$0x4], $0x80, s22, s13, $0xb8;
	[tilespmem:$0x1FB00] =	vst v63  }
0x68: {  	_ =	swait.ge [sflag:s21], $0x2800  }
0x69: {  	[sflag:s21] =	ssyncset.done $0x0  }
0x6a: {  	[sflag:s21] =	ssyncadd.s32 $0xFFFFD800  }
0x6b: {  	v54 =	vld [tilespmem:s28+$0xFFFFFFC0];
	_ =	sdelay $0x4  }
0x6c: {  	v55 =	vand.u32 $0xFFFF, v54  }
0x6d: {  	v0 =	vshrl.u32 v54, $0x10;
	[tilespmem:$0x4100] =	vst v55  }
0x6e: {  	[tilespmem:$0x4180] =	vst v0  }
0x6f: {  	v0 =	vld [tilespmem:s28+$0xFFFFFFD0];
	_ =	sdelay $0x4  }
0x70: {  	v56 =	vand.u32 $0xFFFF, v0  }
0x71: {  	v0 =	vshrl.u32 v0, $0x10;
	[tilespmem:$0x4110] =	vst v56  }
0x72: {  	[tilespmem:$0x4190] =	vst v0  }
0x73: {  	v0 =	vld [tilespmem:s28+$0xFFFFFFE0];
	_ =	sdelay $0x4  }
0x74: {  	v57 =	vand.u32 $0xFFFF, v0  }
0x75: {  	v0 =	vshrl.u32 v0, $0x10;
	[tilespmem:$0x4120] =	vst v57  }
0x76: {  	[tilespmem:$0x41A0] =	vst v0  }
0x77: {  	v0 =	vld [tilespmem:s28+$0xFFFFFFF0];
	_ =	sdelay $0x4  }
0x78: {  	v58 =	vand.u32 $0xFFFF, v0  }
0x79: {  	v0 =	vshrl.u32 v0, $0x10;
	[tilespmem:$0x4130] =	vst v58  }
0x7a: {  	[tilespmem:$0x41B0] =	vst v0  }
0x7b: {  	v0 =	vld [tilespmem:s28+$0x0];
	_ =	sdelay $0x4  }
0x7c: {  	v59 =	vand.u32 $0xFFFF, v0  }
0x7d: {  	v0 =	vshrl.u32 v0, $0x10;
	[tilespmem:$0x4140] =	vst v59  }
0x7e: {  	[tilespmem:$0x41C0] =	vst v0  }
0x7f: {  	[tilespmem:s17], [sflag:$0x2] =	stream.indirect.gather [hbm4b:s0+s13], $0x80, s16, s13, $0xb8;
	[tilespmem:$0x1FB00] =	vst v63  }
0x80: {  	_ =	swait.ge [sflag:s23], $0x2800  }
0x81: {  	[sflag:s23] =	ssyncset.done $0x0  }
0x82: {  	[sflag:s23] =	ssyncadd.s32 $0xFFFFD800  }
0x83: {  	[spmem:s3] =	stream.indirect.scatter.add.f32 [tilespmem:s19], [sflag:$0x4], $0x80, s24, s13, $0xb8;
	[tilespmem:$0x1FB00] =	vst v63  }
0x84: {  	_ =	swait.ge [sflag:s21], $0x2800  }
0x85: {  	s29 =	smin.u32 s4, $0x77;
	[sflag:s21] =	ssyncset.done $0x0  }
0x86: {  	s31 =	sshll.u32 s29, $0x7;
	[sflag:s21] =	ssyncadd.s32 $0xFFFFD800  }
0x87: {  	v60 =	vld [tilespmem:s31+$0x280];
	_ =	sdelay $0x4  }
0x88: {  	v61 =	vand.u32 $0xFFFF, v60  }
0x89: {  	v0 =	vshrl.u32 v60, $0x10;
	[tilespmem:$0x4200] =	vst v61  }
0x8a: {  	[tilespmem:$0x4280] =	vst v0  }
0x8b: {  	v0 =	vld [tilespmem:s31+$0x290];
	_ =	sdelay $0x4  }
0x8c: {  	v62 =	vand.u32 $0xFFFF, v0  }
0x8d: {  	v0 =	vshrl.u32 v0, $0x10;
	[tilespmem:$0x4210] =	vst v62  }
0x8e: {  	[tilespmem:$0x4290] =	vst v0  }
0x8f: {  	v0 =	vld [tilespmem:s31+$0x2A0];
	_ =	sdelay $0x4  }
0x90: {  	v63 =	vand.u32 $0xFFFF, v0  }
0x91: {  	v0 =	vshrl.u32 v0, $0x10;
	[tilespmem:$0x4220] =	vst v63  }
0x92: {  	s29 =	simm.s32 $0x3;
	[tilespmem:$0x42A0] =	vst v0  }
.LBB2_2:
0x93: {  	p0 =	sne.s32 s29, $0x78  }
0x94: {  	v0 =	vld [tilespmem:s31+$0x2B0];
	s28 =	sadd.s32 $0x180, s28;
	s30 =	smov.u32 s29;
	s29 =	sadd.s32 $0x3, s29  }
0x95: {  	_ =	sdelay $0x3  }
0x96: {  	v1 =	vand.u32 $0xFFFF, v0;
	v0 =	vshrl.u32 v0, $0x10  }
0x97: {  	[tilespmem:$0x4230] =	vst v1  }
0x98: {  	[tilespmem:$0x42B0] =	vst v0  }
0x99: {  	v0 =	vld [tilespmem:s31+$0x2C0];
	_ =	sdelay $0x4  }
0x9a: {  	v1 =	vand.u32 $0xFFFF, v0;
	v0 =	vshrl.u32 v0, $0x10  }
0x9b: {  	[tilespmem:$0x4240] =	vst v1  }
0x9c: {  	[tilespmem:$0x42C0] =	vst v0  }
0x9d: {  	[tilespmem:s19], [sflag:$0x3] =	stream.indirect.gather [hbm4b:s0+s13], $0x80, s18, s13, $0xb8;
	[tilespmem:$0x1FB00] =	vst v63  }
0x9e: {  	_ =	swait.ge [sflag:s11], $0x2800  }
0x9f: {  	[sflag:s11] =	ssyncset.done $0x0  }
0xa0: {  	[sflag:s11] =	ssyncadd.s32 $0xFFFFD800  }
0xa1: {  	[spmem:s3] =	stream.indirect.scatter.add.f32 [tilespmem:s15], [sflag:$0x4], $0x80, s20, s13, $0xb8;
	[tilespmem:$0x1FB00] =	vst v63  }
0xa2: {  	_ =	swait.ge [sflag:s21], $0x2800  }
0xa3: {  	[sflag:s21] =	ssyncset.done $0x0  }
0xa4: {  	[sflag:s21] =	ssyncadd.s32 $0xFFFFD800  }
0xa5: {  	v0 =	vld [tilespmem:s28+$0xFFFFFF40];
	_ =	sdelay $0x4  }
0xa6: {  	v1 =	vand.u32 $0xFFFF, v0;
	v0 =	vshrl.u32 v0, $0x10  }
0xa7: {  	[tilespmem:$0x4000] =	vst v1  }
0xa8: {  	[tilespmem:$0x4080] =	vst v0  }
0xa9: {  	v0 =	vld [tilespmem:s28+$0xFFFFFF50];
	_ =	sdelay $0x4  }
0xaa: {  	v1 =	vand.u32 $0xFFFF, v0;
	v0 =	vshrl.u32 v0, $0x10  }
0xab: {  	[tilespmem:$0x4010] =	vst v1  }
0xac: {  	[tilespmem:$0x4090] =	vst v0  }
0xad: {  	v0 =	vld [tilespmem:s28+$0xFFFFFF60];
	_ =	sdelay $0x4  }
0xae: {  	v1 =	vand.u32 $0xFFFF, v0;
	v0 =	vshrl.u32 v0, $0x10  }
0xaf: {  	[tilespmem:$0x4020] =	vst v1  }
0xb0: {  	[tilespmem:$0x40A0] =	vst v0  }
0xb1: {  	v0 =	vld [tilespmem:s28+$0xFFFFFF70];
	_ =	sdelay $0x4  }
0xb2: {  	v1 =	vand.u32 $0xFFFF, v0;
	v0 =	vshrl.u32 v0, $0x10  }
0xb3: {  	[tilespmem:$0x4030] =	vst v1  }
0xb4: {  	[tilespmem:$0x40B0] =	vst v0  }
0xb5: {  	v0 =	vld [tilespmem:s28+$0xFFFFFF80];
	_ =	sdelay $0x4  }
0xb6: {  	v1 =	vand.u32 $0xFFFF, v0;
	v0 =	vshrl.u32 v0, $0x10  }
0xb7: {  	[tilespmem:$0x4040] =	vst v1  }
0xb8: {  	[tilespmem:$0x40C0] =	vst v0  }
0xb9: {  	[tilespmem:s15], [sflag:$0x1] =	stream.indirect.gather [hbm4b:s0+s13], $0x80, s14, s13, $0xb8;
	[tilespmem:$0x1FB00] =	vst v63  }
0xba: {  	_ =	swait.ge [sflag:s12], $0x2800  }
0xbb: {  	[sflag:s12] =	ssyncset.done $0x0  }
0xbc: {  	[sflag:s12] =	ssyncadd.s32 $0xFFFFD800  }
0xbd: {  	[spmem:s3] =	stream.indirect.scatter.add.f32 [tilespmem:s17], [sflag:$0x4], $0x80, s22, s13, $0xb8;
	[tilespmem:$0x1FB00] =	vst v63  }
0xbe: {  	_ =	swait.ge [sflag:s21], $0x2800  }
0xbf: {  	[sflag:s21] =	ssyncset.done $0x0  }
0xc0: {  	[sflag:s21] =	ssyncadd.s32 $0xFFFFD800  }
0xc1: {  	v0 =	vld [tilespmem:s28+$0xFFFFFFC0];
	_ =	sdelay $0x4  }
0xc2: {  	v1 =	vand.u32 $0xFFFF, v0;
	v0 =	vshrl.u32 v0, $0x10  }
0xc3: {  	[tilespmem:$0x4100] =	vst v1  }
0xc4: {  	[tilespmem:$0x4180] =	vst v0  }
0xc5: {  	v0 =	vld [tilespmem:s28+$0xFFFFFFD0];
	_ =	sdelay $0x4  }
0xc6: {  	v1 =	vand.u32 $0xFFFF, v0;
	v0 =	vshrl.u32 v0, $0x10  }
0xc7: {  	[tilespmem:$0x4110] =	vst v1  }
0xc8: {  	[tilespmem:$0x4190] =	vst v0  }
0xc9: {  	v0 =	vld [tilespmem:s28+$0xFFFFFFE0];
	_ =	sdelay $0x4  }
0xca: {  	v1 =	vand.u32 $0xFFFF, v0;
	v0 =	vshrl.u32 v0, $0x10  }
0xcb: {  	[tilespmem:$0x4120] =	vst v1  }
0xcc: {  	[tilespmem:$0x41A0] =	vst v0  }
0xcd: {  	v0 =	vld [tilespmem:s28+$0xFFFFFFF0];
	_ =	sdelay $0x4  }
0xce: {  	v1 =	vand.u32 $0xFFFF, v0;
	v0 =	vshrl.u32 v0, $0x10  }
0xcf: {  	[tilespmem:$0x4130] =	vst v1  }
0xd0: {  	[tilespmem:$0x41B0] =	vst v0  }
0xd1: {  	v0 =	vld [tilespmem:s28+$0x0];
	_ =	sdelay $0x3  }
0xd2: {  	s30 =	smin.u32 s30, $0x77  }
0xd3: {  	s31 =	sshll.u32 s30, $0x7;
	v1 =	vand.u32 $0xFFFF, v0;
	v0 =	vshrl.u32 v0, $0x10  }
0xd4: {  	[tilespmem:$0x4140] =	vst v1  }
0xd5: {  	[tilespmem:$0x41C0] =	vst v0  }
0xd6: {  	[tilespmem:s17], [sflag:$0x2] =	stream.indirect.gather [hbm4b:s0+s13], $0x80, s16, s13, $0xb8;
	[tilespmem:$0x1FB00] =	vst v63  }
0xd7: {  	_ =	swait.ge [sflag:s23], $0x2800  }
0xd8: {  	[sflag:s23] =	ssyncset.done $0x0  }
0xd9: {  	[sflag:s23] =	ssyncadd.s32 $0xFFFFD800  }
0xda: {  	[spmem:s3] =	stream.indirect.scatter.add.f32 [tilespmem:s19], [sflag:$0x4], $0x80, s24, s13, $0xb8;
	[tilespmem:$0x1FB00] =	vst v63  }
0xdb: {  	_ =	swait.ge [sflag:s21], $0x2800  }
0xdc: {  	[sflag:s21] =	ssyncset.done $0x0  }
0xdd: {  	[sflag:s21] =	ssyncadd.s32 $0xFFFFD800  }
0xde: {  	v0 =	vld [tilespmem:s31+$0x280];
	_ =	sdelay $0x4  }
0xdf: {  	v1 =	vand.u32 $0xFFFF, v0;
	v0 =	vshrl.u32 v0, $0x10  }
0xe0: {  	[tilespmem:$0x4200] =	vst v1  }
0xe1: {  	[tilespmem:$0x4280] =	vst v0  }
0xe2: {  	v0 =	vld [tilespmem:s31+$0x290];
	_ =	sdelay $0x4  }
0xe3: {  	v1 =	vand.u32 $0xFFFF, v0;
	v0 =	vshrl.u32 v0, $0x10  }
0xe4: {  	[tilespmem:$0x4210] =	vst v1  }
0xe5: {  	[tilespmem:$0x4290] =	vst v0  }
0xe6: {  	v0 =	vld [tilespmem:s31+$0x2A0];
	_ =	sdelay $0x2  }
.Ltmp0:
0xe7: {  	(pc) =	sbr.rel @p0 .LBB2_2-.Ltmp0, $4  }
0xe8: {  	_ = 	snop  }
0xe9: {  	v1 =	vand.u32 $0xFFFF, v0;
	v0 =	vshrl.u32 v0, $0x10  }
0xea: {  	[tilespmem:$0x4220] =	vst v1  }
0xeb: {  	[tilespmem:$0x42A0] =	vst v0  }
0xec: {  	v0 =	vld [tilespmem:s31+$0x2B0];
	_ =	sdelay $0x4  }
0xed: {  	v1 =	vand.u32 $0xFFFF, v0  }
0xee: {  	v0 =	vshrl.u32 v0, $0x10;
	[tilespmem:$0x4230] =	vst v1  }
0xef: {  	[tilespmem:$0x42B0] =	vst v0  }
0xf0: {  	v0 =	vld [tilespmem:s31+$0x2C0];
	_ =	sdelay $0x4  }
0xf1: {  	v63 =	vand.u32 $0xFFFF, v0  }
0xf2: {  	v0 =	vshrl.u32 v0, $0x10;
	[tilespmem:$0x4240] =	vst v63  }
0xf3: {  	[tilespmem:$0x42C0] =	vst v0  }
0xf4: {  	_ =	swait.ge [sflag:s11], $0x2800  }
0xf5: {  	[sflag:s11] =	ssyncset.done $0x0  }
0xf6: {  	[sflag:s11] =	ssyncadd.s32 $0xFFFFD800  }
0xf7: {  	[spmem:s3] =	stream.indirect.scatter.add.f32 [tilespmem:s15], [sflag:$0x4], $0x80, s20, s13, $0xb8;
	[tilespmem:$0x1FB00] =	vst v63  }
0xf8: {  	_ =	swait.ge [sflag:s21], $0x2800  }
0xf9: {  	[sflag:s21] =	ssyncset.done $0x0  }
0xfa: {  	[sflag:s21] =	ssyncadd.s32 $0xFFFFD800  }
0xfb: {  	_ =	swait.ge [sflag:s12], $0x2800  }
0xfc: {  	[sflag:s12] =	ssyncset.done $0x0  }
0xfd: {  	[sflag:s12] =	ssyncadd.s32 $0xFFFFD800  }
0xfe: {  	[spmem:s3] =	stream.indirect.scatter.add.f32 [tilespmem:s17], [sflag:$0x4], $0x80, s22, s13, $0xb8;
	[tilespmem:$0x1FB00] =	vst v63  }
0xff: {  	_ =	swait.ge [sflag:s21], $0x2800  }
0x100: {  	s26 =	sadd.s32 $0x1, s26;
	[sflag:s21] =	ssyncset.done $0x0  }
0x101: {  	p0 =	sne.s32 s26, s9;
	[sflag:s21] =	ssyncadd.s32 $0xFFFFD800  }
.Ltmp1:
0x102: {  	[bflag:$0x0] =	sbarrier.arrive $0xFFFF;
	(pc) =	sbr.rel @p0 .LBB2_1-.Ltmp1, $4  }
0x103: {  	[hbm:s8], [sflag:s25] =	dma.local [spmem:s10], $0x2800  }
0x104: {  	_ =	swait.ge [sflag:s21], $0x2800  }
0x105: {  	[sflag:s21] =	ssyncset.done $0x0  }
0x106: {  	[sflag:s21] =	ssyncadd.s32 $0xFFFFD800  }
0x107: {  	_ =	sfence.sel $0x180000  }
0x108: {  	[bflag:$0x0] =	sbarrier.arrive $0xFFFF  }
0x109: {  	p0 =	sne.s32 s2, $0x0;
	_ =	strace $0x90000047  }
0x10a: {  	s0 =	sadd.s32 @!p0 $0x100000, s1;
	[bflag:$0x2] =	sbarrier.arrive $0xFFFF  }
0x10b: {  	[sflag:s0] =	ssyncadd.tile.s32 @!p0 $0x1;
	_ =	shalt  }
.Lfunc_end2:
_tile_overlayer_lowered:
.L_overlay_start_2:
0x10c: {  	(tag) =	ssettag $0x2  }
0x10d: {  	s0 =	rddreg [dreg:$0x0];
	s2 =	stileid.u32  }
0x10e: {  	s1 =	rddreg [dreg:$0x1];
	p0 =	sne.s32 s2, $0x0  }
0x10f: {  	s3 =	rddreg [dreg:$0x2];
	[bflag:$0x3] =	sbarrier.arrive $0xFFFF;
	s2 =	simm.s32 @!p0 $0x1C04  }
0x110: {  	[timem:s3], [sflag:s2] =	dma.local @!p0 [hbm:s0], s1  }
0x111: {  	s0 =	simm.s32 @!p0 $0x4  }
0x112: {  	_ =	swait.ge @!p0 [sflag:s0], s1  }
0x113: {  	s1 =	ssub.s32 @!p0 $0x0, s1;
	[sflag:s0] =	ssyncset.done @!p0 $0x0  }
0x114: {  	[sflag:s0] =	ssyncadd.s32 @!p0 s1  }
0x115: {  	[bflag:$0x3] =	sbarrier.arrive $0xFFFF  }
0x116: {  	_ =	shalt  }

</sc_bundles>
